<compile_context>
chip_gen: v7x
topology: tpu7x:2x2x1
jax: 0.10.2.dev20260603
libtpu: 0.0.44.dev20260713+nightly
codegen_flags: <defaults>
</compile_context>

<pallas_src>
import jax
import jax.numpy as jnp
from jax import lax
from jax.experimental import pallas as pl
from jax.experimental.pallas import tpu as pltpu
from jax.experimental.pallas import tpu_sc as plsc

PQ_M = 8
SUB_EMB = 16
VALS_PER_DIM = 256
BATCH = 1024
SEQ_LEN = 200
EMB = PQ_M * SUB_EMB

NC, NS, L = 2, 16, 16
NW = NC * NS
TOTAL = BATCH * SEQ_LEN
PER_W = TOTAL // NW
CHUNK = 128
NCHUNK = PER_W // CHUNK
GROUPS = CHUNK * PQ_M // 128
T_PER_CHUNK = CHUNK // SUB_EMB


def _body(ids_ref, codes0_ref, codes1_ref, cent_ref, out_ref,
          ids_v, codes0_v, codes1_v, flat_v, rows_v, cent_sh, codes_sh,
          sem_cent, sem_ids0, sem_ids1, sem_codes0, sem_codes1,
          sem_rows0, sem_rows1, sem_out0, sem_out1):
    wid = lax.axis_index("s") * NC + lax.axis_index("c")
    sem_ids = (sem_ids0, sem_ids1)
    sem_codes = (sem_codes0, sem_codes1)
    sem_rows = (sem_rows0, sem_rows1)
    sem_out = (sem_out0, sem_out1)

    iota = lax.iota(jnp.int32, L)
    row_pat = iota // PQ_M
    col_pat = lax.rem(iota, PQ_M)
    off_pat = col_pat * VALS_PER_DIM
    lo_mask = col_pat < 4
    shift_pat = lax.rem(iota, 4) * 8

    def t_base(k):
        return wid * (PER_W // SUB_EMB) + k * T_PER_CHUNK

    def fire_ids(k, p):
        pltpu.async_copy(ids_ref.at[pl.ds((wid * NCHUNK + k) * CHUNK, CHUNK)],
                         ids_v.at[p], sem_ids[p])

    def wait_ids(p):
        pltpu.make_async_copy(ids_ref.at[pl.ds(0, CHUNK)], ids_v.at[p],
                              sem_ids[p]).wait()

    def fire_codes(p):
        pltpu.async_copy(codes_sh.at[0].at[ids_v.at[p]], codes0_v.at[p],
                         sem_codes[p])
        pltpu.async_copy(codes_sh.at[1].at[ids_v.at[p]], codes1_v.at[p],
                         sem_codes[p])

    def wait_codes(p):
        pltpu.make_async_copy(codes0_ref.at[pl.ds(0, CHUNK)], codes0_v.at[p],
                              sem_codes[p]).wait()
        pltpu.make_async_copy(codes1_ref.at[pl.ds(0, CHUNK)], codes1_v.at[p],
                              sem_codes[p]).wait()

    def flat_compute(p):
        def idx_body(t, c):
            rows16 = row_pat + 2 * t
            w0 = plsc.load_gather(codes0_v.at[p], [rows16])
            w1 = plsc.load_gather(codes1_v.at[p], [rows16])
            words16 = lax.select(lo_mask, w0, w1)
            codes16 = lax.shift_right_logical(words16, shift_pat) & 255
            g = t // 8
            o = (t - g * 8) * L
            flat_v.at[p].at[g][pl.ds(o, L)] = codes16 + off_pat
            return c

        lax.fori_loop(0, CHUNK * PQ_M // L, idx_body, 0, unroll=8)

    def fire_gathers(p):
        for g in range(GROUPS):
            pltpu.async_copy(cent_sh.at[flat_v.at[p].at[g]],
                             rows_v.at[p].at[g], sem_rows[p])

    def drain_gathers(p):
        pltpu.make_async_copy(out_ref.at[pl.ds(0, T_PER_CHUNK)],
                              rows_v.at[p], sem_rows[p]).wait()

    def fire_out(k, p):
        pltpu.async_copy(rows_v.at[p],
                         out_ref.at[pl.ds(t_base(k), T_PER_CHUNK)],
                         sem_out[p])

    def drain_out(p):
        pltpu.make_async_copy(rows_v.at[p],
                              out_ref.at[pl.ds(0, T_PER_CHUNK)],
                              sem_out[p]).wait()

    @pl.when(lax.axis_index("s") == 0)
    def _():
        pltpu.async_copy(cent_ref, cent_sh, sem_cent)
        pltpu.async_copy(codes0_ref, codes_sh.at[0], sem_cent)
        pltpu.async_copy(codes1_ref, codes_sh.at[1], sem_cent)
        pltpu.make_async_copy(cent_ref, cent_sh, sem_cent).wait()
        pltpu.make_async_copy(codes0_ref, codes_sh.at[0], sem_cent).wait()
        pltpu.make_async_copy(codes1_ref, codes_sh.at[1], sem_cent).wait()
    plsc.subcore_barrier()
    fire_ids(0, 0)
    fire_ids(1, 1)
    wait_ids(0)
    fire_codes(0)

    def pair_body(kk, carry):
        for p in (0, 1):
            k = 2 * kk + p

            wait_codes(p)

            @pl.when(k < NCHUNK - 2)
            def _():
                fire_ids(k + 2, p)

            flat_compute(p)

            @pl.when(k >= 2)
            def _():
                drain_out(p)

            @pl.when(k >= 1)
            def _():
                drain_gathers(1 - p)
                fire_out(k - 1, 1 - p)

            fire_gathers(p)

            @pl.when(k < NCHUNK - 1)
            def _():
                wait_ids(1 - p)
                fire_codes(1 - p)
        return carry

    lax.fori_loop(0, NCHUNK // 2, pair_body, 0)
    drain_gathers(1)
    fire_out(NCHUNK - 1, 1)
    drain_out(0)
    drain_out(1)


@jax.jit
def _sc_call(ids1d, codes0, codes1, cent2d):
    mesh = plsc.VectorSubcoreMesh(core_axis_name="c", subcore_axis_name="s")
    f = pl.kernel(
        _body,
        out_type=jax.ShapeDtypeStruct((TOTAL // SUB_EMB, 128, SUB_EMB),
                                      jnp.float32),
        mesh=mesh,
        scratch_types=[
            pltpu.VMEM((2, CHUNK), jnp.int32),
            pltpu.VMEM((2, CHUNK), jnp.int32),
            pltpu.VMEM((2, CHUNK), jnp.int32),
            pltpu.VMEM((2, GROUPS, 128), jnp.int32),
            pltpu.VMEM((2, GROUPS, 128, SUB_EMB), jnp.float32),
            pltpu.VMEM_SHARED((PQ_M * VALS_PER_DIM, SUB_EMB), jnp.float32),
            pltpu.VMEM_SHARED((2, 100001), jnp.int32),
            pltpu.SemaphoreType.DMA,
            pltpu.SemaphoreType.DMA,
            pltpu.SemaphoreType.DMA,
            pltpu.SemaphoreType.DMA,
            pltpu.SemaphoreType.DMA,
            pltpu.SemaphoreType.DMA,
            pltpu.SemaphoreType.DMA,
            pltpu.SemaphoreType.DMA,
            pltpu.SemaphoreType.DMA,
        ],
        compiler_params=pltpu.CompilerParams(use_tc_tiling_on_sc=False,
                                             needs_layout_passes=False),
    )
    return f(ids1d, codes0, codes1, cent2d)


def kernel(input_ids, item_codes, centroids):
    ids1d = input_ids.reshape(TOTAL)
    cent2d = centroids.reshape(PQ_M * VALS_PER_DIM, SUB_EMB)
    c = item_codes
    w0 = c[:, 0] | (c[:, 1] << 8) | (c[:, 2] << 16) | (c[:, 3] << 24)
    w1 = c[:, 4] | (c[:, 5] << 8) | (c[:, 6] << 16) | (c[:, 7] << 24)
    out3d = _sc_call(ids1d, w0, w1, cent2d)
    return out3d.reshape(BATCH, SEQ_LEN, EMB)

# --- scband reference (transcript-rebuilt; emitter-appended) ---
"""Pipeline reference for scband-item-code-64656437674351 (READ-ONLY COPY).

The authoritative reference and input builder live on the scoring server;
editing this copy changes nothing except your own understanding.
"""

import jax, jax.numpy as jnp
import numpy as np

PQ_M = 8
EMBEDDING_SIZE = 128
NUM_ITEMS = 100000
SEQ_LEN = 200
BATCH = 1024
SUB_EMB = EMBEDDING_SIZE // PQ_M          # 16
ITEM_CODE_BYTES = EMBEDDING_SIZE // SUB_EMB  # 8 (== PQ_M)
VALS_PER_DIM = 256


def setup_inputs(seed: int = 0) -> dict:
    key = jax.random.key(seed)
    k1, k2, k3 = jax.random.split(key, 3)
    input_ids = jax.random.randint(k1, (BATCH, SEQ_LEN), 0, NUM_ITEMS, dtype=jnp.int32)
    # item_codes buffer: in the torch module it is initialized to zeros and later
    # filled by assign_codes(); we materialize realistic assigned codes here.
    item_codes = jax.random.randint(k2, (NUM_ITEMS + 1, ITEM_CODE_BYTES), 0, VALS_PER_DIM, dtype=jnp.int32)
    # learned parameter: centroids [item_code_bytes, 256, sub_embedding_size]
    centroids = jax.random.normal(k3, (ITEM_CODE_BYTES, VALS_PER_DIM, SUB_EMB), dtype=jnp.float32)
    return {"input_ids": input_ids, "item_codes": item_codes, "centroids": centroids}


def reference(input_ids, item_codes, centroids):
    batch_size, sequence_length = input_ids.shape
    # gather per-item PQ codes (detached ints in torch -> plain int gather here)
    input_codes = jnp.take(item_codes, input_ids, axis=0).astype(jnp.int32)  # [B, S, m]
    code_byte_indices = jnp.arange(ITEM_CODE_BYTES, dtype=jnp.int32)[None, None, :]
    code_byte_indices = jnp.broadcast_to(code_byte_indices, (batch_size, sequence_length, ITEM_CODE_BYTES))
    n_sub_embeddings = batch_size * sequence_length * ITEM_CODE_BYTES
    code_byte_indices_reshaped = code_byte_indices.reshape(n_sub_embeddings)
    input_codes_reshaped = input_codes.reshape(n_sub_embeddings)
    indices = jnp.stack([code_byte_indices_reshaped, input_codes_reshaped], axis=-1)
    # 2D gather from codebook: centroids[byte_idx, code]
    input_sub_embeddings_reshaped = centroids[indices[:, 0], indices[:, 1]]  # [n_sub, sub_emb]
    result = input_sub_embeddings_reshaped.reshape(batch_size, sequence_length, ITEM_CODE_BYTES * SUB_EMB)
    return result

if __name__ == "__main__":
    import jax
    _d = setup_inputs()
    print(jax.jit(kernel)(*tuple(_d.values())))

</pallas_src>

<mosaic_0001>
#map = affine_map<(d0, d1) -> (0)>
#map1 = affine_map<(d0, d1) -> (0, 0)>
#map2 = affine_map<(d0, d1) -> (0, 0, 0)>
module attributes {stable_mosaic.version = 14 : i64} {
  func.func @_body(%arg0: i32, %arg1: i32, %arg2: memref<204800xi32, #tpu.memory_space<hbm>>, %arg3: memref<100001xi32, #tpu.memory_space<hbm>>, %arg4: memref<100001xi32, #tpu.memory_space<hbm>>, %arg5: memref<2048x16xf32, #tpu.memory_space<hbm>>, %arg6: memref<12800x128x16xf32, #tpu.memory_space<hbm>>, %arg7: memref<2x128xi32, #tpu.memory_space<vmem>>, %arg8: memref<2x128xi32, #tpu.memory_space<vmem>>, %arg9: memref<2x128xi32, #tpu.memory_space<vmem>>, %arg10: memref<2x8x128xi32, #tpu.memory_space<vmem>>, %arg11: memref<2x8x128x16xf32, #tpu.memory_space<vmem>>, %arg12: memref<2048x16xf32, #tpu.memory_space<vmem_shared>>, %arg13: memref<2x100001xi32, #tpu.memory_space<vmem_shared>>, %arg14: memref<!tpu.dma_semaphore, #tpu.memory_space<semaphore_mem>>, %arg15: memref<!tpu.dma_semaphore, #tpu.memory_space<semaphore_mem>>, %arg16: memref<!tpu.dma_semaphore, #tpu.memory_space<semaphore_mem>>, %arg17: memref<!tpu.dma_semaphore, #tpu.memory_space<semaphore_mem>>, %arg18: memref<!tpu.dma_semaphore, #tpu.memory_space<semaphore_mem>>, %arg19: memref<!tpu.dma_semaphore, #tpu.memory_space<semaphore_mem>>, %arg20: memref<!tpu.dma_semaphore, #tpu.memory_space<semaphore_mem>>, %arg21: memref<!tpu.dma_semaphore, #tpu.memory_space<semaphore_mem>>, %arg22: memref<!tpu.dma_semaphore, #tpu.memory_space<semaphore_mem>>) attributes {dimension_semantics = [#tpu.dimension_semantics<core_parallel>, #tpu.dimension_semantics<subcore_parallel>], iteration_bounds = array<i64: 2, 16>, scalar_prefetch = 0 : i64, scratch_operands = 16 : i64, tpu.core_type = #tpu.core_type<sc_vector_subcore>, window_params = [{transform_indices = #map}, {transform_indices = #map}, {transform_indices = #map}, {transform_indices = #map1}, {transform_indices = #map2}]} {
    %mul3A = arith.constant 2 : i32
    %mul3A_0 = arith.muli %arg1, %mul3A : i32
    %add3A = arith.addi %mul3A_0, %arg0 : i32
    %iota3A = tpu.iota {dimensions = array<i32: 0>} : vector<16xi32>
    %jit3A = arith.constant 8 : i32
    %div3A = vector.broadcast %jit3A : i32 to vector<16xi32>
    %div3A_1 = arith.divsi %iota3A, %div3A : vector<16xi32>
    %sign3A = arith.constant 0 : i32
    %sign3A_2 = vector.broadcast %sign3A : i32 to vector<16xi32>
    %sign3A_3 = arith.cmpi sgt, %iota3A, %sign3A_2 : vector<16xi32>
    %sign3A_4 = arith.extui %sign3A_3 : vector<16xi1> to vector<16xi32>
    %sign3A_5 = arith.constant 0 : i32
    %sign3A_6 = vector.broadcast %sign3A_5 : i32 to vector<16xi32>
    %sign3A_7 = arith.cmpi slt, %iota3A, %sign3A_6 : vector<16xi32>
    %sign3A_8 = arith.extui %sign3A_7 : vector<16xi1> to vector<16xi32>
    %sign3A_9 = arith.subi %sign3A_4, %sign3A_8 : vector<16xi32>
    %sign3A_10 = arith.constant 0 : i32
    %sign3A_11 = arith.cmpi sgt, %jit3A, %sign3A_10 : i32
    %sign3A_12 = arith.extui %sign3A_11 : i1 to i32
    %sign3A_13 = arith.constant 0 : i32
    %sign3A_14 = arith.cmpi slt, %jit3A, %sign3A_13 : i32
    %sign3A_15 = arith.extui %sign3A_14 : i1 to i32
    %sign3A_16 = arith.subi %sign3A_12, %sign3A_15 : i32
    %ne3A = vector.broadcast %sign3A_16 : i32 to vector<16xi32>
    %ne3A_17 = arith.cmpi ne, %sign3A_9, %ne3A : vector<16xi32>
    %rem3A = vector.broadcast %jit3A : i32 to vector<16xi32>
    %rem3A_18 = arith.remsi %iota3A, %rem3A : vector<16xi32>
    %ne3A_19 = arith.constant 0 : i32
    %ne3A_20 = vector.broadcast %ne3A_19 : i32 to vector<16xi32>
    %ne3A_21 = arith.cmpi ne, %rem3A_18, %ne3A_20 : vector<16xi32>
    %and3A = arith.andi %ne3A_17, %ne3A_21 : vector<16xi1>
    %sub3A = arith.constant 1 : i32
    %sub3A_22 = vector.broadcast %sub3A : i32 to vector<16xi32>
    %sub3A_23 = arith.subi %div3A_1, %sub3A_22 : vector<16xi32>
    %select_n3A = arith.select %and3A, %sub3A_23, %div3A_1 : vector<16xi1>, vector<16xi32>
    %rem3A_24 = arith.constant 8 : i32
    %rem3A_25 = vector.broadcast %rem3A_24 : i32 to vector<16xi32>
    %rem3A_26 = arith.remsi %iota3A, %rem3A_25 : vector<16xi32>
    %mul3A_27 = arith.constant 256 : i32
    %mul3A_28 = vector.broadcast %mul3A_27 : i32 to vector<16xi32>
    %mul3A_29 = arith.muli %rem3A_26, %mul3A_28 : vector<16xi32>
    %lt3A = arith.constant 4 : i32
    %lt3A_30 = vector.broadcast %lt3A : i32 to vector<16xi32>
    %lt3A_31 = arith.cmpi slt, %rem3A_26, %lt3A_30 : vector<16xi32>
    %rem3A_32 = arith.constant 4 : i32
    %rem3A_33 = vector.broadcast %rem3A_32 : i32 to vector<16xi32>
    %rem3A_34 = arith.remsi %iota3A, %rem3A_33 : vector<16xi32>
    %mul3A_35 = arith.constant 8 : i32
    %mul3A_36 = vector.broadcast %mul3A_35 : i32 to vector<16xi32>
    %mul3A_37 = arith.muli %rem3A_34, %mul3A_36 : vector<16xi32>
    %eq3A = arith.constant 0 : i32
    %eq3A_38 = arith.cmpi eq, %arg1, %eq3A : i32
    %convert_element_type3A = arith.extui %eq3A_38 : i1 to i32
    %cond3A = arith.constant 0 : i32
    %cond3A_39 = arith.cmpi ne, %convert_element_type3A, %cond3A : i32
    scf.if %cond3A_39 {
      tpu.enqueue_dma source(%arg5 : memref<2048x16xf32, #tpu.memory_space<hbm>>) target(%arg12 : memref<2048x16xf32, #tpu.memory_space<vmem_shared>>) target_semaphore(%arg14 : memref<!tpu.dma_semaphore, #tpu.memory_space<semaphore_mem>>)
      %dma_start3A_190 = arith.constant 0 : i32
      %dma_start3A_191 = arith.constant 0 : i32
      %dma_start3A_192 = tpu.memref_slice %arg13[%dma_start3A_190, %dma_start3A_191] : memref<2x100001xi32, #tpu.memory_space<vmem_shared>> -> memref<1x100001xi32, #tpu.memory_space<vmem_shared>>
      %dma_start3A_193 = tpu.memref_squeeze %dma_start3A_192 : memref<1x100001xi32, #tpu.memory_space<vmem_shared>> -> memref<100001xi32, #tpu.memory_space<vmem_shared>>
      tpu.enqueue_dma source(%arg3 : memref<100001xi32, #tpu.memory_space<hbm>>) target(%dma_start3A_193 : memref<100001xi32, #tpu.memory_space<vmem_shared>>) target_semaphore(%arg14 : memref<!tpu.dma_semaphore, #tpu.memory_space<semaphore_mem>>)
      %dma_start3A_194 = arith.constant 1 : i32
      %dma_start3A_195 = arith.constant 0 : i32
      %dma_start3A_196 = tpu.memref_slice %arg13[%dma_start3A_194, %dma_start3A_195] : memref<2x100001xi32, #tpu.memory_space<vmem_shared>> -> memref<1x100001xi32, #tpu.memory_space<vmem_shared>>
      %dma_start3A_197 = tpu.memref_squeeze %dma_start3A_196 : memref<1x100001xi32, #tpu.memory_space<vmem_shared>> -> memref<100001xi32, #tpu.memory_space<vmem_shared>>
      tpu.enqueue_dma source(%arg4 : memref<100001xi32, #tpu.memory_space<hbm>>) target(%dma_start3A_197 : memref<100001xi32, #tpu.memory_space<vmem_shared>>) target_semaphore(%arg14 : memref<!tpu.dma_semaphore, #tpu.memory_space<semaphore_mem>>)
      tpu.wait_dma2 semaphore(%arg14 : memref<!tpu.dma_semaphore, #tpu.memory_space<semaphore_mem>>) src(%arg5 : memref<2048x16xf32, #tpu.memory_space<hbm>>) dst(%arg12 : memref<2048x16xf32, #tpu.memory_space<vmem_shared>>)
      %dma_wait3A_198 = arith.constant 0 : i32
      %dma_wait3A_199 = arith.constant 0 : i32
      %dma_wait3A_200 = tpu.memref_slice %arg13[%dma_wait3A_198, %dma_wait3A_199] : memref<2x100001xi32, #tpu.memory_space<vmem_shared>> -> memref<1x100001xi32, #tpu.memory_space<vmem_shared>>
      %dma_wait3A_201 = tpu.memref_squeeze %dma_wait3A_200 : memref<1x100001xi32, #tpu.memory_space<vmem_shared>> -> memref<100001xi32, #tpu.memory_space<vmem_shared>>
      tpu.wait_dma2 semaphore(%arg14 : memref<!tpu.dma_semaphore, #tpu.memory_space<semaphore_mem>>) src(%arg3 : memref<100001xi32, #tpu.memory_space<hbm>>) dst(%dma_wait3A_201 : memref<100001xi32, #tpu.memory_space<vmem_shared>>)
      %dma_wait3A_202 = arith.constant 1 : i32
      %dma_wait3A_203 = arith.constant 0 : i32
      %dma_wait3A_204 = tpu.memref_slice %arg13[%dma_wait3A_202, %dma_wait3A_203] : memref<2x100001xi32, #tpu.memory_space<vmem_shared>> -> memref<1x100001xi32, #tpu.memory_space<vmem_shared>>
      %dma_wait3A_205 = tpu.memref_squeeze %dma_wait3A_204 : memref<1x100001xi32, #tpu.memory_space<vmem_shared>> -> memref<100001xi32, #tpu.memory_space<vmem_shared>>
      tpu.wait_dma2 semaphore(%arg14 : memref<!tpu.dma_semaphore, #tpu.memory_space<semaphore_mem>>) src(%arg4 : memref<100001xi32, #tpu.memory_space<hbm>>) dst(%dma_wait3A_205 : memref<100001xi32, #tpu.memory_space<vmem_shared>>)
    } else {
    }
    %barrier3A = arith.constant 0 : index
    tpu.barrier barrier_id(%barrier3A)
    %mul3A_40 = arith.constant 50 : i32
    %mul3A_41 = arith.muli %add3A, %mul3A_40 : i32
    %add3A_42 = arith.constant 0 : i32
    %add3A_43 = arith.addi %mul3A_41, %add3A_42 : i32
    %mul3A_44 = arith.constant 128 : i32
    %mul3A_45 = arith.muli %add3A_43, %mul3A_44 : i32
    %dma_start3A = arith.constant 0 : i32
    %dma_start3A_46 = arith.constant 0 : i32
    %dma_start3A_47 = tpu.memref_slice %arg7[%dma_start3A, %dma_start3A_46] : memref<2x128xi32, #tpu.memory_space<vmem>> -> memref<1x128xi32, #tpu.memory_space<vmem>>
    %dma_start3A_48 = tpu.memref_squeeze %dma_start3A_47 : memref<1x128xi32, #tpu.memory_space<vmem>> -> memref<128xi32, #tpu.memory_space<vmem>>
    %dma_start3A_49 = tpu.memref_slice %arg2[%mul3A_45] : memref<204800xi32, #tpu.memory_space<hbm>> -> memref<128xi32, #tpu.memory_space<hbm>>
    %dma_start3A_50 = arith.constant 0 : i32
    %dma_start3A_51 = tpu.memref_slice %arg7[%dma_start3A, %dma_start3A_50] : memref<2x128xi32, #tpu.memory_space<vmem>> -> memref<1x128xi32, #tpu.memory_space<vmem>>
    %dma_start3A_52 = tpu.memref_squeeze %dma_start3A_51 : memref<1x128xi32, #tpu.memory_space<vmem>> -> memref<128xi32, #tpu.memory_space<vmem>>
    %dma_start3A_53 = tpu.memref_slice %arg2[%mul3A_45] : memref<204800xi32, #tpu.memory_space<hbm>> -> memref<128xi32, #tpu.memory_space<hbm>>
    tpu.enqueue_dma source(%dma_start3A_53 : memref<128xi32, #tpu.memory_space<hbm>>) target(%dma_start3A_52 : memref<128xi32, #tpu.memory_space<vmem>>) target_semaphore(%arg15 : memref<!tpu.dma_semaphore, #tpu.memory_space<semaphore_mem>>)
    %mul3A_54 = arith.constant 50 : i32
    %mul3A_55 = arith.muli %add3A, %mul3A_54 : i32
    %add3A_56 = arith.constant 1 : i32
    %add3A_57 = arith.addi %mul3A_55, %add3A_56 : i32
    %mul3A_58 = arith.constant 128 : i32
    %mul3A_59 = arith.muli %add3A_57, %mul3A_58 : i32
    %dma_start3A_60 = arith.constant 1 : i32
    %dma_start3A_61 = arith.constant 0 : i32
    %dma_start3A_62 = tpu.memref_slice %arg7[%dma_start3A_60, %dma_start3A_61] : memref<2x128xi32, #tpu.memory_space<vmem>> -> memref<1x128xi32, #tpu.memory_space<vmem>>
    %dma_start3A_63 = tpu.memref_squeeze %dma_start3A_62 : memref<1x128xi32, #tpu.memory_space<vmem>> -> memref<128xi32, #tpu.memory_space<vmem>>
    %dma_start3A_64 = tpu.memref_slice %arg2[%mul3A_59] : memref<204800xi32, #tpu.memory_space<hbm>> -> memref<128xi32, #tpu.memory_space<hbm>>
    %dma_start3A_65 = arith.constant 0 : i32
    %dma_start3A_66 = tpu.memref_slice %arg7[%dma_start3A_60, %dma_start3A_65] : memref<2x128xi32, #tpu.memory_space<vmem>> -> memref<1x128xi32, #tpu.memory_space<vmem>>
    %dma_start3A_67 = tpu.memref_squeeze %dma_start3A_66 : memref<1x128xi32, #tpu.memory_space<vmem>> -> memref<128xi32, #tpu.memory_space<vmem>>
    %dma_start3A_68 = tpu.memref_slice %arg2[%mul3A_59] : memref<204800xi32, #tpu.memory_space<hbm>> -> memref<128xi32, #tpu.memory_space<hbm>>
    tpu.enqueue_dma source(%dma_start3A_68 : memref<128xi32, #tpu.memory_space<hbm>>) target(%dma_start3A_67 : memref<128xi32, #tpu.memory_space<vmem>>) target_semaphore(%arg16 : memref<!tpu.dma_semaphore, #tpu.memory_space<semaphore_mem>>)
    %dma_wait3A = arith.constant 0 : i32
    %dma_wait3A_69 = arith.constant 0 : i32
    %dma_wait3A_70 = tpu.memref_slice %arg7[%dma_wait3A, %dma_wait3A_69] : memref<2x128xi32, #tpu.memory_space<vmem>> -> memref<1x128xi32, #tpu.memory_space<vmem>>
    %dma_wait3A_71 = tpu.memref_squeeze %dma_wait3A_70 : memref<1x128xi32, #tpu.memory_space<vmem>> -> memref<128xi32, #tpu.memory_space<vmem>>
    %dma_wait3A_72 = arith.constant 0 : i32
    %dma_wait3A_73 = tpu.memref_slice %arg2[%dma_wait3A_72] : memref<204800xi32, #tpu.memory_space<hbm>> -> memref<128xi32, #tpu.memory_space<hbm>>
    %dma_wait3A_74 = arith.constant 0 : i32
    %dma_wait3A_75 = tpu.memref_slice %arg7[%dma_wait3A, %dma_wait3A_74] : memref<2x128xi32, #tpu.memory_space<vmem>> -> memref<1x128xi32, #tpu.memory_space<vmem>>
    %dma_wait3A_76 = tpu.memref_squeeze %dma_wait3A_75 : memref<1x128xi32, #tpu.memory_space<vmem>> -> memref<128xi32, #tpu.memory_space<vmem>>
    %dma_wait3A_77 = arith.constant 0 : i32
    %dma_wait3A_78 = tpu.memref_slice %arg2[%dma_wait3A_77] : memref<204800xi32, #tpu.memory_space<hbm>> -> memref<128xi32, #tpu.memory_space<hbm>>
    tpu.wait_dma2 semaphore(%arg15 : memref<!tpu.dma_semaphore, #tpu.memory_space<semaphore_mem>>) src(%dma_wait3A_78 : memref<128xi32, #tpu.memory_space<hbm>>) dst(%dma_wait3A_76 : memref<128xi32, #tpu.memory_space<vmem>>)
    %dma_start3A_79 = arith.constant 0 : i32
    %dma_start3A_80 = arith.constant 0 : i32
    %dma_start3A_81 = arith.constant 0 : i32
    %dma_start3A_82 = arith.constant 0 : i32
    %dma_start3A_83 = tpu.memref_slice %arg8[%dma_start3A_81, %dma_start3A_82] : memref<2x128xi32, #tpu.memory_space<vmem>> -> memref<1x128xi32, #tpu.memory_space<vmem>>
    %dma_start3A_84 = tpu.memref_squeeze %dma_start3A_83 : memref<1x128xi32, #tpu.memory_space<vmem>> -> memref<128xi32, #tpu.memory_space<vmem>>
    %dma_start3A_85 = arith.constant 0 : i32
    %dma_start3A_86 = tpu.memref_slice %arg7[%dma_start3A_80, %dma_start3A_85] : memref<2x128xi32, #tpu.memory_space<vmem>> -> memref<1x128xi32, #tpu.memory_space<vmem>>
    %dma_start3A_87 = tpu.memref_squeeze %dma_start3A_86 : memref<1x128xi32, #tpu.memory_space<vmem>> -> memref<128xi32, #tpu.memory_space<vmem>>
    %dma_start3A_88 = arith.constant 0 : i32
    %dma_start3A_89 = tpu.memref_slice %arg13[%dma_start3A_79, %dma_start3A_88] : memref<2x100001xi32, #tpu.memory_space<vmem_shared>> -> memref<1x100001xi32, #tpu.memory_space<vmem_shared>>
    %dma_start3A_90 = tpu.memref_squeeze %dma_start3A_89 : memref<1x100001xi32, #tpu.memory_space<vmem_shared>> -> memref<100001xi32, #tpu.memory_space<vmem_shared>>
    %dma_start3A_91 = arith.constant 0 : i32
    %dma_start3A_92 = tpu.memref_slice %dma_start3A_90[%dma_start3A_91] : memref<100001xi32, #tpu.memory_space<vmem_shared>> -> memref<100001xi32, #tpu.memory_space<vmem_shared>>
    tpu.enqueue_indirect_dma source(%dma_start3A_92 : memref<100001xi32, #tpu.memory_space<vmem_shared>>) target(%dma_start3A_84 : memref<128xi32, #tpu.memory_space<vmem>>) offsets(%dma_start3A_87 : memref<128xi32, #tpu.memory_space<vmem>>) semaphore(%arg17 : memref<!tpu.dma_semaphore, #tpu.memory_space<semaphore_mem>>)
    %dma_start3A_93 = arith.constant 1 : i32
    %dma_start3A_94 = arith.constant 0 : i32
    %dma_start3A_95 = arith.constant 0 : i32
    %dma_start3A_96 = arith.constant 0 : i32
    %dma_start3A_97 = tpu.memref_slice %arg9[%dma_start3A_95, %dma_start3A_96] : memref<2x128xi32, #tpu.memory_space<vmem>> -> memref<1x128xi32, #tpu.memory_space<vmem>>
    %dma_start3A_98 = tpu.memref_squeeze %dma_start3A_97 : memref<1x128xi32, #tpu.memory_space<vmem>> -> memref<128xi32, #tpu.memory_space<vmem>>
    %dma_start3A_99 = arith.constant 0 : i32
    %dma_start3A_100 = tpu.memref_slice %arg7[%dma_start3A_94, %dma_start3A_99] : memref<2x128xi32, #tpu.memory_space<vmem>> -> memref<1x128xi32, #tpu.memory_space<vmem>>
    %dma_start3A_101 = tpu.memref_squeeze %dma_start3A_100 : memref<1x128xi32, #tpu.memory_space<vmem>> -> memref<128xi32, #tpu.memory_space<vmem>>
    %dma_start3A_102 = arith.constant 0 : i32
    %dma_start3A_103 = tpu.memref_slice %arg13[%dma_start3A_93, %dma_start3A_102] : memref<2x100001xi32, #tpu.memory_space<vmem_shared>> -> memref<1x100001xi32, #tpu.memory_space<vmem_shared>>
    %dma_start3A_104 = tpu.memref_squeeze %dma_start3A_103 : memref<1x100001xi32, #tpu.memory_space<vmem_shared>> -> memref<100001xi32, #tpu.memory_space<vmem_shared>>
    %dma_start3A_105 = arith.constant 0 : i32
    %dma_start3A_106 = tpu.memref_slice %dma_start3A_104[%dma_start3A_105] : memref<100001xi32, #tpu.memory_space<vmem_shared>> -> memref<100001xi32, #tpu.memory_space<vmem_shared>>
    tpu.enqueue_indirect_dma source(%dma_start3A_106 : memref<100001xi32, #tpu.memory_space<vmem_shared>>) target(%dma_start3A_98 : memref<128xi32, #tpu.memory_space<vmem>>) offsets(%dma_start3A_101 : memref<128xi32, #tpu.memory_space<vmem>>) semaphore(%arg17 : memref<!tpu.dma_semaphore, #tpu.memory_space<semaphore_mem>>)
    %scan3A = arith.constant 0 : i32
    %scan3A_107 = arith.constant 0 : i32
    %scan3A_108 = arith.constant 25 : i32
    %scan3A_109 = arith.addi %scan3A_107, %scan3A_108 : i32
    %scan3A_110 = arith.constant 1 : i32
    scf.for %scan3A_190 = %scan3A_107 to %scan3A_109 step %scan3A_110  : i32 {
      %mul3A_191 = arith.constant 2 : i32
      %mul3A_192 = arith.muli %mul3A_191, %scan3A_190 : i32
      %add3A_193 = arith.constant 0 : i32
      %add3A_194 = arith.addi %mul3A_192, %add3A_193 : i32
      %dma_wait3A_195 = arith.constant 0 : i32
      %dma_wait3A_196 = arith.constant 0 : i32
      %dma_wait3A_197 = tpu.memref_slice %arg8[%dma_wait3A_195, %dma_wait3A_196] : memref<2x128xi32, #tpu.memory_space<vmem>> -> memref<1x128xi32, #tpu.memory_space<vmem>>
      %dma_wait3A_198 = tpu.memref_squeeze %dma_wait3A_197 : memref<1x128xi32, #tpu.memory_space<vmem>> -> memref<128xi32, #tpu.memory_space<vmem>>
      %dma_wait3A_199 = arith.constant 0 : i32
      %dma_wait3A_200 = tpu.memref_slice %arg3[%dma_wait3A_199] : memref<100001xi32, #tpu.memory_space<hbm>> -> memref<128xi32, #tpu.memory_space<hbm>>
      %dma_wait3A_201 = arith.constant 0 : i32
      %dma_wait3A_202 = tpu.memref_slice %arg8[%dma_wait3A_195, %dma_wait3A_201] : memref<2x128xi32, #tpu.memory_space<vmem>> -> memref<1x128xi32, #tpu.memory_space<vmem>>
      %dma_wait3A_203 = tpu.memref_squeeze %dma_wait3A_202 : memref<1x128xi32, #tpu.memory_space<vmem>> -> memref<128xi32, #tpu.memory_space<vmem>>
      %dma_wait3A_204 = arith.constant 0 : i32
      %dma_wait3A_205 = tpu.memref_slice %arg3[%dma_wait3A_204] : memref<100001xi32, #tpu.memory_space<hbm>> -> memref<128xi32, #tpu.memory_space<hbm>>
      tpu.wait_dma2 semaphore(%arg17 : memref<!tpu.dma_semaphore, #tpu.memory_space<semaphore_mem>>) src(%dma_wait3A_205 : memref<128xi32, #tpu.memory_space<hbm>>) dst(%dma_wait3A_203 : memref<128xi32, #tpu.memory_space<vmem>>)
      %dma_wait3A_206 = arith.constant 0 : i32
      %dma_wait3A_207 = arith.constant 0 : i32
      %dma_wait3A_208 = tpu.memref_slice %arg9[%dma_wait3A_206, %dma_wait3A_207] : memref<2x128xi32, #tpu.memory_space<vmem>> -> memref<1x128xi32, #tpu.memory_space<vmem>>
      %dma_wait3A_209 = tpu.memref_squeeze %dma_wait3A_208 : memref<1x128xi32, #tpu.memory_space<vmem>> -> memref<128xi32, #tpu.memory_space<vmem>>
      %dma_wait3A_210 = arith.constant 0 : i32
      %dma_wait3A_211 = tpu.memref_slice %arg4[%dma_wait3A_210] : memref<100001xi32, #tpu.memory_space<hbm>> -> memref<128xi32, #tpu.memory_space<hbm>>
      %dma_wait3A_212 = arith.constant 0 : i32
      %dma_wait3A_213 = tpu.memref_slice %arg9[%dma_wait3A_206, %dma_wait3A_212] : memref<2x128xi32, #tpu.memory_space<vmem>> -> memref<1x128xi32, #tpu.memory_space<vmem>>
      %dma_wait3A_214 = tpu.memref_squeeze %dma_wait3A_213 : memref<1x128xi32, #tpu.memory_space<vmem>> -> memref<128xi32, #tpu.memory_space<vmem>>
      %dma_wait3A_215 = arith.constant 0 : i32
      %dma_wait3A_216 = tpu.memref_slice %arg4[%dma_wait3A_215] : memref<100001xi32, #tpu.memory_space<hbm>> -> memref<128xi32, #tpu.memory_space<hbm>>
      tpu.wait_dma2 semaphore(%arg17 : memref<!tpu.dma_semaphore, #tpu.memory_space<semaphore_mem>>) src(%dma_wait3A_216 : memref<128xi32, #tpu.memory_space<hbm>>) dst(%dma_wait3A_214 : memref<128xi32, #tpu.memory_space<vmem>>)
      %lt3A_217 = arith.constant 48 : i32
      %lt3A_218 = arith.cmpi slt, %add3A_194, %lt3A_217 : i32
      %convert_element_type3A_219 = arith.extui %lt3A_218 : i1 to i32
      %cond3A_220 = arith.constant 0 : i32
      %cond3A_221 = arith.cmpi ne, %convert_element_type3A_219, %cond3A_220 : i32
      scf.if %cond3A_221 {
        %add3A_662 = arith.constant 2 : i32
        %add3A_663 = arith.addi %add3A_194, %add3A_662 : i32
        %mul3A_664 = arith.constant 50 : i32
        %mul3A_665 = arith.muli %add3A, %mul3A_664 : i32
        %add3A_666 = arith.addi %mul3A_665, %add3A_663 : i32
        %mul3A_667 = arith.constant 128 : i32
        %mul3A_668 = arith.muli %add3A_666, %mul3A_667 : i32
        %dma_start3A_669 = arith.constant 0 : i32
        %dma_start3A_670 = arith.constant 0 : i32
        %dma_start3A_671 = tpu.memref_slice %arg7[%dma_start3A_669, %dma_start3A_670] : memref<2x128xi32, #tpu.memory_space<vmem>> -> memref<1x128xi32, #tpu.memory_space<vmem>>
        %dma_start3A_672 = tpu.memref_squeeze %dma_start3A_671 : memref<1x128xi32, #tpu.memory_space<vmem>> -> memref<128xi32, #tpu.memory_space<vmem>>
        %dma_start3A_673 = tpu.memref_slice %arg2[%mul3A_668] : memref<204800xi32, #tpu.memory_space<hbm>> -> memref<128xi32, #tpu.memory_space<hbm>>
        %dma_start3A_674 = arith.constant 0 : i32
        %dma_start3A_675 = tpu.memref_slice %arg7[%dma_start3A_669, %dma_start3A_674] : memref<2x128xi32, #tpu.memory_space<vmem>> -> memref<1x128xi32, #tpu.memory_space<vmem>>
        %dma_start3A_676 = tpu.memref_squeeze %dma_start3A_675 : memref<1x128xi32, #tpu.memory_space<vmem>> -> memref<128xi32, #tpu.memory_space<vmem>>
        %dma_start3A_677 = tpu.memref_slice %arg2[%mul3A_668] : memref<204800xi32, #tpu.memory_space<hbm>> -> memref<128xi32, #tpu.memory_space<hbm>>
        tpu.enqueue_dma source(%dma_start3A_677 : memref<128xi32, #tpu.memory_space<hbm>>) target(%dma_start3A_676 : memref<128xi32, #tpu.memory_space<vmem>>) target_semaphore(%arg15 : memref<!tpu.dma_semaphore, #tpu.memory_space<semaphore_mem>>)
      } else {
      }
      %scan3A_222 = arith.constant 0 : i32
      %scan3A_223 = arith.constant 0 : i32
      %scan3A_224 = arith.constant 64 : i32
      %scan3A_225 = arith.addi %scan3A_223, %scan3A_224 : i32
      %scan3A_226 = arith.constant 8 : i32
      scf.for %scan3A_662 = %scan3A_223 to %scan3A_225 step %scan3A_226  : i32 {
        %mul3A_663 = arith.constant 2 : i32
        %mul3A_664 = arith.muli %mul3A_663, %scan3A_662 : i32
        %add3A_665 = vector.broadcast %mul3A_664 : i32 to vector<16xi32>
        %add3A_666 = arith.addi %select_n3A, %add3A_665 : vector<16xi32>
        %gather3A = arith.constant 0 : i32
        %gather3A_667 = arith.constant 0 : i32
        %gather3A_668 = tpu.memref_slice %arg8[%gather3A, %gather3A_667] : memref<2x128xi32, #tpu.memory_space<vmem>> -> memref<1x128xi32, #tpu.memory_space<vmem>>
        %gather3A_669 = tpu.memref_squeeze %gather3A_668 : memref<1x128xi32, #tpu.memory_space<vmem>> -> memref<128xi32, #tpu.memory_space<vmem>>
        %gather3A_670 = tpu.vector_load_idx %gather3A_669[%add3A_666] : memref<128xi32, #tpu.memory_space<vmem>>[vector<16xi32>], vector<16xi32>,
        %gather3A_671 = arith.constant 0 : i32
        %gather3A_672 = arith.constant 0 : i32
        %gather3A_673 = tpu.memref_slice %arg9[%gather3A_671, %gather3A_672] : memref<2x128xi32, #tpu.memory_space<vmem>> -> memref<1x128xi32, #tpu.memory_space<vmem>>
        %gather3A_674 = tpu.memref_squeeze %gather3A_673 : memref<1x128xi32, #tpu.memory_space<vmem>> -> memref<128xi32, #tpu.memory_space<vmem>>
        %gather3A_675 = tpu.vector_load_idx %gather3A_674[%add3A_666] : memref<128xi32, #tpu.memory_space<vmem>>[vector<16xi32>], vector<16xi32>,
        %select_n3A_676 = arith.select %lt3A_31, %gather3A_670, %gather3A_675 : vector<16xi1>, vector<16xi32>
        %shift_right_logical3A = arith.shrui %select_n3A_676, %mul3A_37 : vector<16xi32>
        %and3A_677 = arith.constant 255 : i32
        %and3A_678 = vector.broadcast %and3A_677 : i32 to vector<16xi32>
        %and3A_679 = arith.andi %shift_right_logical3A, %and3A_678 : vector<16xi32>
        %jit3A_680 = arith.constant 8 : i32
        %div3A_681 = arith.divsi %scan3A_662, %jit3A_680 : i32
        %sign3A_682 = arith.constant 0 : i32
        %sign3A_683 = arith.cmpi sgt, %scan3A_662, %sign3A_682 : i32
        %sign3A_684 = arith.extui %sign3A_683 : i1 to i32
        %sign3A_685 = arith.constant 0 : i32
        %sign3A_686 = arith.cmpi slt, %scan3A_662, %sign3A_685 : i32
        %sign3A_687 = arith.extui %sign3A_686 : i1 to i32
        %sign3A_688 = arith.subi %sign3A_684, %sign3A_687 : i32
        %sign3A_689 = arith.constant 0 : i32
        %sign3A_690 = arith.cmpi sgt, %jit3A_680, %sign3A_689 : i32
        %sign3A_691 = arith.extui %sign3A_690 : i1 to i32
        %sign3A_692 = arith.constant 0 : i32
        %sign3A_693 = arith.cmpi slt, %jit3A_680, %sign3A_692 : i32
        %sign3A_694 = arith.extui %sign3A_693 : i1 to i32
        %sign3A_695 = arith.subi %sign3A_691, %sign3A_694 : i32
        %ne3A_696 = arith.cmpi ne, %sign3A_688, %sign3A_695 : i32
        %rem3A_697 = arith.remsi %scan3A_662, %jit3A_680 : i32
        %ne3A_698 = arith.constant 0 : i32
        %ne3A_699 = arith.cmpi ne, %rem3A_697, %ne3A_698 : i32
        %and3A_700 = arith.andi %ne3A_696, %ne3A_699 : i1
        %sub3A_701 = arith.constant 1 : i32
        %sub3A_702 = arith.subi %div3A_681, %sub3A_701 : i32
        %select_n3A_703 = arith.select %and3A_700, %sub3A_702, %div3A_681 : i32
        %mul3A_704 = arith.constant 8 : i32
        %mul3A_705 = arith.muli %select_n3A_703, %mul3A_704 : i32
        %sub3A_706 = arith.subi %scan3A_662, %mul3A_705 : i32
        %mul3A_707 = arith.constant 16 : i32
        %mul3A_708 = arith.muli %sub3A_706, %mul3A_707 : i32
        %add3A_709 = arith.addi %and3A_679, %mul3A_29 : vector<16xi32>
        %swap3A = arith.constant 0 : i32
        %swap3A_710 = arith.constant 0 : i32
        %swap3A_711 = arith.constant 0 : i32
        %swap3A_712 = tpu.memref_slice %arg10[%swap3A, %swap3A_710, %swap3A_711] : memref<2x8x128xi32, #tpu.memory_space<vmem>> -> memref<1x8x128xi32, #tpu.memory_space<vmem>>
        %swap3A_713 = tpu.memref_squeeze %swap3A_712 : memref<1x8x128xi32, #tpu.memory_space<vmem>> -> memref<8x128xi32, #tpu.memory_space<vmem>>
        %swap3A_714 = arith.constant 0 : i32
        %swap3A_715 = tpu.memref_slice %swap3A_713[%select_n3A_703, %swap3A_714] : memref<8x128xi32, #tpu.memory_space<vmem>> -> memref<1x128xi32, #tpu.memory_space<vmem>>
        %swap3A_716 = tpu.memref_squeeze %swap3A_715 : memref<1x128xi32, #tpu.memory_space<vmem>> -> memref<128xi32, #tpu.memory_space<vmem>>
        %swap3A_717 = arith.index_cast %mul3A_708 : i32 to index
        %swap3A_718 = tpu.vector_load %swap3A_716[%swap3A_717] {strides = array<i32>} : memref<128xi32, #tpu.memory_space<vmem>>, vector<16xi32>,
        tpu.vector_store %swap3A_716[%swap3A_717], %add3A_709 {strides = array<i32>} : memref<128xi32, #tpu.memory_space<vmem>>, vector<16xi32>,
        %scan3A_719 = arith.constant 1 : i32
        %scan3A_720 = arith.addi %scan3A_662, %scan3A_719 : i32
        %mul3A_721 = arith.constant 2 : i32
        %mul3A_722 = arith.muli %mul3A_721, %scan3A_720 : i32
        %add3A_723 = vector.broadcast %mul3A_722 : i32 to vector<16xi32>
        %add3A_724 = arith.addi %select_n3A, %add3A_723 : vector<16xi32>
        %gather3A_725 = arith.constant 0 : i32
        %gather3A_726 = arith.constant 0 : i32
        %gather3A_727 = tpu.memref_slice %arg8[%gather3A_725, %gather3A_726] : memref<2x128xi32, #tpu.memory_space<vmem>> -> memref<1x128xi32, #tpu.memory_space<vmem>>
        %gather3A_728 = tpu.memref_squeeze %gather3A_727 : memref<1x128xi32, #tpu.memory_space<vmem>> -> memref<128xi32, #tpu.memory_space<vmem>>
        %gather3A_729 = tpu.vector_load_idx %gather3A_728[%add3A_724] : memref<128xi32, #tpu.memory_space<vmem>>[vector<16xi32>], vector<16xi32>,
        %gather3A_730 = arith.constant 0 : i32
        %gather3A_731 = arith.constant 0 : i32
        %gather3A_732 = tpu.memref_slice %arg9[%gather3A_730, %gather3A_731] : memref<2x128xi32, #tpu.memory_space<vmem>> -> memref<1x128xi32, #tpu.memory_space<vmem>>
        %gather3A_733 = tpu.memref_squeeze %gather3A_732 : memref<1x128xi32, #tpu.memory_space<vmem>> -> memref<128xi32, #tpu.memory_space<vmem>>
        %gather3A_734 = tpu.vector_load_idx %gather3A_733[%add3A_724] : memref<128xi32, #tpu.memory_space<vmem>>[vector<16xi32>], vector<16xi32>,
        %select_n3A_735 = arith.select %lt3A_31, %gather3A_729, %gather3A_734 : vector<16xi1>, vector<16xi32>
        %shift_right_logical3A_736 = arith.shrui %select_n3A_735, %mul3A_37 : vector<16xi32>
        %and3A_737 = arith.constant 255 : i32
        %and3A_738 = vector.broadcast %and3A_737 : i32 to vector<16xi32>
        %and3A_739 = arith.andi %shift_right_logical3A_736, %and3A_738 : vector<16xi32>
        %jit3A_740 = arith.constant 8 : i32
        %div3A_741 = arith.divsi %scan3A_720, %jit3A_740 : i32
        %sign3A_742 = arith.constant 0 : i32
        %sign3A_743 = arith.cmpi sgt, %scan3A_720, %sign3A_742 : i32
        %sign3A_744 = arith.extui %sign3A_743 : i1 to i32
        %sign3A_745 = arith.constant 0 : i32
        %sign3A_746 = arith.cmpi slt, %scan3A_720, %sign3A_745 : i32
        %sign3A_747 = arith.extui %sign3A_746 : i1 to i32
        %sign3A_748 = arith.subi %sign3A_744, %sign3A_747 : i32
        %sign3A_749 = arith.constant 0 : i32
        %sign3A_750 = arith.cmpi sgt, %jit3A_740, %sign3A_749 : i32
        %sign3A_751 = arith.extui %sign3A_750 : i1 to i32
        %sign3A_752 = arith.constant 0 : i32
        %sign3A_753 = arith.cmpi slt, %jit3A_740, %sign3A_752 : i32
        %sign3A_754 = arith.extui %sign3A_753 : i1 to i32
        %sign3A_755 = arith.subi %sign3A_751, %sign3A_754 : i32
        %ne3A_756 = arith.cmpi ne, %sign3A_748, %sign3A_755 : i32
        %rem3A_757 = arith.remsi %scan3A_720, %jit3A_740 : i32
        %ne3A_758 = arith.constant 0 : i32
        %ne3A_759 = arith.cmpi ne, %rem3A_757, %ne3A_758 : i32
        %and3A_760 = arith.andi %ne3A_756, %ne3A_759 : i1
        %sub3A_761 = arith.constant 1 : i32
        %sub3A_762 = arith.subi %div3A_741, %sub3A_761 : i32
        %select_n3A_763 = arith.select %and3A_760, %sub3A_762, %div3A_741 : i32
        %mul3A_764 = arith.constant 8 : i32
        %mul3A_765 = arith.muli %select_n3A_763, %mul3A_764 : i32
        %sub3A_766 = arith.subi %scan3A_720, %mul3A_765 : i32
        %mul3A_767 = arith.constant 16 : i32
        %mul3A_768 = arith.muli %sub3A_766, %mul3A_767 : i32
        %add3A_769 = arith.addi %and3A_739, %mul3A_29 : vector<16xi32>
        %swap3A_770 = arith.constant 0 : i32
        %swap3A_771 = arith.constant 0 : i32
        %swap3A_772 = arith.constant 0 : i32
        %swap3A_773 = tpu.memref_slice %arg10[%swap3A_770, %swap3A_771, %swap3A_772] : memref<2x8x128xi32, #tpu.memory_space<vmem>> -> memref<1x8x128xi32, #tpu.memory_space<vmem>>
        %swap3A_774 = tpu.memref_squeeze %swap3A_773 : memref<1x8x128xi32, #tpu.memory_space<vmem>> -> memref<8x128xi32, #tpu.memory_space<vmem>>
        %swap3A_775 = arith.constant 0 : i32
        %swap3A_776 = tpu.memref_slice %swap3A_774[%select_n3A_763, %swap3A_775] : memref<8x128xi32, #tpu.memory_space<vmem>> -> memref<1x128xi32, #tpu.memory_space<vmem>>
        %swap3A_777 = tpu.memref_squeeze %swap3A_776 : memref<1x128xi32, #tpu.memory_space<vmem>> -> memref<128xi32, #tpu.memory_space<vmem>>
        %swap3A_778 = arith.index_cast %mul3A_768 : i32 to index
        %swap3A_779 = tpu.vector_load %swap3A_777[%swap3A_778] {strides = array<i32>} : memref<128xi32, #tpu.memory_space<vmem>>, vector<16xi32>,
        tpu.vector_store %swap3A_777[%swap3A_778], %add3A_769 {strides = array<i32>} : memref<128xi32, #tpu.memory_space<vmem>>, vector<16xi32>,
        %scan3A_780 = arith.constant 2 : i32
        %scan3A_781 = arith.addi %scan3A_662, %scan3A_780 : i32
        %mul3A_782 = arith.constant 2 : i32
        %mul3A_783 = arith.muli %mul3A_782, %scan3A_781 : i32
        %add3A_784 = vector.broadcast %mul3A_783 : i32 to vector<16xi32>
        %add3A_785 = arith.addi %select_n3A, %add3A_784 : vector<16xi32>
        %gather3A_786 = arith.constant 0 : i32
        %gather3A_787 = arith.constant 0 : i32
        %gather3A_788 = tpu.memref_slice %arg8[%gather3A_786, %gather3A_787] : memref<2x128xi32, #tpu.memory_space<vmem>> -> memref<1x128xi32, #tpu.memory_space<vmem>>
        %gather3A_789 = tpu.memref_squeeze %gather3A_788 : memref<1x128xi32, #tpu.memory_space<vmem>> -> memref<128xi32, #tpu.memory_space<vmem>>
        %gather3A_790 = tpu.vector_load_idx %gather3A_789[%add3A_785] : memref<128xi32, #tpu.memory_space<vmem>>[vector<16xi32>], vector<16xi32>,
        %gather3A_791 = arith.constant 0 : i32
        %gather3A_792 = arith.constant 0 : i32
        %gather3A_793 = tpu.memref_slice %arg9[%gather3A_791, %gather3A_792] : memref<2x128xi32, #tpu.memory_space<vmem>> -> memref<1x128xi32, #tpu.memory_space<vmem>>
        %gather3A_794 = tpu.memref_squeeze %gather3A_793 : memref<1x128xi32, #tpu.memory_space<vmem>> -> memref<128xi32, #tpu.memory_space<vmem>>
        %gather3A_795 = tpu.vector_load_idx %gather3A_794[%add3A_785] : memref<128xi32, #tpu.memory_space<vmem>>[vector<16xi32>], vector<16xi32>,
        %select_n3A_796 = arith.select %lt3A_31, %gather3A_790, %gather3A_795 : vector<16xi1>, vector<16xi32>
        %shift_right_logical3A_797 = arith.shrui %select_n3A_796, %mul3A_37 : vector<16xi32>
        %and3A_798 = arith.constant 255 : i32
        %and3A_799 = vector.broadcast %and3A_798 : i32 to vector<16xi32>
        %and3A_800 = arith.andi %shift_right_logical3A_797, %and3A_799 : vector<16xi32>
        %jit3A_801 = arith.constant 8 : i32
        %div3A_802 = arith.divsi %scan3A_781, %jit3A_801 : i32
        %sign3A_803 = arith.constant 0 : i32
        %sign3A_804 = arith.cmpi sgt, %scan3A_781, %sign3A_803 : i32
        %sign3A_805 = arith.extui %sign3A_804 : i1 to i32
        %sign3A_806 = arith.constant 0 : i32
        %sign3A_807 = arith.cmpi slt, %scan3A_781, %sign3A_806 : i32
        %sign3A_808 = arith.extui %sign3A_807 : i1 to i32
        %sign3A_809 = arith.subi %sign3A_805, %sign3A_808 : i32
        %sign3A_810 = arith.constant 0 : i32
        %sign3A_811 = arith.cmpi sgt, %jit3A_801, %sign3A_810 : i32
        %sign3A_812 = arith.extui %sign3A_811 : i1 to i32
        %sign3A_813 = arith.constant 0 : i32
        %sign3A_814 = arith.cmpi slt, %jit3A_801, %sign3A_813 : i32
        %sign3A_815 = arith.extui %sign3A_814 : i1 to i32
        %sign3A_816 = arith.subi %sign3A_812, %sign3A_815 : i32
        %ne3A_817 = arith.cmpi ne, %sign3A_809, %sign3A_816 : i32
        %rem3A_818 = arith.remsi %scan3A_781, %jit3A_801 : i32
        %ne3A_819 = arith.constant 0 : i32
        %ne3A_820 = arith.cmpi ne, %rem3A_818, %ne3A_819 : i32
        %and3A_821 = arith.andi %ne3A_817, %ne3A_820 : i1
        %sub3A_822 = arith.constant 1 : i32
        %sub3A_823 = arith.subi %div3A_802, %sub3A_822 : i32
        %select_n3A_824 = arith.select %and3A_821, %sub3A_823, %div3A_802 : i32
        %mul3A_825 = arith.constant 8 : i32
        %mul3A_826 = arith.muli %select_n3A_824, %mul3A_825 : i32
        %sub3A_827 = arith.subi %scan3A_781, %mul3A_826 : i32
        %mul3A_828 = arith.constant 16 : i32
        %mul3A_829 = arith.muli %sub3A_827, %mul3A_828 : i32
        %add3A_830 = arith.addi %and3A_800, %mul3A_29 : vector<16xi32>
        %swap3A_831 = arith.constant 0 : i32
        %swap3A_832 = arith.constant 0 : i32
        %swap3A_833 = arith.constant 0 : i32
        %swap3A_834 = tpu.memref_slice %arg10[%swap3A_831, %swap3A_832, %swap3A_833] : memref<2x8x128xi32, #tpu.memory_space<vmem>> -> memref<1x8x128xi32, #tpu.memory_space<vmem>>
        %swap3A_835 = tpu.memref_squeeze %swap3A_834 : memref<1x8x128xi32, #tpu.memory_space<vmem>> -> memref<8x128xi32, #tpu.memory_space<vmem>>
        %swap3A_836 = arith.constant 0 : i32
        %swap3A_837 = tpu.memref_slice %swap3A_835[%select_n3A_824, %swap3A_836] : memref<8x128xi32, #tpu.memory_space<vmem>> -> memref<1x128xi32, #tpu.memory_space<vmem>>
        %swap3A_838 = tpu.memref_squeeze %swap3A_837 : memref<1x128xi32, #tpu.memory_space<vmem>> -> memref<128xi32, #tpu.memory_space<vmem>>
        %swap3A_839 = arith.index_cast %mul3A_829 : i32 to index
        %swap3A_840 = tpu.vector_load %swap3A_838[%swap3A_839] {strides = array<i32>} : memref<128xi32, #tpu.memory_space<vmem>>, vector<16xi32>,
        tpu.vector_store %swap3A_838[%swap3A_839], %add3A_830 {strides = array<i32>} : memref<128xi32, #tpu.memory_space<vmem>>, vector<16xi32>,
        %scan3A_841 = arith.constant 3 : i32
        %scan3A_842 = arith.addi %scan3A_662, %scan3A_841 : i32
        %mul3A_843 = arith.constant 2 : i32
        %mul3A_844 = arith.muli %mul3A_843, %scan3A_842 : i32
        %add3A_845 = vector.broadcast %mul3A_844 : i32 to vector<16xi32>
        %add3A_846 = arith.addi %select_n3A, %add3A_845 : vector<16xi32>
        %gather3A_847 = arith.constant 0 : i32
        %gather3A_848 = arith.constant 0 : i32
        %gather3A_849 = tpu.memref_slice %arg8[%gather3A_847, %gather3A_848] : memref<2x128xi32, #tpu.memory_space<vmem>> -> memref<1x128xi32, #tpu.memory_space<vmem>>
        %gather3A_850 = tpu.memref_squeeze %gather3A_849 : memref<1x128xi32, #tpu.memory_space<vmem>> -> memref<128xi32, #tpu.memory_space<vmem>>
        %gather3A_851 = tpu.vector_load_idx %gather3A_850[%add3A_846] : memref<128xi32, #tpu.memory_space<vmem>>[vector<16xi32>], vector<16xi32>,
        %gather3A_852 = arith.constant 0 : i32
        %gather3A_853 = arith.constant 0 : i32
        %gather3A_854 = tpu.memref_slice %arg9[%gather3A_852, %gather3A_853] : memref<2x128xi32, #tpu.memory_space<vmem>> -> memref<1x128xi32, #tpu.memory_space<vmem>>
        %gather3A_855 = tpu.memref_squeeze %gather3A_854 : memref<1x128xi32, #tpu.memory_space<vmem>> -> memref<128xi32, #tpu.memory_space<vmem>>
        %gather3A_856 = tpu.vector_load_idx %gather3A_855[%add3A_846] : memref<128xi32, #tpu.memory_space<vmem>>[vector<16xi32>], vector<16xi32>,
        %select_n3A_857 = arith.select %lt3A_31, %gather3A_851, %gather3A_856 : vector<16xi1>, vector<16xi32>
        %shift_right_logical3A_858 = arith.shrui %select_n3A_857, %mul3A_37 : vector<16xi32>
        %and3A_859 = arith.constant 255 : i32
        %and3A_860 = vector.broadcast %and3A_859 : i32 to vector<16xi32>
        %and3A_861 = arith.andi %shift_right_logical3A_858, %and3A_860 : vector<16xi32>
        %jit3A_862 = arith.constant 8 : i32
        %div3A_863 = arith.divsi %scan3A_842, %jit3A_862 : i32
        %sign3A_864 = arith.constant 0 : i32
        %sign3A_865 = arith.cmpi sgt, %scan3A_842, %sign3A_864 : i32
        %sign3A_866 = arith.extui %sign3A_865 : i1 to i32
        %sign3A_867 = arith.constant 0 : i32
        %sign3A_868 = arith.cmpi slt, %scan3A_842, %sign3A_867 : i32
        %sign3A_869 = arith.extui %sign3A_868 : i1 to i32
        %sign3A_870 = arith.subi %sign3A_866, %sign3A_869 : i32
        %sign3A_871 = arith.constant 0 : i32
        %sign3A_872 = arith.cmpi sgt, %jit3A_862, %sign3A_871 : i32
        %sign3A_873 = arith.extui %sign3A_872 : i1 to i32
        %sign3A_874 = arith.constant 0 : i32
        %sign3A_875 = arith.cmpi slt, %jit3A_862, %sign3A_874 : i32
        %sign3A_876 = arith.extui %sign3A_875 : i1 to i32
        %sign3A_877 = arith.subi %sign3A_873, %sign3A_876 : i32
        %ne3A_878 = arith.cmpi ne, %sign3A_870, %sign3A_877 : i32
        %rem3A_879 = arith.remsi %scan3A_842, %jit3A_862 : i32
        %ne3A_880 = arith.constant 0 : i32
        %ne3A_881 = arith.cmpi ne, %rem3A_879, %ne3A_880 : i32
        %and3A_882 = arith.andi %ne3A_878, %ne3A_881 : i1
        %sub3A_883 = arith.constant 1 : i32
        %sub3A_884 = arith.subi %div3A_863, %sub3A_883 : i32
        %select_n3A_885 = arith.select %and3A_882, %sub3A_884, %div3A_863 : i32
        %mul3A_886 = arith.constant 8 : i32
        %mul3A_887 = arith.muli %select_n3A_885, %mul3A_886 : i32
        %sub3A_888 = arith.subi %scan3A_842, %mul3A_887 : i32
        %mul3A_889 = arith.constant 16 : i32
        %mul3A_890 = arith.muli %sub3A_888, %mul3A_889 : i32
        %add3A_891 = arith.addi %and3A_861, %mul3A_29 : vector<16xi32>
        %swap3A_892 = arith.constant 0 : i32
        %swap3A_893 = arith.constant 0 : i32
        %swap3A_894 = arith.constant 0 : i32
        %swap3A_895 = tpu.memref_slice %arg10[%swap3A_892, %swap3A_893, %swap3A_894] : memref<2x8x128xi32, #tpu.memory_space<vmem>> -> memref<1x8x128xi32, #tpu.memory_space<vmem>>
        %swap3A_896 = tpu.memref_squeeze %swap3A_895 : memref<1x8x128xi32, #tpu.memory_space<vmem>> -> memref<8x128xi32, #tpu.memory_space<vmem>>
        %swap3A_897 = arith.constant 0 : i32
        %swap3A_898 = tpu.memref_slice %swap3A_896[%select_n3A_885, %swap3A_897] : memref<8x128xi32, #tpu.memory_space<vmem>> -> memref<1x128xi32, #tpu.memory_space<vmem>>
        %swap3A_899 = tpu.memref_squeeze %swap3A_898 : memref<1x128xi32, #tpu.memory_space<vmem>> -> memref<128xi32, #tpu.memory_space<vmem>>
        %swap3A_900 = arith.index_cast %mul3A_890 : i32 to index
        %swap3A_901 = tpu.vector_load %swap3A_899[%swap3A_900] {strides = array<i32>} : memref<128xi32, #tpu.memory_space<vmem>>, vector<16xi32>,
        tpu.vector_store %swap3A_899[%swap3A_900], %add3A_891 {strides = array<i32>} : memref<128xi32, #tpu.memory_space<vmem>>, vector<16xi32>,
        %scan3A_902 = arith.constant 4 : i32
        %scan3A_903 = arith.addi %scan3A_662, %scan3A_902 : i32
        %mul3A_904 = arith.constant 2 : i32
        %mul3A_905 = arith.muli %mul3A_904, %scan3A_903 : i32
        %add3A_906 = vector.broadcast %mul3A_905 : i32 to vector<16xi32>
        %add3A_907 = arith.addi %select_n3A, %add3A_906 : vector<16xi32>
        %gather3A_908 = arith.constant 0 : i32
        %gather3A_909 = arith.constant 0 : i32
        %gather3A_910 = tpu.memref_slice %arg8[%gather3A_908, %gather3A_909] : memref<2x128xi32, #tpu.memory_space<vmem>> -> memref<1x128xi32, #tpu.memory_space<vmem>>
        %gather3A_911 = tpu.memref_squeeze %gather3A_910 : memref<1x128xi32, #tpu.memory_space<vmem>> -> memref<128xi32, #tpu.memory_space<vmem>>
        %gather3A_912 = tpu.vector_load_idx %gather3A_911[%add3A_907] : memref<128xi32, #tpu.memory_space<vmem>>[vector<16xi32>], vector<16xi32>,
        %gather3A_913 = arith.constant 0 : i32
        %gather3A_914 = arith.constant 0 : i32
        %gather3A_915 = tpu.memref_slice %arg9[%gather3A_913, %gather3A_914] : memref<2x128xi32, #tpu.memory_space<vmem>> -> memref<1x128xi32, #tpu.memory_space<vmem>>
        %gather3A_916 = tpu.memref_squeeze %gather3A_915 : memref<1x128xi32, #tpu.memory_space<vmem>> -> memref<128xi32, #tpu.memory_space<vmem>>
        %gather3A_917 = tpu.vector_load_idx %gather3A_916[%add3A_907] : memref<128xi32, #tpu.memory_space<vmem>>[vector<16xi32>], vector<16xi32>,
        %select_n3A_918 = arith.select %lt3A_31, %gather3A_912, %gather3A_917 : vector<16xi1>, vector<16xi32>
        %shift_right_logical3A_919 = arith.shrui %select_n3A_918, %mul3A_37 : vector<16xi32>
        %and3A_920 = arith.constant 255 : i32
        %and3A_921 = vector.broadcast %and3A_920 : i32 to vector<16xi32>
        %and3A_922 = arith.andi %shift_right_logical3A_919, %and3A_921 : vector<16xi32>
        %jit3A_923 = arith.constant 8 : i32
        %div3A_924 = arith.divsi %scan3A_903, %jit3A_923 : i32
        %sign3A_925 = arith.constant 0 : i32
        %sign3A_926 = arith.cmpi sgt, %scan3A_903, %sign3A_925 : i32
        %sign3A_927 = arith.extui %sign3A_926 : i1 to i32
        %sign3A_928 = arith.constant 0 : i32
        %sign3A_929 = arith.cmpi slt, %scan3A_903, %sign3A_928 : i32
        %sign3A_930 = arith.extui %sign3A_929 : i1 to i32
        %sign3A_931 = arith.subi %sign3A_927, %sign3A_930 : i32
        %sign3A_932 = arith.constant 0 : i32
        %sign3A_933 = arith.cmpi sgt, %jit3A_923, %sign3A_932 : i32
        %sign3A_934 = arith.extui %sign3A_933 : i1 to i32
        %sign3A_935 = arith.constant 0 : i32
        %sign3A_936 = arith.cmpi slt, %jit3A_923, %sign3A_935 : i32
        %sign3A_937 = arith.extui %sign3A_936 : i1 to i32
        %sign3A_938 = arith.subi %sign3A_934, %sign3A_937 : i32
        %ne3A_939 = arith.cmpi ne, %sign3A_931, %sign3A_938 : i32
        %rem3A_940 = arith.remsi %scan3A_903, %jit3A_923 : i32
        %ne3A_941 = arith.constant 0 : i32
        %ne3A_942 = arith.cmpi ne, %rem3A_940, %ne3A_941 : i32
        %and3A_943 = arith.andi %ne3A_939, %ne3A_942 : i1
        %sub3A_944 = arith.constant 1 : i32
        %sub3A_945 = arith.subi %div3A_924, %sub3A_944 : i32
        %select_n3A_946 = arith.select %and3A_943, %sub3A_945, %div3A_924 : i32
        %mul3A_947 = arith.constant 8 : i32
        %mul3A_948 = arith.muli %select_n3A_946, %mul3A_947 : i32
        %sub3A_949 = arith.subi %scan3A_903, %mul3A_948 : i32
        %mul3A_950 = arith.constant 16 : i32
        %mul3A_951 = arith.muli %sub3A_949, %mul3A_950 : i32
        %add3A_952 = arith.addi %and3A_922, %mul3A_29 : vector<16xi32>
        %swap3A_953 = arith.constant 0 : i32
        %swap3A_954 = arith.constant 0 : i32
        %swap3A_955 = arith.constant 0 : i32
        %swap3A_956 = tpu.memref_slice %arg10[%swap3A_953, %swap3A_954, %swap3A_955] : memref<2x8x128xi32, #tpu.memory_space<vmem>> -> memref<1x8x128xi32, #tpu.memory_space<vmem>>
        %swap3A_957 = tpu.memref_squeeze %swap3A_956 : memref<1x8x128xi32, #tpu.memory_space<vmem>> -> memref<8x128xi32, #tpu.memory_space<vmem>>
        %swap3A_958 = arith.constant 0 : i32
        %swap3A_959 = tpu.memref_slice %swap3A_957[%select_n3A_946, %swap3A_958] : memref<8x128xi32, #tpu.memory_space<vmem>> -> memref<1x128xi32, #tpu.memory_space<vmem>>
        %swap3A_960 = tpu.memref_squeeze %swap3A_959 : memref<1x128xi32, #tpu.memory_space<vmem>> -> memref<128xi32, #tpu.memory_space<vmem>>
        %swap3A_961 = arith.index_cast %mul3A_951 : i32 to index
        %swap3A_962 = tpu.vector_load %swap3A_960[%swap3A_961] {strides = array<i32>} : memref<128xi32, #tpu.memory_space<vmem>>, vector<16xi32>,
        tpu.vector_store %swap3A_960[%swap3A_961], %add3A_952 {strides = array<i32>} : memref<128xi32, #tpu.memory_space<vmem>>, vector<16xi32>,
        %scan3A_963 = arith.constant 5 : i32
        %scan3A_964 = arith.addi %scan3A_662, %scan3A_963 : i32
        %mul3A_965 = arith.constant 2 : i32
        %mul3A_966 = arith.muli %mul3A_965, %scan3A_964 : i32
        %add3A_967 = vector.broadcast %mul3A_966 : i32 to vector<16xi32>
        %add3A_968 = arith.addi %select_n3A, %add3A_967 : vector<16xi32>
        %gather3A_969 = arith.constant 0 : i32
        %gather3A_970 = arith.constant 0 : i32
        %gather3A_971 = tpu.memref_slice %arg8[%gather3A_969, %gather3A_970] : memref<2x128xi32, #tpu.memory_space<vmem>> -> memref<1x128xi32, #tpu.memory_space<vmem>>
        %gather3A_972 = tpu.memref_squeeze %gather3A_971 : memref<1x128xi32, #tpu.memory_space<vmem>> -> memref<128xi32, #tpu.memory_space<vmem>>
        %gather3A_973 = tpu.vector_load_idx %gather3A_972[%add3A_968] : memref<128xi32, #tpu.memory_space<vmem>>[vector<16xi32>], vector<16xi32>,
        %gather3A_974 = arith.constant 0 : i32
        %gather3A_975 = arith.constant 0 : i32
        %gather3A_976 = tpu.memref_slice %arg9[%gather3A_974, %gather3A_975] : memref<2x128xi32, #tpu.memory_space<vmem>> -> memref<1x128xi32, #tpu.memory_space<vmem>>
        %gather3A_977 = tpu.memref_squeeze %gather3A_976 : memref<1x128xi32, #tpu.memory_space<vmem>> -> memref<128xi32, #tpu.memory_space<vmem>>
        %gather3A_978 = tpu.vector_load_idx %gather3A_977[%add3A_968] : memref<128xi32, #tpu.memory_space<vmem>>[vector<16xi32>], vector<16xi32>,
        %select_n3A_979 = arith.select %lt3A_31, %gather3A_973, %gather3A_978 : vector<16xi1>, vector<16xi32>
        %shift_right_logical3A_980 = arith.shrui %select_n3A_979, %mul3A_37 : vector<16xi32>
        %and3A_981 = arith.constant 255 : i32
        %and3A_982 = vector.broadcast %and3A_981 : i32 to vector<16xi32>
        %and3A_983 = arith.andi %shift_right_logical3A_980, %and3A_982 : vector<16xi32>
        %jit3A_984 = arith.constant 8 : i32
        %div3A_985 = arith.divsi %scan3A_964, %jit3A_984 : i32
        %sign3A_986 = arith.constant 0 : i32
        %sign3A_987 = arith.cmpi sgt, %scan3A_964, %sign3A_986 : i32
        %sign3A_988 = arith.extui %sign3A_987 : i1 to i32
        %sign3A_989 = arith.constant 0 : i32
        %sign3A_990 = arith.cmpi slt, %scan3A_964, %sign3A_989 : i32
        %sign3A_991 = arith.extui %sign3A_990 : i1 to i32
        %sign3A_992 = arith.subi %sign3A_988, %sign3A_991 : i32
        %sign3A_993 = arith.constant 0 : i32
        %sign3A_994 = arith.cmpi sgt, %jit3A_984, %sign3A_993 : i32
        %sign3A_995 = arith.extui %sign3A_994 : i1 to i32
        %sign3A_996 = arith.constant 0 : i32
        %sign3A_997 = arith.cmpi slt, %jit3A_984, %sign3A_996 : i32
        %sign3A_998 = arith.extui %sign3A_997 : i1 to i32
        %sign3A_999 = arith.subi %sign3A_995, %sign3A_998 : i32
        %ne3A_1000 = arith.cmpi ne, %sign3A_992, %sign3A_999 : i32
        %rem3A_1001 = arith.remsi %scan3A_964, %jit3A_984 : i32
        %ne3A_1002 = arith.constant 0 : i32
        %ne3A_1003 = arith.cmpi ne, %rem3A_1001, %ne3A_1002 : i32
        %and3A_1004 = arith.andi %ne3A_1000, %ne3A_1003 : i1
        %sub3A_1005 = arith.constant 1 : i32
        %sub3A_1006 = arith.subi %div3A_985, %sub3A_1005 : i32
        %select_n3A_1007 = arith.select %and3A_1004, %sub3A_1006, %div3A_985 : i32
        %mul3A_1008 = arith.constant 8 : i32
        %mul3A_1009 = arith.muli %select_n3A_1007, %mul3A_1008 : i32
        %sub3A_1010 = arith.subi %scan3A_964, %mul3A_1009 : i32
        %mul3A_1011 = arith.constant 16 : i32
        %mul3A_1012 = arith.muli %sub3A_1010, %mul3A_1011 : i32
        %add3A_1013 = arith.addi %and3A_983, %mul3A_29 : vector<16xi32>
        %swap3A_1014 = arith.constant 0 : i32
        %swap3A_1015 = arith.constant 0 : i32
        %swap3A_1016 = arith.constant 0 : i32
        %swap3A_1017 = tpu.memref_slice %arg10[%swap3A_1014, %swap3A_1015, %swap3A_1016] : memref<2x8x128xi32, #tpu.memory_space<vmem>> -> memref<1x8x128xi32, #tpu.memory_space<vmem>>
        %swap3A_1018 = tpu.memref_squeeze %swap3A_1017 : memref<1x8x128xi32, #tpu.memory_space<vmem>> -> memref<8x128xi32, #tpu.memory_space<vmem>>
        %swap3A_1019 = arith.constant 0 : i32
        %swap3A_1020 = tpu.memref_slice %swap3A_1018[%select_n3A_1007, %swap3A_1019] : memref<8x128xi32, #tpu.memory_space<vmem>> -> memref<1x128xi32, #tpu.memory_space<vmem>>
        %swap3A_1021 = tpu.memref_squeeze %swap3A_1020 : memref<1x128xi32, #tpu.memory_space<vmem>> -> memref<128xi32, #tpu.memory_space<vmem>>
        %swap3A_1022 = arith.index_cast %mul3A_1012 : i32 to index
        %swap3A_1023 = tpu.vector_load %swap3A_1021[%swap3A_1022] {strides = array<i32>} : memref<128xi32, #tpu.memory_space<vmem>>, vector<16xi32>,
        tpu.vector_store %swap3A_1021[%swap3A_1022], %add3A_1013 {strides = array<i32>} : memref<128xi32, #tpu.memory_space<vmem>>, vector<16xi32>,
        %scan3A_1024 = arith.constant 6 : i32
        %scan3A_1025 = arith.addi %scan3A_662, %scan3A_1024 : i32
        %mul3A_1026 = arith.constant 2 : i32
        %mul3A_1027 = arith.muli %mul3A_1026, %scan3A_1025 : i32
        %add3A_1028 = vector.broadcast %mul3A_1027 : i32 to vector<16xi32>
        %add3A_1029 = arith.addi %select_n3A, %add3A_1028 : vector<16xi32>
        %gather3A_1030 = arith.constant 0 : i32
        %gather3A_1031 = arith.constant 0 : i32
        %gather3A_1032 = tpu.memref_slice %arg8[%gather3A_1030, %gather3A_1031] : memref<2x128xi32, #tpu.memory_space<vmem>> -> memref<1x128xi32, #tpu.memory_space<vmem>>
        %gather3A_1033 = tpu.memref_squeeze %gather3A_1032 : memref<1x128xi32, #tpu.memory_space<vmem>> -> memref<128xi32, #tpu.memory_space<vmem>>
        %gather3A_1034 = tpu.vector_load_idx %gather3A_1033[%add3A_1029] : memref<128xi32, #tpu.memory_space<vmem>>[vector<16xi32>], vector<16xi32>,
        %gather3A_1035 = arith.constant 0 : i32
        %gather3A_1036 = arith.constant 0 : i32
        %gather3A_1037 = tpu.memref_slice %arg9[%gather3A_1035, %gather3A_1036] : memref<2x128xi32, #tpu.memory_space<vmem>> -> memref<1x128xi32, #tpu.memory_space<vmem>>
        %gather3A_1038 = tpu.memref_squeeze %gather3A_1037 : memref<1x128xi32, #tpu.memory_space<vmem>> -> memref<128xi32, #tpu.memory_space<vmem>>
        %gather3A_1039 = tpu.vector_load_idx %gather3A_1038[%add3A_1029] : memref<128xi32, #tpu.memory_space<vmem>>[vector<16xi32>], vector<16xi32>,
        %select_n3A_1040 = arith.select %lt3A_31, %gather3A_1034, %gather3A_1039 : vector<16xi1>, vector<16xi32>
        %shift_right_logical3A_1041 = arith.shrui %select_n3A_1040, %mul3A_37 : vector<16xi32>
        %and3A_1042 = arith.constant 255 : i32
        %and3A_1043 = vector.broadcast %and3A_1042 : i32 to vector<16xi32>
        %and3A_1044 = arith.andi %shift_right_logical3A_1041, %and3A_1043 : vector<16xi32>
        %jit3A_1045 = arith.constant 8 : i32
        %div3A_1046 = arith.divsi %scan3A_1025, %jit3A_1045 : i32
        %sign3A_1047 = arith.constant 0 : i32
        %sign3A_1048 = arith.cmpi sgt, %scan3A_1025, %sign3A_1047 : i32
        %sign3A_1049 = arith.extui %sign3A_1048 : i1 to i32
        %sign3A_1050 = arith.constant 0 : i32
        %sign3A_1051 = arith.cmpi slt, %scan3A_1025, %sign3A_1050 : i32
        %sign3A_1052 = arith.extui %sign3A_1051 : i1 to i32
        %sign3A_1053 = arith.subi %sign3A_1049, %sign3A_1052 : i32
        %sign3A_1054 = arith.constant 0 : i32
        %sign3A_1055 = arith.cmpi sgt, %jit3A_1045, %sign3A_1054 : i32
        %sign3A_1056 = arith.extui %sign3A_1055 : i1 to i32
        %sign3A_1057 = arith.constant 0 : i32
        %sign3A_1058 = arith.cmpi slt, %jit3A_1045, %sign3A_1057 : i32
        %sign3A_1059 = arith.extui %sign3A_1058 : i1 to i32
        %sign3A_1060 = arith.subi %sign3A_1056, %sign3A_1059 : i32
        %ne3A_1061 = arith.cmpi ne, %sign3A_1053, %sign3A_1060 : i32
        %rem3A_1062 = arith.remsi %scan3A_1025, %jit3A_1045 : i32
        %ne3A_1063 = arith.constant 0 : i32
        %ne3A_1064 = arith.cmpi ne, %rem3A_1062, %ne3A_1063 : i32
        %and3A_1065 = arith.andi %ne3A_1061, %ne3A_1064 : i1
        %sub3A_1066 = arith.constant 1 : i32
        %sub3A_1067 = arith.subi %div3A_1046, %sub3A_1066 : i32
        %select_n3A_1068 = arith.select %and3A_1065, %sub3A_1067, %div3A_1046 : i32
        %mul3A_1069 = arith.constant 8 : i32
        %mul3A_1070 = arith.muli %select_n3A_1068, %mul3A_1069 : i32
        %sub3A_1071 = arith.subi %scan3A_1025, %mul3A_1070 : i32
        %mul3A_1072 = arith.constant 16 : i32
        %mul3A_1073 = arith.muli %sub3A_1071, %mul3A_1072 : i32
        %add3A_1074 = arith.addi %and3A_1044, %mul3A_29 : vector<16xi32>
        %swap3A_1075 = arith.constant 0 : i32
        %swap3A_1076 = arith.constant 0 : i32
        %swap3A_1077 = arith.constant 0 : i32
        %swap3A_1078 = tpu.memref_slice %arg10[%swap3A_1075, %swap3A_1076, %swap3A_1077] : memref<2x8x128xi32, #tpu.memory_space<vmem>> -> memref<1x8x128xi32, #tpu.memory_space<vmem>>
        %swap3A_1079 = tpu.memref_squeeze %swap3A_1078 : memref<1x8x128xi32, #tpu.memory_space<vmem>> -> memref<8x128xi32, #tpu.memory_space<vmem>>
        %swap3A_1080 = arith.constant 0 : i32
        %swap3A_1081 = tpu.memref_slice %swap3A_1079[%select_n3A_1068, %swap3A_1080] : memref<8x128xi32, #tpu.memory_space<vmem>> -> memref<1x128xi32, #tpu.memory_space<vmem>>
        %swap3A_1082 = tpu.memref_squeeze %swap3A_1081 : memref<1x128xi32, #tpu.memory_space<vmem>> -> memref<128xi32, #tpu.memory_space<vmem>>
        %swap3A_1083 = arith.index_cast %mul3A_1073 : i32 to index
        %swap3A_1084 = tpu.vector_load %swap3A_1082[%swap3A_1083] {strides = array<i32>} : memref<128xi32, #tpu.memory_space<vmem>>, vector<16xi32>,
        tpu.vector_store %swap3A_1082[%swap3A_1083], %add3A_1074 {strides = array<i32>} : memref<128xi32, #tpu.memory_space<vmem>>, vector<16xi32>,
        %scan3A_1085 = arith.constant 7 : i32
        %scan3A_1086 = arith.addi %scan3A_662, %scan3A_1085 : i32
        %mul3A_1087 = arith.constant 2 : i32
        %mul3A_1088 = arith.muli %mul3A_1087, %scan3A_1086 : i32
        %add3A_1089 = vector.broadcast %mul3A_1088 : i32 to vector<16xi32>
        %add3A_1090 = arith.addi %select_n3A, %add3A_1089 : vector<16xi32>
        %gather3A_1091 = arith.constant 0 : i32
        %gather3A_1092 = arith.constant 0 : i32
        %gather3A_1093 = tpu.memref_slice %arg8[%gather3A_1091, %gather3A_1092] : memref<2x128xi32, #tpu.memory_space<vmem>> -> memref<1x128xi32, #tpu.memory_space<vmem>>
        %gather3A_1094 = tpu.memref_squeeze %gather3A_1093 : memref<1x128xi32, #tpu.memory_space<vmem>> -> memref<128xi32, #tpu.memory_space<vmem>>
        %gather3A_1095 = tpu.vector_load_idx %gather3A_1094[%add3A_1090] : memref<128xi32, #tpu.memory_space<vmem>>[vector<16xi32>], vector<16xi32>,
        %gather3A_1096 = arith.constant 0 : i32
        %gather3A_1097 = arith.constant 0 : i32
        %gather3A_1098 = tpu.memref_slice %arg9[%gather3A_1096, %gather3A_1097] : memref<2x128xi32, #tpu.memory_space<vmem>> -> memref<1x128xi32, #tpu.memory_space<vmem>>
        %gather3A_1099 = tpu.memref_squeeze %gather3A_1098 : memref<1x128xi32, #tpu.memory_space<vmem>> -> memref<128xi32, #tpu.memory_space<vmem>>
        %gather3A_1100 = tpu.vector_load_idx %gather3A_1099[%add3A_1090] : memref<128xi32, #tpu.memory_space<vmem>>[vector<16xi32>], vector<16xi32>,
        %select_n3A_1101 = arith.select %lt3A_31, %gather3A_1095, %gather3A_1100 : vector<16xi1>, vector<16xi32>
        %shift_right_logical3A_1102 = arith.shrui %select_n3A_1101, %mul3A_37 : vector<16xi32>
        %and3A_1103 = arith.constant 255 : i32
        %and3A_1104 = vector.broadcast %and3A_1103 : i32 to vector<16xi32>
        %and3A_1105 = arith.andi %shift_right_logical3A_1102, %and3A_1104 : vector<16xi32>
        %jit3A_1106 = arith.constant 8 : i32
        %div3A_1107 = arith.divsi %scan3A_1086, %jit3A_1106 : i32
        %sign3A_1108 = arith.constant 0 : i32
        %sign3A_1109 = arith.cmpi sgt, %scan3A_1086, %sign3A_1108 : i32
        %sign3A_1110 = arith.extui %sign3A_1109 : i1 to i32
        %sign3A_1111 = arith.constant 0 : i32
        %sign3A_1112 = arith.cmpi slt, %scan3A_1086, %sign3A_1111 : i32
        %sign3A_1113 = arith.extui %sign3A_1112 : i1 to i32
        %sign3A_1114 = arith.subi %sign3A_1110, %sign3A_1113 : i32
        %sign3A_1115 = arith.constant 0 : i32
        %sign3A_1116 = arith.cmpi sgt, %jit3A_1106, %sign3A_1115 : i32
        %sign3A_1117 = arith.extui %sign3A_1116 : i1 to i32
        %sign3A_1118 = arith.constant 0 : i32
        %sign3A_1119 = arith.cmpi slt, %jit3A_1106, %sign3A_1118 : i32
        %sign3A_1120 = arith.extui %sign3A_1119 : i1 to i32
        %sign3A_1121 = arith.subi %sign3A_1117, %sign3A_1120 : i32
        %ne3A_1122 = arith.cmpi ne, %sign3A_1114, %sign3A_1121 : i32
        %rem3A_1123 = arith.remsi %scan3A_1086, %jit3A_1106 : i32
        %ne3A_1124 = arith.constant 0 : i32
        %ne3A_1125 = arith.cmpi ne, %rem3A_1123, %ne3A_1124 : i32
        %and3A_1126 = arith.andi %ne3A_1122, %ne3A_1125 : i1
        %sub3A_1127 = arith.constant 1 : i32
        %sub3A_1128 = arith.subi %div3A_1107, %sub3A_1127 : i32
        %select_n3A_1129 = arith.select %and3A_1126, %sub3A_1128, %div3A_1107 : i32
        %mul3A_1130 = arith.constant 8 : i32
        %mul3A_1131 = arith.muli %select_n3A_1129, %mul3A_1130 : i32
        %sub3A_1132 = arith.subi %scan3A_1086, %mul3A_1131 : i32
        %mul3A_1133 = arith.constant 16 : i32
        %mul3A_1134 = arith.muli %sub3A_1132, %mul3A_1133 : i32
        %add3A_1135 = arith.addi %and3A_1105, %mul3A_29 : vector<16xi32>
        %swap3A_1136 = arith.constant 0 : i32
        %swap3A_1137 = arith.constant 0 : i32
        %swap3A_1138 = arith.constant 0 : i32
        %swap3A_1139 = tpu.memref_slice %arg10[%swap3A_1136, %swap3A_1137, %swap3A_1138] : memref<2x8x128xi32, #tpu.memory_space<vmem>> -> memref<1x8x128xi32, #tpu.memory_space<vmem>>
        %swap3A_1140 = tpu.memref_squeeze %swap3A_1139 : memref<1x8x128xi32, #tpu.memory_space<vmem>> -> memref<8x128xi32, #tpu.memory_space<vmem>>
        %swap3A_1141 = arith.constant 0 : i32
        %swap3A_1142 = tpu.memref_slice %swap3A_1140[%select_n3A_1129, %swap3A_1141] : memref<8x128xi32, #tpu.memory_space<vmem>> -> memref<1x128xi32, #tpu.memory_space<vmem>>
        %swap3A_1143 = tpu.memref_squeeze %swap3A_1142 : memref<1x128xi32, #tpu.memory_space<vmem>> -> memref<128xi32, #tpu.memory_space<vmem>>
        %swap3A_1144 = arith.index_cast %mul3A_1134 : i32 to index
        %swap3A_1145 = tpu.vector_load %swap3A_1143[%swap3A_1144] {strides = array<i32>} : memref<128xi32, #tpu.memory_space<vmem>>, vector<16xi32>,
        tpu.vector_store %swap3A_1143[%swap3A_1144], %add3A_1135 {strides = array<i32>} : memref<128xi32, #tpu.memory_space<vmem>>, vector<16xi32>,
      }
      %scan3A_227 = arith.constant 64 : i32
      %ge3A = arith.constant 2 : i32
      %ge3A_228 = arith.cmpi sge, %add3A_194, %ge3A : i32
      %convert_element_type3A_229 = arith.extui %ge3A_228 : i1 to i32
      %cond3A_230 = arith.constant 0 : i32
      %cond3A_231 = arith.cmpi ne, %convert_element_type3A_229, %cond3A_230 : i32
      scf.if %cond3A_231 {
        %dma_wait3A_662 = arith.constant 0 : i32
        %dma_wait3A_663 = arith.constant 0 : i32
        %dma_wait3A_664 = arith.constant 0 : i32
        %dma_wait3A_665 = arith.constant 0 : i32
        %dma_wait3A_666 = tpu.memref_slice %arg11[%dma_wait3A_662, %dma_wait3A_663, %dma_wait3A_664, %dma_wait3A_665] : memref<2x8x128x16xf32, #tpu.memory_space<vmem>> -> memref<1x8x128x16xf32, #tpu.memory_space<vmem>>
        %dma_wait3A_667 = tpu.memref_squeeze %dma_wait3A_666 : memref<1x8x128x16xf32, #tpu.memory_space<vmem>> -> memref<8x128x16xf32, #tpu.memory_space<vmem>>
        %dma_wait3A_668 = arith.constant 0 : i32
        %dma_wait3A_669 = arith.constant 0 : i32
        %dma_wait3A_670 = arith.constant 0 : i32
        %dma_wait3A_671 = tpu.memref_slice %arg6[%dma_wait3A_668, %dma_wait3A_669, %dma_wait3A_670] : memref<12800x128x16xf32, #tpu.memory_space<hbm>> -> memref<8x128x16xf32, #tpu.memory_space<hbm>>
        %dma_wait3A_672 = arith.constant 0 : i32
        %dma_wait3A_673 = arith.constant 0 : i32
        %dma_wait3A_674 = arith.constant 0 : i32
        %dma_wait3A_675 = tpu.memref_slice %arg6[%dma_wait3A_672, %dma_wait3A_673, %dma_wait3A_674] : memref<12800x128x16xf32, #tpu.memory_space<hbm>> -> memref<8x128x16xf32, #tpu.memory_space<hbm>>
        %dma_wait3A_676 = arith.constant 0 : i32
        %dma_wait3A_677 = arith.constant 0 : i32
        %dma_wait3A_678 = arith.constant 0 : i32
        %dma_wait3A_679 = tpu.memref_slice %arg11[%dma_wait3A_662, %dma_wait3A_676, %dma_wait3A_677, %dma_wait3A_678] : memref<2x8x128x16xf32, #tpu.memory_space<vmem>> -> memref<1x8x128x16xf32, #tpu.memory_space<vmem>>
        %dma_wait3A_680 = tpu.memref_squeeze %dma_wait3A_679 : memref<1x8x128x16xf32, #tpu.memory_space<vmem>> -> memref<8x128x16xf32, #tpu.memory_space<vmem>>
        tpu.wait_dma2 semaphore(%arg21 : memref<!tpu.dma_semaphore, #tpu.memory_space<semaphore_mem>>) src(%dma_wait3A_680 : memref<8x128x16xf32, #tpu.memory_space<vmem>>) dst(%dma_wait3A_675 : memref<8x128x16xf32, #tpu.memory_space<hbm>>)
      } else {
      }
      %ge3A_232 = arith.constant 1 : i32
      %ge3A_233 = arith.cmpi sge, %add3A_194, %ge3A_232 : i32
      %convert_element_type3A_234 = arith.extui %ge3A_233 : i1 to i32
      %cond3A_235 = arith.constant 0 : i32
      %cond3A_236 = arith.cmpi ne, %convert_element_type3A_234, %cond3A_235 : i32
      scf.if %cond3A_236 {
        %dma_wait3A_662 = arith.constant 1 : i32
        %dma_wait3A_663 = arith.constant 0 : i32
        %dma_wait3A_664 = arith.constant 0 : i32
        %dma_wait3A_665 = arith.constant 0 : i32
        %dma_wait3A_666 = tpu.memref_slice %arg11[%dma_wait3A_662, %dma_wait3A_663, %dma_wait3A_664, %dma_wait3A_665] : memref<2x8x128x16xf32, #tpu.memory_space<vmem>> -> memref<1x8x128x16xf32, #tpu.memory_space<vmem>>
        %dma_wait3A_667 = tpu.memref_squeeze %dma_wait3A_666 : memref<1x8x128x16xf32, #tpu.memory_space<vmem>> -> memref<8x128x16xf32, #tpu.memory_space<vmem>>
        %dma_wait3A_668 = arith.constant 0 : i32
        %dma_wait3A_669 = arith.constant 0 : i32
        %dma_wait3A_670 = arith.constant 0 : i32
        %dma_wait3A_671 = tpu.memref_slice %arg6[%dma_wait3A_668, %dma_wait3A_669, %dma_wait3A_670] : memref<12800x128x16xf32, #tpu.memory_space<hbm>> -> memref<8x128x16xf32, #tpu.memory_space<hbm>>
        %dma_wait3A_672 = arith.constant 0 : i32
        %dma_wait3A_673 = arith.constant 0 : i32
        %dma_wait3A_674 = arith.constant 0 : i32
        %dma_wait3A_675 = tpu.memref_slice %arg11[%dma_wait3A_662, %dma_wait3A_672, %dma_wait3A_673, %dma_wait3A_674] : memref<2x8x128x16xf32, #tpu.memory_space<vmem>> -> memref<1x8x128x16xf32, #tpu.memory_space<vmem>>
        %dma_wait3A_676 = tpu.memref_squeeze %dma_wait3A_675 : memref<1x8x128x16xf32, #tpu.memory_space<vmem>> -> memref<8x128x16xf32, #tpu.memory_space<vmem>>
        %dma_wait3A_677 = arith.constant 0 : i32
        %dma_wait3A_678 = arith.constant 0 : i32
        %dma_wait3A_679 = arith.constant 0 : i32
        %dma_wait3A_680 = tpu.memref_slice %arg6[%dma_wait3A_677, %dma_wait3A_678, %dma_wait3A_679] : memref<12800x128x16xf32, #tpu.memory_space<hbm>> -> memref<8x128x16xf32, #tpu.memory_space<hbm>>
        tpu.wait_dma2 semaphore(%arg20 : memref<!tpu.dma_semaphore, #tpu.memory_space<semaphore_mem>>) src(%dma_wait3A_680 : memref<8x128x16xf32, #tpu.memory_space<hbm>>) dst(%dma_wait3A_676 : memref<8x128x16xf32, #tpu.memory_space<vmem>>)
        %sub3A_681 = arith.constant 1 : i32
        %sub3A_682 = arith.subi %add3A_194, %sub3A_681 : i32
        %mul3A_683 = arith.constant 400 : i32
        %mul3A_684 = arith.muli %add3A, %mul3A_683 : i32
        %mul3A_685 = arith.constant 8 : i32
        %mul3A_686 = arith.muli %sub3A_682, %mul3A_685 : i32
        %add3A_687 = arith.addi %mul3A_684, %mul3A_686 : i32
        %dma_start3A_688 = arith.constant 1 : i32
        %dma_start3A_689 = arith.constant 0 : i32
        %dma_start3A_690 = arith.constant 0 : i32
        %dma_start3A_691 = arith.constant 0 : i32
        %dma_start3A_692 = tpu.memref_slice %arg11[%dma_start3A_688, %dma_start3A_689, %dma_start3A_690, %dma_start3A_691] : memref<2x8x128x16xf32, #tpu.memory_space<vmem>> -> memref<1x8x128x16xf32, #tpu.memory_space<vmem>>
        %dma_start3A_693 = tpu.memref_squeeze %dma_start3A_692 : memref<1x8x128x16xf32, #tpu.memory_space<vmem>> -> memref<8x128x16xf32, #tpu.memory_space<vmem>>
        %dma_start3A_694 = arith.constant 0 : i32
        %dma_start3A_695 = arith.constant 0 : i32
        %dma_start3A_696 = tpu.memref_slice %arg6[%add3A_687, %dma_start3A_694, %dma_start3A_695] : memref<12800x128x16xf32, #tpu.memory_space<hbm>> -> memref<8x128x16xf32, #tpu.memory_space<hbm>>
        %dma_start3A_697 = arith.constant 0 : i32
        %dma_start3A_698 = arith.constant 0 : i32
        %dma_start3A_699 = tpu.memref_slice %arg6[%add3A_687, %dma_start3A_697, %dma_start3A_698] : memref<12800x128x16xf32, #tpu.memory_space<hbm>> -> memref<8x128x16xf32, #tpu.memory_space<hbm>>
        %dma_start3A_700 = arith.constant 0 : i32
        %dma_start3A_701 = arith.constant 0 : i32
        %dma_start3A_702 = arith.constant 0 : i32
        %dma_start3A_703 = tpu.memref_slice %arg11[%dma_start3A_688, %dma_start3A_700, %dma_start3A_701, %dma_start3A_702] : memref<2x8x128x16xf32, #tpu.memory_space<vmem>> -> memref<1x8x128x16xf32, #tpu.memory_space<vmem>>
        %dma_start3A_704 = tpu.memref_squeeze %dma_start3A_703 : memref<1x8x128x16xf32, #tpu.memory_space<vmem>> -> memref<8x128x16xf32, #tpu.memory_space<vmem>>
        tpu.enqueue_dma source(%dma_start3A_704 : memref<8x128x16xf32, #tpu.memory_space<vmem>>) target(%dma_start3A_699 : memref<8x128x16xf32, #tpu.memory_space<hbm>>) target_semaphore(%arg22 : memref<!tpu.dma_semaphore, #tpu.memory_space<semaphore_mem>>)
      } else {
      }
      %dma_start3A_237 = arith.constant 0 : i32
      %dma_start3A_238 = arith.constant 0 : i32
      %dma_start3A_239 = arith.constant 0 : i32
      %dma_start3A_240 = arith.constant 0 : i32
      %dma_start3A_241 = arith.constant 0 : i32
      %dma_start3A_242 = arith.constant 0 : i32
      %dma_start3A_243 = arith.constant 0 : i32
      %dma_start3A_244 = tpu.memref_slice %arg11[%dma_start3A_239, %dma_start3A_241, %dma_start3A_242, %dma_start3A_243] : memref<2x8x128x16xf32, #tpu.memory_space<vmem>> -> memref<1x8x128x16xf32, #tpu.memory_space<vmem>>
      %dma_start3A_245 = tpu.memref_squeeze %dma_start3A_244 : memref<1x8x128x16xf32, #tpu.memory_space<vmem>> -> memref<8x128x16xf32, #tpu.memory_space<vmem>>
      %dma_start3A_246 = arith.constant 0 : i32
      %dma_start3A_247 = arith.constant 0 : i32
      %dma_start3A_248 = tpu.memref_slice %dma_start3A_245[%dma_start3A_240, %dma_start3A_246, %dma_start3A_247] : memref<8x128x16xf32, #tpu.memory_space<vmem>> -> memref<1x128x16xf32, #tpu.memory_space<vmem>>
      %dma_start3A_249 = tpu.memref_squeeze %dma_start3A_248 : memref<1x128x16xf32, #tpu.memory_space<vmem>> -> memref<128x16xf32, #tpu.memory_space<vmem>>
      %dma_start3A_250 = arith.constant 0 : i32
      %dma_start3A_251 = arith.constant 0 : i32
      %dma_start3A_252 = tpu.memref_slice %arg10[%dma_start3A_237, %dma_start3A_250, %dma_start3A_251] : memref<2x8x128xi32, #tpu.memory_space<vmem>> -> memref<1x8x128xi32, #tpu.memory_space<vmem>>
      %dma_start3A_253 = tpu.memref_squeeze %dma_start3A_252 : memref<1x8x128xi32, #tpu.memory_space<vmem>> -> memref<8x128xi32, #tpu.memory_space<vmem>>
      %dma_start3A_254 = arith.constant 0 : i32
      %dma_start3A_255 = tpu.memref_slice %dma_start3A_253[%dma_start3A_238, %dma_start3A_254] : memref<8x128xi32, #tpu.memory_space<vmem>> -> memref<1x128xi32, #tpu.memory_space<vmem>>
      %dma_start3A_256 = tpu.memref_squeeze %dma_start3A_255 : memref<1x128xi32, #tpu.memory_space<vmem>> -> memref<128xi32, #tpu.memory_space<vmem>>
      %dma_start3A_257 = arith.constant 0 : i32
      %dma_start3A_258 = arith.constant 0 : i32
      %dma_start3A_259 = tpu.memref_slice %arg12[%dma_start3A_257, %dma_start3A_258] : memref<2048x16xf32, #tpu.memory_space<vmem_shared>> -> memref<2048x16xf32, #tpu.memory_space<vmem_shared>>
      tpu.enqueue_indirect_dma source(%dma_start3A_259 : memref<2048x16xf32, #tpu.memory_space<vmem_shared>>) target(%dma_start3A_249 : memref<128x16xf32, #tpu.memory_space<vmem>>) offsets(%dma_start3A_256 : memref<128xi32, #tpu.memory_space<vmem>>) semaphore(%arg19 : memref<!tpu.dma_semaphore, #tpu.memory_space<semaphore_mem>>)
      %dma_start3A_260 = arith.constant 0 : i32
      %dma_start3A_261 = arith.constant 1 : i32
      %dma_start3A_262 = arith.constant 0 : i32
      %dma_start3A_263 = arith.constant 1 : i32
      %dma_start3A_264 = arith.constant 0 : i32
      %dma_start3A_265 = arith.constant 0 : i32
      %dma_start3A_266 = arith.constant 0 : i32
      %dma_start3A_267 = tpu.memref_slice %arg11[%dma_start3A_262, %dma_start3A_264, %dma_start3A_265, %dma_start3A_266] : memref<2x8x128x16xf32, #tpu.memory_space<vmem>> -> memref<1x8x128x16xf32, #tpu.memory_space<vmem>>
      %dma_start3A_268 = tpu.memref_squeeze %dma_start3A_267 : memref<1x8x128x16xf32, #tpu.memory_space<vmem>> -> memref<8x128x16xf32, #tpu.memory_space<vmem>>
      %dma_start3A_269 = arith.constant 0 : i32
      %dma_start3A_270 = arith.constant 0 : i32
      %dma_start3A_271 = tpu.memref_slice %dma_start3A_268[%dma_start3A_263, %dma_start3A_269, %dma_start3A_270] : memref<8x128x16xf32, #tpu.memory_space<vmem>> -> memref<1x128x16xf32, #tpu.memory_space<vmem>>
      %dma_start3A_272 = tpu.memref_squeeze %dma_start3A_271 : memref<1x128x16xf32, #tpu.memory_space<vmem>> -> memref<128x16xf32, #tpu.memory_space<vmem>>
      %dma_start3A_273 = arith.constant 0 : i32
      %dma_start3A_274 = arith.constant 0 : i32
      %dma_start3A_275 = tpu.memref_slice %arg10[%dma_start3A_260, %dma_start3A_273, %dma_start3A_274] : memref<2x8x128xi32, #tpu.memory_space<vmem>> -> memref<1x8x128xi32, #tpu.memory_space<vmem>>
      %dma_start3A_276 = tpu.memref_squeeze %dma_start3A_275 : memref<1x8x128xi32, #tpu.memory_space<vmem>> -> memref<8x128xi32, #tpu.memory_space<vmem>>
      %dma_start3A_277 = arith.constant 0 : i32
      %dma_start3A_278 = tpu.memref_slice %dma_start3A_276[%dma_start3A_261, %dma_start3A_277] : memref<8x128xi32, #tpu.memory_space<vmem>> -> memref<1x128xi32, #tpu.memory_space<vmem>>
      %dma_start3A_279 = tpu.memref_squeeze %dma_start3A_278 : memref<1x128xi32, #tpu.memory_space<vmem>> -> memref<128xi32, #tpu.memory_space<vmem>>
      %dma_start3A_280 = arith.constant 0 : i32
      %dma_start3A_281 = arith.constant 0 : i32
      %dma_start3A_282 = tpu.memref_slice %arg12[%dma_start3A_280, %dma_start3A_281] : memref<2048x16xf32, #tpu.memory_space<vmem_shared>> -> memref<2048x16xf32, #tpu.memory_space<vmem_shared>>
      tpu.enqueue_indirect_dma source(%dma_start3A_282 : memref<2048x16xf32, #tpu.memory_space<vmem_shared>>) target(%dma_start3A_272 : memref<128x16xf32, #tpu.memory_space<vmem>>) offsets(%dma_start3A_279 : memref<128xi32, #tpu.memory_space<vmem>>) semaphore(%arg19 : memref<!tpu.dma_semaphore, #tpu.memory_space<semaphore_mem>>)
      %dma_start3A_283 = arith.constant 0 : i32
      %dma_start3A_284 = arith.constant 2 : i32
      %dma_start3A_285 = arith.constant 0 : i32
      %dma_start3A_286 = arith.constant 2 : i32
      %dma_start3A_287 = arith.constant 0 : i32
      %dma_start3A_288 = arith.constant 0 : i32
      %dma_start3A_289 = arith.constant 0 : i32
      %dma_start3A_290 = tpu.memref_slice %arg11[%dma_start3A_285, %dma_start3A_287, %dma_start3A_288, %dma_start3A_289] : memref<2x8x128x16xf32, #tpu.memory_space<vmem>> -> memref<1x8x128x16xf32, #tpu.memory_space<vmem>>
      %dma_start3A_291 = tpu.memref_squeeze %dma_start3A_290 : memref<1x8x128x16xf32, #tpu.memory_space<vmem>> -> memref<8x128x16xf32, #tpu.memory_space<vmem>>
      %dma_start3A_292 = arith.constant 0 : i32
      %dma_start3A_293 = arith.constant 0 : i32
      %dma_start3A_294 = tpu.memref_slice %dma_start3A_291[%dma_start3A_286, %dma_start3A_292, %dma_start3A_293] : memref<8x128x16xf32, #tpu.memory_space<vmem>> -> memref<1x128x16xf32, #tpu.memory_space<vmem>>
      %dma_start3A_295 = tpu.memref_squeeze %dma_start3A_294 : memref<1x128x16xf32, #tpu.memory_space<vmem>> -> memref<128x16xf32, #tpu.memory_space<vmem>>
      %dma_start3A_296 = arith.constant 0 : i32
      %dma_start3A_297 = arith.constant 0 : i32
      %dma_start3A_298 = tpu.memref_slice %arg10[%dma_start3A_283, %dma_start3A_296, %dma_start3A_297] : memref<2x8x128xi32, #tpu.memory_space<vmem>> -> memref<1x8x128xi32, #tpu.memory_space<vmem>>
      %dma_start3A_299 = tpu.memref_squeeze %dma_start3A_298 : memref<1x8x128xi32, #tpu.memory_space<vmem>> -> memref<8x128xi32, #tpu.memory_space<vmem>>
      %dma_start3A_300 = arith.constant 0 : i32
      %dma_start3A_301 = tpu.memref_slice %dma_start3A_299[%dma_start3A_284, %dma_start3A_300] : memref<8x128xi32, #tpu.memory_space<vmem>> -> memref<1x128xi32, #tpu.memory_space<vmem>>
      %dma_start3A_302 = tpu.memref_squeeze %dma_start3A_301 : memref<1x128xi32, #tpu.memory_space<vmem>> -> memref<128xi32, #tpu.memory_space<vmem>>
      %dma_start3A_303 = arith.constant 0 : i32
      %dma_start3A_304 = arith.constant 0 : i32
      %dma_start3A_305 = tpu.memref_slice %arg12[%dma_start3A_303, %dma_start3A_304] : memref<2048x16xf32, #tpu.memory_space<vmem_shared>> -> memref<2048x16xf32, #tpu.memory_space<vmem_shared>>
      tpu.enqueue_indirect_dma source(%dma_start3A_305 : memref<2048x16xf32, #tpu.memory_space<vmem_shared>>) target(%dma_start3A_295 : memref<128x16xf32, #tpu.memory_space<vmem>>) offsets(%dma_start3A_302 : memref<128xi32, #tpu.memory_space<vmem>>) semaphore(%arg19 : memref<!tpu.dma_semaphore, #tpu.memory_space<semaphore_mem>>)
      %dma_start3A_306 = arith.constant 0 : i32
      %dma_start3A_307 = arith.constant 3 : i32
      %dma_start3A_308 = arith.constant 0 : i32
      %dma_start3A_309 = arith.constant 3 : i32
      %dma_start3A_310 = arith.constant 0 : i32
      %dma_start3A_311 = arith.constant 0 : i32
      %dma_start3A_312 = arith.constant 0 : i32
      %dma_start3A_313 = tpu.memref_slice %arg11[%dma_start3A_308, %dma_start3A_310, %dma_start3A_311, %dma_start3A_312] : memref<2x8x128x16xf32, #tpu.memory_space<vmem>> -> memref<1x8x128x16xf32, #tpu.memory_space<vmem>>
      %dma_start3A_314 = tpu.memref_squeeze %dma_start3A_313 : memref<1x8x128x16xf32, #tpu.memory_space<vmem>> -> memref<8x128x16xf32, #tpu.memory_space<vmem>>
      %dma_start3A_315 = arith.constant 0 : i32
      %dma_start3A_316 = arith.constant 0 : i32
      %dma_start3A_317 = tpu.memref_slice %dma_start3A_314[%dma_start3A_309, %dma_start3A_315, %dma_start3A_316] : memref<8x128x16xf32, #tpu.memory_space<vmem>> -> memref<1x128x16xf32, #tpu.memory_space<vmem>>
      %dma_start3A_318 = tpu.memref_squeeze %dma_start3A_317 : memref<1x128x16xf32, #tpu.memory_space<vmem>> -> memref<128x16xf32, #tpu.memory_space<vmem>>
      %dma_start3A_319 = arith.constant 0 : i32
      %dma_start3A_320 = arith.constant 0 : i32
      %dma_start3A_321 = tpu.memref_slice %arg10[%dma_start3A_306, %dma_start3A_319, %dma_start3A_320] : memref<2x8x128xi32, #tpu.memory_space<vmem>> -> memref<1x8x128xi32, #tpu.memory_space<vmem>>
      %dma_start3A_322 = tpu.memref_squeeze %dma_start3A_321 : memref<1x8x128xi32, #tpu.memory_space<vmem>> -> memref<8x128xi32, #tpu.memory_space<vmem>>
      %dma_start3A_323 = arith.constant 0 : i32
      %dma_start3A_324 = tpu.memref_slice %dma_start3A_322[%dma_start3A_307, %dma_start3A_323] : memref<8x128xi32, #tpu.memory_space<vmem>> -> memref<1x128xi32, #tpu.memory_space<vmem>>
      %dma_start3A_325 = tpu.memref_squeeze %dma_start3A_324 : memref<1x128xi32, #tpu.memory_space<vmem>> -> memref<128xi32, #tpu.memory_space<vmem>>
      %dma_start3A_326 = arith.constant 0 : i32
      %dma_start3A_327 = arith.constant 0 : i32
      %dma_start3A_328 = tpu.memref_slice %arg12[%dma_start3A_326, %dma_start3A_327] : memref<2048x16xf32, #tpu.memory_space<vmem_shared>> -> memref<2048x16xf32, #tpu.memory_space<vmem_shared>>
      tpu.enqueue_indirect_dma source(%dma_start3A_328 : memref<2048x16xf32, #tpu.memory_space<vmem_shared>>) target(%dma_start3A_318 : memref<128x16xf32, #tpu.memory_space<vmem>>) offsets(%dma_start3A_325 : memref<128xi32, #tpu.memory_space<vmem>>) semaphore(%arg19 : memref<!tpu.dma_semaphore, #tpu.memory_space<semaphore_mem>>)
      %dma_start3A_329 = arith.constant 0 : i32
      %dma_start3A_330 = arith.constant 4 : i32
      %dma_start3A_331 = arith.constant 0 : i32
      %dma_start3A_332 = arith.constant 4 : i32
      %dma_start3A_333 = arith.constant 0 : i32
      %dma_start3A_334 = arith.constant 0 : i32
      %dma_start3A_335 = arith.constant 0 : i32
      %dma_start3A_336 = tpu.memref_slice %arg11[%dma_start3A_331, %dma_start3A_333, %dma_start3A_334, %dma_start3A_335] : memref<2x8x128x16xf32, #tpu.memory_space<vmem>> -> memref<1x8x128x16xf32, #tpu.memory_space<vmem>>
      %dma_start3A_337 = tpu.memref_squeeze %dma_start3A_336 : memref<1x8x128x16xf32, #tpu.memory_space<vmem>> -> memref<8x128x16xf32, #tpu.memory_space<vmem>>
      %dma_start3A_338 = arith.constant 0 : i32
      %dma_start3A_339 = arith.constant 0 : i32
      %dma_start3A_340 = tpu.memref_slice %dma_start3A_337[%dma_start3A_332, %dma_start3A_338, %dma_start3A_339] : memref<8x128x16xf32, #tpu.memory_space<vmem>> -> memref<1x128x16xf32, #tpu.memory_space<vmem>>
      %dma_start3A_341 = tpu.memref_squeeze %dma_start3A_340 : memref<1x128x16xf32, #tpu.memory_space<vmem>> -> memref<128x16xf32, #tpu.memory_space<vmem>>
      %dma_start3A_342 = arith.constant 0 : i32
      %dma_start3A_343 = arith.constant 0 : i32
      %dma_start3A_344 = tpu.memref_slice %arg10[%dma_start3A_329, %dma_start3A_342, %dma_start3A_343] : memref<2x8x128xi32, #tpu.memory_space<vmem>> -> memref<1x8x128xi32, #tpu.memory_space<vmem>>
      %dma_start3A_345 = tpu.memref_squeeze %dma_start3A_344 : memref<1x8x128xi32, #tpu.memory_space<vmem>> -> memref<8x128xi32, #tpu.memory_space<vmem>>
      %dma_start3A_346 = arith.constant 0 : i32
      %dma_start3A_347 = tpu.memref_slice %dma_start3A_345[%dma_start3A_330, %dma_start3A_346] : memref<8x128xi32, #tpu.memory_space<vmem>> -> memref<1x128xi32, #tpu.memory_space<vmem>>
      %dma_start3A_348 = tpu.memref_squeeze %dma_start3A_347 : memref<1x128xi32, #tpu.memory_space<vmem>> -> memref<128xi32, #tpu.memory_space<vmem>>
      %dma_start3A_349 = arith.constant 0 : i32
      %dma_start3A_350 = arith.constant 0 : i32
      %dma_start3A_351 = tpu.memref_slice %arg12[%dma_start3A_349, %dma_start3A_350] : memref<2048x16xf32, #tpu.memory_space<vmem_shared>> -> memref<2048x16xf32, #tpu.memory_space<vmem_shared>>
      tpu.enqueue_indirect_dma source(%dma_start3A_351 : memref<2048x16xf32, #tpu.memory_space<vmem_shared>>) target(%dma_start3A_341 : memref<128x16xf32, #tpu.memory_space<vmem>>) offsets(%dma_start3A_348 : memref<128xi32, #tpu.memory_space<vmem>>) semaphore(%arg19 : memref<!tpu.dma_semaphore, #tpu.memory_space<semaphore_mem>>)
      %dma_start3A_352 = arith.constant 0 : i32
      %dma_start3A_353 = arith.constant 5 : i32
      %dma_start3A_354 = arith.constant 0 : i32
      %dma_start3A_355 = arith.constant 5 : i32
      %dma_start3A_356 = arith.constant 0 : i32
      %dma_start3A_357 = arith.constant 0 : i32
      %dma_start3A_358 = arith.constant 0 : i32
      %dma_start3A_359 = tpu.memref_slice %arg11[%dma_start3A_354, %dma_start3A_356, %dma_start3A_357, %dma_start3A_358] : memref<2x8x128x16xf32, #tpu.memory_space<vmem>> -> memref<1x8x128x16xf32, #tpu.memory_space<vmem>>
      %dma_start3A_360 = tpu.memref_squeeze %dma_start3A_359 : memref<1x8x128x16xf32, #tpu.memory_space<vmem>> -> memref<8x128x16xf32, #tpu.memory_space<vmem>>
      %dma_start3A_361 = arith.constant 0 : i32
      %dma_start3A_362 = arith.constant 0 : i32
      %dma_start3A_363 = tpu.memref_slice %dma_start3A_360[%dma_start3A_355, %dma_start3A_361, %dma_start3A_362] : memref<8x128x16xf32, #tpu.memory_space<vmem>> -> memref<1x128x16xf32, #tpu.memory_space<vmem>>
      %dma_start3A_364 = tpu.memref_squeeze %dma_start3A_363 : memref<1x128x16xf32, #tpu.memory_space<vmem>> -> memref<128x16xf32, #tpu.memory_space<vmem>>
      %dma_start3A_365 = arith.constant 0 : i32
      %dma_start3A_366 = arith.constant 0 : i32
      %dma_start3A_367 = tpu.memref_slice %arg10[%dma_start3A_352, %dma_start3A_365, %dma_start3A_366] : memref<2x8x128xi32, #tpu.memory_space<vmem>> -> memref<1x8x128xi32, #tpu.memory_space<vmem>>
      %dma_start3A_368 = tpu.memref_squeeze %dma_start3A_367 : memref<1x8x128xi32, #tpu.memory_space<vmem>> -> memref<8x128xi32, #tpu.memory_space<vmem>>
      %dma_start3A_369 = arith.constant 0 : i32
      %dma_start3A_370 = tpu.memref_slice %dma_start3A_368[%dma_start3A_353, %dma_start3A_369] : memref<8x128xi32, #tpu.memory_space<vmem>> -> memref<1x128xi32, #tpu.memory_space<vmem>>
      %dma_start3A_371 = tpu.memref_squeeze %dma_start3A_370 : memref<1x128xi32, #tpu.memory_space<vmem>> -> memref<128xi32, #tpu.memory_space<vmem>>
      %dma_start3A_372 = arith.constant 0 : i32
      %dma_start3A_373 = arith.constant 0 : i32
      %dma_start3A_374 = tpu.memref_slice %arg12[%dma_start3A_372, %dma_start3A_373] : memref<2048x16xf32, #tpu.memory_space<vmem_shared>> -> memref<2048x16xf32, #tpu.memory_space<vmem_shared>>
      tpu.enqueue_indirect_dma source(%dma_start3A_374 : memref<2048x16xf32, #tpu.memory_space<vmem_shared>>) target(%dma_start3A_364 : memref<128x16xf32, #tpu.memory_space<vmem>>) offsets(%dma_start3A_371 : memref<128xi32, #tpu.memory_space<vmem>>) semaphore(%arg19 : memref<!tpu.dma_semaphore, #tpu.memory_space<semaphore_mem>>)
      %dma_start3A_375 = arith.constant 0 : i32
      %dma_start3A_376 = arith.constant 6 : i32
      %dma_start3A_377 = arith.constant 0 : i32
      %dma_start3A_378 = arith.constant 6 : i32
      %dma_start3A_379 = arith.constant 0 : i32
      %dma_start3A_380 = arith.constant 0 : i32
      %dma_start3A_381 = arith.constant 0 : i32
      %dma_start3A_382 = tpu.memref_slice %arg11[%dma_start3A_377, %dma_start3A_379, %dma_start3A_380, %dma_start3A_381] : memref<2x8x128x16xf32, #tpu.memory_space<vmem>> -> memref<1x8x128x16xf32, #tpu.memory_space<vmem>>
      %dma_start3A_383 = tpu.memref_squeeze %dma_start3A_382 : memref<1x8x128x16xf32, #tpu.memory_space<vmem>> -> memref<8x128x16xf32, #tpu.memory_space<vmem>>
      %dma_start3A_384 = arith.constant 0 : i32
      %dma_start3A_385 = arith.constant 0 : i32
      %dma_start3A_386 = tpu.memref_slice %dma_start3A_383[%dma_start3A_378, %dma_start3A_384, %dma_start3A_385] : memref<8x128x16xf32, #tpu.memory_space<vmem>> -> memref<1x128x16xf32, #tpu.memory_space<vmem>>
      %dma_start3A_387 = tpu.memref_squeeze %dma_start3A_386 : memref<1x128x16xf32, #tpu.memory_space<vmem>> -> memref<128x16xf32, #tpu.memory_space<vmem>>
      %dma_start3A_388 = arith.constant 0 : i32
      %dma_start3A_389 = arith.constant 0 : i32
      %dma_start3A_390 = tpu.memref_slice %arg10[%dma_start3A_375, %dma_start3A_388, %dma_start3A_389] : memref<2x8x128xi32, #tpu.memory_space<vmem>> -> memref<1x8x128xi32, #tpu.memory_space<vmem>>
      %dma_start3A_391 = tpu.memref_squeeze %dma_start3A_390 : memref<1x8x128xi32, #tpu.memory_space<vmem>> -> memref<8x128xi32, #tpu.memory_space<vmem>>
      %dma_start3A_392 = arith.constant 0 : i32
      %dma_start3A_393 = tpu.memref_slice %dma_start3A_391[%dma_start3A_376, %dma_start3A_392] : memref<8x128xi32, #tpu.memory_space<vmem>> -> memref<1x128xi32, #tpu.memory_space<vmem>>
      %dma_start3A_394 = tpu.memref_squeeze %dma_start3A_393 : memref<1x128xi32, #tpu.memory_space<vmem>> -> memref<128xi32, #tpu.memory_space<vmem>>
      %dma_start3A_395 = arith.constant 0 : i32
      %dma_start3A_396 = arith.constant 0 : i32
      %dma_start3A_397 = tpu.memref_slice %arg12[%dma_start3A_395, %dma_start3A_396] : memref<2048x16xf32, #tpu.memory_space<vmem_shared>> -> memref<2048x16xf32, #tpu.memory_space<vmem_shared>>
      tpu.enqueue_indirect_dma source(%dma_start3A_397 : memref<2048x16xf32, #tpu.memory_space<vmem_shared>>) target(%dma_start3A_387 : memref<128x16xf32, #tpu.memory_space<vmem>>) offsets(%dma_start3A_394 : memref<128xi32, #tpu.memory_space<vmem>>) semaphore(%arg19 : memref<!tpu.dma_semaphore, #tpu.memory_space<semaphore_mem>>)
      %dma_start3A_398 = arith.constant 0 : i32
      %dma_start3A_399 = arith.constant 7 : i32
      %dma_start3A_400 = arith.constant 0 : i32
      %dma_start3A_401 = arith.constant 7 : i32
      %dma_start3A_402 = arith.constant 0 : i32
      %dma_start3A_403 = arith.constant 0 : i32
      %dma_start3A_404 = arith.constant 0 : i32
      %dma_start3A_405 = tpu.memref_slice %arg11[%dma_start3A_400, %dma_start3A_402, %dma_start3A_403, %dma_start3A_404] : memref<2x8x128x16xf32, #tpu.memory_space<vmem>> -> memref<1x8x128x16xf32, #tpu.memory_space<vmem>>
      %dma_start3A_406 = tpu.memref_squeeze %dma_start3A_405 : memref<1x8x128x16xf32, #tpu.memory_space<vmem>> -> memref<8x128x16xf32, #tpu.memory_space<vmem>>
      %dma_start3A_407 = arith.constant 0 : i32
      %dma_start3A_408 = arith.constant 0 : i32
      %dma_start3A_409 = tpu.memref_slice %dma_start3A_406[%dma_start3A_401, %dma_start3A_407, %dma_start3A_408] : memref<8x128x16xf32, #tpu.memory_space<vmem>> -> memref<1x128x16xf32, #tpu.memory_space<vmem>>
      %dma_start3A_410 = tpu.memref_squeeze %dma_start3A_409 : memref<1x128x16xf32, #tpu.memory_space<vmem>> -> memref<128x16xf32, #tpu.memory_space<vmem>>
      %dma_start3A_411 = arith.constant 0 : i32
      %dma_start3A_412 = arith.constant 0 : i32
      %dma_start3A_413 = tpu.memref_slice %arg10[%dma_start3A_398, %dma_start3A_411, %dma_start3A_412] : memref<2x8x128xi32, #tpu.memory_space<vmem>> -> memref<1x8x128xi32, #tpu.memory_space<vmem>>
      %dma_start3A_414 = tpu.memref_squeeze %dma_start3A_413 : memref<1x8x128xi32, #tpu.memory_space<vmem>> -> memref<8x128xi32, #tpu.memory_space<vmem>>
      %dma_start3A_415 = arith.constant 0 : i32
      %dma_start3A_416 = tpu.memref_slice %dma_start3A_414[%dma_start3A_399, %dma_start3A_415] : memref<8x128xi32, #tpu.memory_space<vmem>> -> memref<1x128xi32, #tpu.memory_space<vmem>>
      %dma_start3A_417 = tpu.memref_squeeze %dma_start3A_416 : memref<1x128xi32, #tpu.memory_space<vmem>> -> memref<128xi32, #tpu.memory_space<vmem>>
      %dma_start3A_418 = arith.constant 0 : i32
      %dma_start3A_419 = arith.constant 0 : i32
      %dma_start3A_420 = tpu.memref_slice %arg12[%dma_start3A_418, %dma_start3A_419] : memref<2048x16xf32, #tpu.memory_space<vmem_shared>> -> memref<2048x16xf32, #tpu.memory_space<vmem_shared>>
      tpu.enqueue_indirect_dma source(%dma_start3A_420 : memref<2048x16xf32, #tpu.memory_space<vmem_shared>>) target(%dma_start3A_410 : memref<128x16xf32, #tpu.memory_space<vmem>>) offsets(%dma_start3A_417 : memref<128xi32, #tpu.memory_space<vmem>>) semaphore(%arg19 : memref<!tpu.dma_semaphore, #tpu.memory_space<semaphore_mem>>)
      %lt3A_421 = arith.constant 49 : i32
      %lt3A_422 = arith.cmpi slt, %add3A_194, %lt3A_421 : i32
      %convert_element_type3A_423 = arith.extui %lt3A_422 : i1 to i32
      %cond3A_424 = arith.constant 0 : i32
      %cond3A_425 = arith.cmpi ne, %convert_element_type3A_423, %cond3A_424 : i32
      scf.if %cond3A_425 {
        %dma_wait3A_662 = arith.constant 1 : i32
        %dma_wait3A_663 = arith.constant 0 : i32
        %dma_wait3A_664 = tpu.memref_slice %arg7[%dma_wait3A_662, %dma_wait3A_663] : memref<2x128xi32, #tpu.memory_space<vmem>> -> memref<1x128xi32, #tpu.memory_space<vmem>>
        %dma_wait3A_665 = tpu.memref_squeeze %dma_wait3A_664 : memref<1x128xi32, #tpu.memory_space<vmem>> -> memref<128xi32, #tpu.memory_space<vmem>>
        %dma_wait3A_666 = arith.constant 0 : i32
        %dma_wait3A_667 = tpu.memref_slice %arg2[%dma_wait3A_666] : memref<204800xi32, #tpu.memory_space<hbm>> -> memref<128xi32, #tpu.memory_space<hbm>>
        %dma_wait3A_668 = arith.constant 0 : i32
        %dma_wait3A_669 = tpu.memref_slice %arg7[%dma_wait3A_662, %dma_wait3A_668] : memref<2x128xi32, #tpu.memory_space<vmem>> -> memref<1x128xi32, #tpu.memory_space<vmem>>
        %dma_wait3A_670 = tpu.memref_squeeze %dma_wait3A_669 : memref<1x128xi32, #tpu.memory_space<vmem>> -> memref<128xi32, #tpu.memory_space<vmem>>
        %dma_wait3A_671 = arith.constant 0 : i32
        %dma_wait3A_672 = tpu.memref_slice %arg2[%dma_wait3A_671] : memref<204800xi32, #tpu.memory_space<hbm>> -> memref<128xi32, #tpu.memory_space<hbm>>
        tpu.wait_dma2 semaphore(%arg16 : memref<!tpu.dma_semaphore, #tpu.memory_space<semaphore_mem>>) src(%dma_wait3A_672 : memref<128xi32, #tpu.memory_space<hbm>>) dst(%dma_wait3A_670 : memref<128xi32, #tpu.memory_space<vmem>>)
        %dma_start3A_673 = arith.constant 0 : i32
        %dma_start3A_674 = arith.constant 1 : i32
        %dma_start3A_675 = arith.constant 1 : i32
        %dma_start3A_676 = arith.constant 0 : i32
        %dma_start3A_677 = tpu.memref_slice %arg8[%dma_start3A_675, %dma_start3A_676] : memref<2x128xi32, #tpu.memory_space<vmem>> -> memref<1x128xi32, #tpu.memory_space<vmem>>
        %dma_start3A_678 = tpu.memref_squeeze %dma_start3A_677 : memref<1x128xi32, #tpu.memory_space<vmem>> -> memref<128xi32, #tpu.memory_space<vmem>>
        %dma_start3A_679 = arith.constant 0 : i32
        %dma_start3A_680 = tpu.memref_slice %arg7[%dma_start3A_674, %dma_start3A_679] : memref<2x128xi32, #tpu.memory_space<vmem>> -> memref<1x128xi32, #tpu.memory_space<vmem>>
        %dma_start3A_681 = tpu.memref_squeeze %dma_start3A_680 : memref<1x128xi32, #tpu.memory_space<vmem>> -> memref<128xi32, #tpu.memory_space<vmem>>
        %dma_start3A_682 = arith.constant 0 : i32
        %dma_start3A_683 = tpu.memref_slice %arg13[%dma_start3A_673, %dma_start3A_682] : memref<2x100001xi32, #tpu.memory_space<vmem_shared>> -> memref<1x100001xi32, #tpu.memory_space<vmem_shared>>
        %dma_start3A_684 = tpu.memref_squeeze %dma_start3A_683 : memref<1x100001xi32, #tpu.memory_space<vmem_shared>> -> memref<100001xi32, #tpu.memory_space<vmem_shared>>
        %dma_start3A_685 = arith.constant 0 : i32
        %dma_start3A_686 = tpu.memref_slice %dma_start3A_684[%dma_start3A_685] : memref<100001xi32, #tpu.memory_space<vmem_shared>> -> memref<100001xi32, #tpu.memory_space<vmem_shared>>
        tpu.enqueue_indirect_dma source(%dma_start3A_686 : memref<100001xi32, #tpu.memory_space<vmem_shared>>) target(%dma_start3A_678 : memref<128xi32, #tpu.memory_space<vmem>>) offsets(%dma_start3A_681 : memref<128xi32, #tpu.memory_space<vmem>>) semaphore(%arg18 : memref<!tpu.dma_semaphore, #tpu.memory_space<semaphore_mem>>)
        %dma_start3A_687 = arith.constant 1 : i32
        %dma_start3A_688 = arith.constant 1 : i32
        %dma_start3A_689 = arith.constant 1 : i32
        %dma_start3A_690 = arith.constant 0 : i32
        %dma_start3A_691 = tpu.memref_slice %arg9[%dma_start3A_689, %dma_start3A_690] : memref<2x128xi32, #tpu.memory_space<vmem>> -> memref<1x128xi32, #tpu.memory_space<vmem>>
        %dma_start3A_692 = tpu.memref_squeeze %dma_start3A_691 : memref<1x128xi32, #tpu.memory_space<vmem>> -> memref<128xi32, #tpu.memory_space<vmem>>
        %dma_start3A_693 = arith.constant 0 : i32
        %dma_start3A_694 = tpu.memref_slice %arg7[%dma_start3A_688, %dma_start3A_693] : memref<2x128xi32, #tpu.memory_space<vmem>> -> memref<1x128xi32, #tpu.memory_space<vmem>>
        %dma_start3A_695 = tpu.memref_squeeze %dma_start3A_694 : memref<1x128xi32, #tpu.memory_space<vmem>> -> memref<128xi32, #tpu.memory_space<vmem>>
        %dma_start3A_696 = arith.constant 0 : i32
        %dma_start3A_697 = tpu.memref_slice %arg13[%dma_start3A_687, %dma_start3A_696] : memref<2x100001xi32, #tpu.memory_space<vmem_shared>> -> memref<1x100001xi32, #tpu.memory_space<vmem_shared>>
        %dma_start3A_698 = tpu.memref_squeeze %dma_start3A_697 : memref<1x100001xi32, #tpu.memory_space<vmem_shared>> -> memref<100001xi32, #tpu.memory_space<vmem_shared>>
        %dma_start3A_699 = arith.constant 0 : i32
        %dma_start3A_700 = tpu.memref_slice %dma_start3A_698[%dma_start3A_699] : memref<100001xi32, #tpu.memory_space<vmem_shared>> -> memref<100001xi32, #tpu.memory_space<vmem_shared>>
        tpu.enqueue_indirect_dma source(%dma_start3A_700 : memref<100001xi32, #tpu.memory_space<vmem_shared>>) target(%dma_start3A_692 : memref<128xi32, #tpu.memory_space<vmem>>) offsets(%dma_start3A_695 : memref<128xi32, #tpu.memory_space<vmem>>) semaphore(%arg18 : memref<!tpu.dma_semaphore, #tpu.memory_space<semaphore_mem>>)
      } else {
      }
      %mul3A_426 = arith.constant 2 : i32
      %mul3A_427 = arith.muli %mul3A_426, %scan3A_190 : i32
      %add3A_428 = arith.constant 1 : i32
      %add3A_429 = arith.addi %mul3A_427, %add3A_428 : i32
      %dma_wait3A_430 = arith.constant 1 : i32
      %dma_wait3A_431 = arith.constant 0 : i32
      %dma_wait3A_432 = tpu.memref_slice %arg8[%dma_wait3A_430, %dma_wait3A_431] : memref<2x128xi32, #tpu.memory_space<vmem>> -> memref<1x128xi32, #tpu.memory_space<vmem>>
      %dma_wait3A_433 = tpu.memref_squeeze %dma_wait3A_432 : memref<1x128xi32, #tpu.memory_space<vmem>> -> memref<128xi32, #tpu.memory_space<vmem>>
      %dma_wait3A_434 = arith.constant 0 : i32
      %dma_wait3A_435 = tpu.memref_slice %arg3[%dma_wait3A_434] : memref<100001xi32, #tpu.memory_space<hbm>> -> memref<128xi32, #tpu.memory_space<hbm>>
      %dma_wait3A_436 = arith.constant 0 : i32
      %dma_wait3A_437 = tpu.memref_slice %arg8[%dma_wait3A_430, %dma_wait3A_436] : memref<2x128xi32, #tpu.memory_space<vmem>> -> memref<1x128xi32, #tpu.memory_space<vmem>>
      %dma_wait3A_438 = tpu.memref_squeeze %dma_wait3A_437 : memref<1x128xi32, #tpu.memory_space<vmem>> -> memref<128xi32, #tpu.memory_space<vmem>>
      %dma_wait3A_439 = arith.constant 0 : i32
      %dma_wait3A_440 = tpu.memref_slice %arg3[%dma_wait3A_439] : memref<100001xi32, #tpu.memory_space<hbm>> -> memref<128xi32, #tpu.memory_space<hbm>>
      tpu.wait_dma2 semaphore(%arg18 : memref<!tpu.dma_semaphore, #tpu.memory_space<semaphore_mem>>) src(%dma_wait3A_440 : memref<128xi32, #tpu.memory_space<hbm>>) dst(%dma_wait3A_438 : memref<128xi32, #tpu.memory_space<vmem>>)
      %dma_wait3A_441 = arith.constant 1 : i32
      %dma_wait3A_442 = arith.constant 0 : i32
      %dma_wait3A_443 = tpu.memref_slice %arg9[%dma_wait3A_441, %dma_wait3A_442] : memref<2x128xi32, #tpu.memory_space<vmem>> -> memref<1x128xi32, #tpu.memory_space<vmem>>
      %dma_wait3A_444 = tpu.memref_squeeze %dma_wait3A_443 : memref<1x128xi32, #tpu.memory_space<vmem>> -> memref<128xi32, #tpu.memory_space<vmem>>
      %dma_wait3A_445 = arith.constant 0 : i32
      %dma_wait3A_446 = tpu.memref_slice %arg4[%dma_wait3A_445] : memref<100001xi32, #tpu.memory_space<hbm>> -> memref<128xi32, #tpu.memory_space<hbm>>
      %dma_wait3A_447 = arith.constant 0 : i32
      %dma_wait3A_448 = tpu.memref_slice %arg9[%dma_wait3A_441, %dma_wait3A_447] : memref<2x128xi32, #tpu.memory_space<vmem>> -> memref<1x128xi32, #tpu.memory_space<vmem>>
      %dma_wait3A_449 = tpu.memref_squeeze %dma_wait3A_448 : memref<1x128xi32, #tpu.memory_space<vmem>> -> memref<128xi32, #tpu.memory_space<vmem>>
      %dma_wait3A_450 = arith.constant 0 : i32
      %dma_wait3A_451 = tpu.memref_slice %arg4[%dma_wait3A_450] : memref<100001xi32, #tpu.memory_space<hbm>> -> memref<128xi32, #tpu.memory_space<hbm>>
      tpu.wait_dma2 semaphore(%arg18 : memref<!tpu.dma_semaphore, #tpu.memory_space<semaphore_mem>>) src(%dma_wait3A_451 : memref<128xi32, #tpu.memory_space<hbm>>) dst(%dma_wait3A_449 : memref<128xi32, #tpu.memory_space<vmem>>)
      %lt3A_452 = arith.constant 48 : i32
      %lt3A_453 = arith.cmpi slt, %add3A_429, %lt3A_452 : i32
      %convert_element_type3A_454 = arith.extui %lt3A_453 : i1 to i32
      %cond3A_455 = arith.constant 0 : i32
      %cond3A_456 = arith.cmpi ne, %convert_element_type3A_454, %cond3A_455 : i32
      scf.if %cond3A_456 {
        %add3A_662 = arith.constant 2 : i32
        %add3A_663 = arith.addi %add3A_429, %add3A_662 : i32
        %mul3A_664 = arith.constant 50 : i32
        %mul3A_665 = arith.muli %add3A, %mul3A_664 : i32
        %add3A_666 = arith.addi %mul3A_665, %add3A_663 : i32
        %mul3A_667 = arith.constant 128 : i32
        %mul3A_668 = arith.muli %add3A_666, %mul3A_667 : i32
        %dma_start3A_669 = arith.constant 1 : i32
        %dma_start3A_670 = arith.constant 0 : i32
        %dma_start3A_671 = tpu.memref_slice %arg7[%dma_start3A_669, %dma_start3A_670] : memref<2x128xi32, #tpu.memory_space<vmem>> -> memref<1x128xi32, #tpu.memory_space<vmem>>
        %dma_start3A_672 = tpu.memref_squeeze %dma_start3A_671 : memref<1x128xi32, #tpu.memory_space<vmem>> -> memref<128xi32, #tpu.memory_space<vmem>>
        %dma_start3A_673 = tpu.memref_slice %arg2[%mul3A_668] : memref<204800xi32, #tpu.memory_space<hbm>> -> memref<128xi32, #tpu.memory_space<hbm>>
        %dma_start3A_674 = arith.constant 0 : i32
        %dma_start3A_675 = tpu.memref_slice %arg7[%dma_start3A_669, %dma_start3A_674] : memref<2x128xi32, #tpu.memory_space<vmem>> -> memref<1x128xi32, #tpu.memory_space<vmem>>
        %dma_start3A_676 = tpu.memref_squeeze %dma_start3A_675 : memref<1x128xi32, #tpu.memory_space<vmem>> -> memref<128xi32, #tpu.memory_space<vmem>>
        %dma_start3A_677 = tpu.memref_slice %arg2[%mul3A_668] : memref<204800xi32, #tpu.memory_space<hbm>> -> memref<128xi32, #tpu.memory_space<hbm>>
        tpu.enqueue_dma source(%dma_start3A_677 : memref<128xi32, #tpu.memory_space<hbm>>) target(%dma_start3A_676 : memref<128xi32, #tpu.memory_space<vmem>>) target_semaphore(%arg16 : memref<!tpu.dma_semaphore, #tpu.memory_space<semaphore_mem>>)
      } else {
      }
      %scan3A_457 = arith.constant 0 : i32
      %scan3A_458 = arith.constant 0 : i32
      %scan3A_459 = arith.constant 64 : i32
      %scan3A_460 = arith.addi %scan3A_458, %scan3A_459 : i32
      %scan3A_461 = arith.constant 8 : i32
      scf.for %scan3A_662 = %scan3A_458 to %scan3A_460 step %scan3A_461  : i32 {
        %mul3A_663 = arith.constant 2 : i32
        %mul3A_664 = arith.muli %mul3A_663, %scan3A_662 : i32
        %add3A_665 = vector.broadcast %mul3A_664 : i32 to vector<16xi32>
        %add3A_666 = arith.addi %select_n3A, %add3A_665 : vector<16xi32>
        %gather3A = arith.constant 1 : i32
        %gather3A_667 = arith.constant 0 : i32
        %gather3A_668 = tpu.memref_slice %arg8[%gather3A, %gather3A_667] : memref<2x128xi32, #tpu.memory_space<vmem>> -> memref<1x128xi32, #tpu.memory_space<vmem>>
        %gather3A_669 = tpu.memref_squeeze %gather3A_668 : memref<1x128xi32, #tpu.memory_space<vmem>> -> memref<128xi32, #tpu.memory_space<vmem>>
        %gather3A_670 = tpu.vector_load_idx %gather3A_669[%add3A_666] : memref<128xi32, #tpu.memory_space<vmem>>[vector<16xi32>], vector<16xi32>,
        %gather3A_671 = arith.constant 1 : i32
        %gather3A_672 = arith.constant 0 : i32
        %gather3A_673 = tpu.memref_slice %arg9[%gather3A_671, %gather3A_672] : memref<2x128xi32, #tpu.memory_space<vmem>> -> memref<1x128xi32, #tpu.memory_space<vmem>>
        %gather3A_674 = tpu.memref_squeeze %gather3A_673 : memref<1x128xi32, #tpu.memory_space<vmem>> -> memref<128xi32, #tpu.memory_space<vmem>>
        %gather3A_675 = tpu.vector_load_idx %gather3A_674[%add3A_666] : memref<128xi32, #tpu.memory_space<vmem>>[vector<16xi32>], vector<16xi32>,
        %select_n3A_676 = arith.select %lt3A_31, %gather3A_670, %gather3A_675 : vector<16xi1>, vector<16xi32>
        %shift_right_logical3A = arith.shrui %select_n3A_676, %mul3A_37 : vector<16xi32>
        %and3A_677 = arith.constant 255 : i32
        %and3A_678 = vector.broadcast %and3A_677 : i32 to vector<16xi32>
        %and3A_679 = arith.andi %shift_right_logical3A, %and3A_678 : vector<16xi32>
        %jit3A_680 = arith.constant 8 : i32
        %div3A_681 = arith.divsi %scan3A_662, %jit3A_680 : i32
        %sign3A_682 = arith.constant 0 : i32
        %sign3A_683 = arith.cmpi sgt, %scan3A_662, %sign3A_682 : i32
        %sign3A_684 = arith.extui %sign3A_683 : i1 to i32
        %sign3A_685 = arith.constant 0 : i32
        %sign3A_686 = arith.cmpi slt, %scan3A_662, %sign3A_685 : i32
        %sign3A_687 = arith.extui %sign3A_686 : i1 to i32
        %sign3A_688 = arith.subi %sign3A_684, %sign3A_687 : i32
        %sign3A_689 = arith.constant 0 : i32
        %sign3A_690 = arith.cmpi sgt, %jit3A_680, %sign3A_689 : i32
        %sign3A_691 = arith.extui %sign3A_690 : i1 to i32
        %sign3A_692 = arith.constant 0 : i32
        %sign3A_693 = arith.cmpi slt, %jit3A_680, %sign3A_692 : i32
        %sign3A_694 = arith.extui %sign3A_693 : i1 to i32
        %sign3A_695 = arith.subi %sign3A_691, %sign3A_694 : i32
        %ne3A_696 = arith.cmpi ne, %sign3A_688, %sign3A_695 : i32
        %rem3A_697 = arith.remsi %scan3A_662, %jit3A_680 : i32
        %ne3A_698 = arith.constant 0 : i32
        %ne3A_699 = arith.cmpi ne, %rem3A_697, %ne3A_698 : i32
        %and3A_700 = arith.andi %ne3A_696, %ne3A_699 : i1
        %sub3A_701 = arith.constant 1 : i32
        %sub3A_702 = arith.subi %div3A_681, %sub3A_701 : i32
        %select_n3A_703 = arith.select %and3A_700, %sub3A_702, %div3A_681 : i32
        %mul3A_704 = arith.constant 8 : i32
        %mul3A_705 = arith.muli %select_n3A_703, %mul3A_704 : i32
        %sub3A_706 = arith.subi %scan3A_662, %mul3A_705 : i32
        %mul3A_707 = arith.constant 16 : i32
        %mul3A_708 = arith.muli %sub3A_706, %mul3A_707 : i32
        %add3A_709 = arith.addi %and3A_679, %mul3A_29 : vector<16xi32>
        %swap3A = arith.constant 1 : i32
        %swap3A_710 = arith.constant 0 : i32
        %swap3A_711 = arith.constant 0 : i32
        %swap3A_712 = tpu.memref_slice %arg10[%swap3A, %swap3A_710, %swap3A_711] : memref<2x8x128xi32, #tpu.memory_space<vmem>> -> memref<1x8x128xi32, #tpu.memory_space<vmem>>
        %swap3A_713 = tpu.memref_squeeze %swap3A_712 : memref<1x8x128xi32, #tpu.memory_space<vmem>> -> memref<8x128xi32, #tpu.memory_space<vmem>>
        %swap3A_714 = arith.constant 0 : i32
        %swap3A_715 = tpu.memref_slice %swap3A_713[%select_n3A_703, %swap3A_714] : memref<8x128xi32, #tpu.memory_space<vmem>> -> memref<1x128xi32, #tpu.memory_space<vmem>>
        %swap3A_716 = tpu.memref_squeeze %swap3A_715 : memref<1x128xi32, #tpu.memory_space<vmem>> -> memref<128xi32, #tpu.memory_space<vmem>>
        %swap3A_717 = arith.index_cast %mul3A_708 : i32 to index
        %swap3A_718 = tpu.vector_load %swap3A_716[%swap3A_717] {strides = array<i32>} : memref<128xi32, #tpu.memory_space<vmem>>, vector<16xi32>,
        tpu.vector_store %swap3A_716[%swap3A_717], %add3A_709 {strides = array<i32>} : memref<128xi32, #tpu.memory_space<vmem>>, vector<16xi32>,
        %scan3A_719 = arith.constant 1 : i32
        %scan3A_720 = arith.addi %scan3A_662, %scan3A_719 : i32
        %mul3A_721 = arith.constant 2 : i32
        %mul3A_722 = arith.muli %mul3A_721, %scan3A_720 : i32
        %add3A_723 = vector.broadcast %mul3A_722 : i32 to vector<16xi32>
        %add3A_724 = arith.addi %select_n3A, %add3A_723 : vector<16xi32>
        %gather3A_725 = arith.constant 1 : i32
        %gather3A_726 = arith.constant 0 : i32
        %gather3A_727 = tpu.memref_slice %arg8[%gather3A_725, %gather3A_726] : memref<2x128xi32, #tpu.memory_space<vmem>> -> memref<1x128xi32, #tpu.memory_space<vmem>>
        %gather3A_728 = tpu.memref_squeeze %gather3A_727 : memref<1x128xi32, #tpu.memory_space<vmem>> -> memref<128xi32, #tpu.memory_space<vmem>>
        %gather3A_729 = tpu.vector_load_idx %gather3A_728[%add3A_724] : memref<128xi32, #tpu.memory_space<vmem>>[vector<16xi32>], vector<16xi32>,
        %gather3A_730 = arith.constant 1 : i32
        %gather3A_731 = arith.constant 0 : i32
        %gather3A_732 = tpu.memref_slice %arg9[%gather3A_730, %gather3A_731] : memref<2x128xi32, #tpu.memory_space<vmem>> -> memref<1x128xi32, #tpu.memory_space<vmem>>
        %gather3A_733 = tpu.memref_squeeze %gather3A_732 : memref<1x128xi32, #tpu.memory_space<vmem>> -> memref<128xi32, #tpu.memory_space<vmem>>
        %gather3A_734 = tpu.vector_load_idx %gather3A_733[%add3A_724] : memref<128xi32, #tpu.memory_space<vmem>>[vector<16xi32>], vector<16xi32>,
        %select_n3A_735 = arith.select %lt3A_31, %gather3A_729, %gather3A_734 : vector<16xi1>, vector<16xi32>
        %shift_right_logical3A_736 = arith.shrui %select_n3A_735, %mul3A_37 : vector<16xi32>
        %and3A_737 = arith.constant 255 : i32
        %and3A_738 = vector.broadcast %and3A_737 : i32 to vector<16xi32>
        %and3A_739 = arith.andi %shift_right_logical3A_736, %and3A_738 : vector<16xi32>
        %jit3A_740 = arith.constant 8 : i32
        %div3A_741 = arith.divsi %scan3A_720, %jit3A_740 : i32
        %sign3A_742 = arith.constant 0 : i32
        %sign3A_743 = arith.cmpi sgt, %scan3A_720, %sign3A_742 : i32
        %sign3A_744 = arith.extui %sign3A_743 : i1 to i32
        %sign3A_745 = arith.constant 0 : i32
        %sign3A_746 = arith.cmpi slt, %scan3A_720, %sign3A_745 : i32
        %sign3A_747 = arith.extui %sign3A_746 : i1 to i32
        %sign3A_748 = arith.subi %sign3A_744, %sign3A_747 : i32
        %sign3A_749 = arith.constant 0 : i32
        %sign3A_750 = arith.cmpi sgt, %jit3A_740, %sign3A_749 : i32
        %sign3A_751 = arith.extui %sign3A_750 : i1 to i32
        %sign3A_752 = arith.constant 0 : i32
        %sign3A_753 = arith.cmpi slt, %jit3A_740, %sign3A_752 : i32
        %sign3A_754 = arith.extui %sign3A_753 : i1 to i32
        %sign3A_755 = arith.subi %sign3A_751, %sign3A_754 : i32
        %ne3A_756 = arith.cmpi ne, %sign3A_748, %sign3A_755 : i32
        %rem3A_757 = arith.remsi %scan3A_720, %jit3A_740 : i32
        %ne3A_758 = arith.constant 0 : i32
        %ne3A_759 = arith.cmpi ne, %rem3A_757, %ne3A_758 : i32
        %and3A_760 = arith.andi %ne3A_756, %ne3A_759 : i1
        %sub3A_761 = arith.constant 1 : i32
        %sub3A_762 = arith.subi %div3A_741, %sub3A_761 : i32
        %select_n3A_763 = arith.select %and3A_760, %sub3A_762, %div3A_741 : i32
        %mul3A_764 = arith.constant 8 : i32
        %mul3A_765 = arith.muli %select_n3A_763, %mul3A_764 : i32
        %sub3A_766 = arith.subi %scan3A_720, %mul3A_765 : i32
        %mul3A_767 = arith.constant 16 : i32
        %mul3A_768 = arith.muli %sub3A_766, %mul3A_767 : i32
        %add3A_769 = arith.addi %and3A_739, %mul3A_29 : vector<16xi32>
        %swap3A_770 = arith.constant 1 : i32
        %swap3A_771 = arith.constant 0 : i32
        %swap3A_772 = arith.constant 0 : i32
        %swap3A_773 = tpu.memref_slice %arg10[%swap3A_770, %swap3A_771, %swap3A_772] : memref<2x8x128xi32, #tpu.memory_space<vmem>> -> memref<1x8x128xi32, #tpu.memory_space<vmem>>
        %swap3A_774 = tpu.memref_squeeze %swap3A_773 : memref<1x8x128xi32, #tpu.memory_space<vmem>> -> memref<8x128xi32, #tpu.memory_space<vmem>>
        %swap3A_775 = arith.constant 0 : i32
        %swap3A_776 = tpu.memref_slice %swap3A_774[%select_n3A_763, %swap3A_775] : memref<8x128xi32, #tpu.memory_space<vmem>> -> memref<1x128xi32, #tpu.memory_space<vmem>>
        %swap3A_777 = tpu.memref_squeeze %swap3A_776 : memref<1x128xi32, #tpu.memory_space<vmem>> -> memref<128xi32, #tpu.memory_space<vmem>>
        %swap3A_778 = arith.index_cast %mul3A_768 : i32 to index
        %swap3A_779 = tpu.vector_load %swap3A_777[%swap3A_778] {strides = array<i32>} : memref<128xi32, #tpu.memory_space<vmem>>, vector<16xi32>,
        tpu.vector_store %swap3A_777[%swap3A_778], %add3A_769 {strides = array<i32>} : memref<128xi32, #tpu.memory_space<vmem>>, vector<16xi32>,
        %scan3A_780 = arith.constant 2 : i32
        %scan3A_781 = arith.addi %scan3A_662, %scan3A_780 : i32
        %mul3A_782 = arith.constant 2 : i32
        %mul3A_783 = arith.muli %mul3A_782, %scan3A_781 : i32
        %add3A_784 = vector.broadcast %mul3A_783 : i32 to vector<16xi32>
        %add3A_785 = arith.addi %select_n3A, %add3A_784 : vector<16xi32>
        %gather3A_786 = arith.constant 1 : i32
        %gather3A_787 = arith.constant 0 : i32
        %gather3A_788 = tpu.memref_slice %arg8[%gather3A_786, %gather3A_787] : memref<2x128xi32, #tpu.memory_space<vmem>> -> memref<1x128xi32, #tpu.memory_space<vmem>>
        %gather3A_789 = tpu.memref_squeeze %gather3A_788 : memref<1x128xi32, #tpu.memory_space<vmem>> -> memref<128xi32, #tpu.memory_space<vmem>>
        %gather3A_790 = tpu.vector_load_idx %gather3A_789[%add3A_785] : memref<128xi32, #tpu.memory_space<vmem>>[vector<16xi32>], vector<16xi32>,
        %gather3A_791 = arith.constant 1 : i32
        %gather3A_792 = arith.constant 0 : i32
        %gather3A_793 = tpu.memref_slice %arg9[%gather3A_791, %gather3A_792] : memref<2x128xi32, #tpu.memory_space<vmem>> -> memref<1x128xi32, #tpu.memory_space<vmem>>
        %gather3A_794 = tpu.memref_squeeze %gather3A_793 : memref<1x128xi32, #tpu.memory_space<vmem>> -> memref<128xi32, #tpu.memory_space<vmem>>
        %gather3A_795 = tpu.vector_load_idx %gather3A_794[%add3A_785] : memref<128xi32, #tpu.memory_space<vmem>>[vector<16xi32>], vector<16xi32>,
        %select_n3A_796 = arith.select %lt3A_31, %gather3A_790, %gather3A_795 : vector<16xi1>, vector<16xi32>
        %shift_right_logical3A_797 = arith.shrui %select_n3A_796, %mul3A_37 : vector<16xi32>
        %and3A_798 = arith.constant 255 : i32
        %and3A_799 = vector.broadcast %and3A_798 : i32 to vector<16xi32>
        %and3A_800 = arith.andi %shift_right_logical3A_797, %and3A_799 : vector<16xi32>
        %jit3A_801 = arith.constant 8 : i32
        %div3A_802 = arith.divsi %scan3A_781, %jit3A_801 : i32
        %sign3A_803 = arith.constant 0 : i32
        %sign3A_804 = arith.cmpi sgt, %scan3A_781, %sign3A_803 : i32
        %sign3A_805 = arith.extui %sign3A_804 : i1 to i32
        %sign3A_806 = arith.constant 0 : i32
        %sign3A_807 = arith.cmpi slt, %scan3A_781, %sign3A_806 : i32
        %sign3A_808 = arith.extui %sign3A_807 : i1 to i32
        %sign3A_809 = arith.subi %sign3A_805, %sign3A_808 : i32
        %sign3A_810 = arith.constant 0 : i32
        %sign3A_811 = arith.cmpi sgt, %jit3A_801, %sign3A_810 : i32
        %sign3A_812 = arith.extui %sign3A_811 : i1 to i32
        %sign3A_813 = arith.constant 0 : i32
        %sign3A_814 = arith.cmpi slt, %jit3A_801, %sign3A_813 : i32
        %sign3A_815 = arith.extui %sign3A_814 : i1 to i32
        %sign3A_816 = arith.subi %sign3A_812, %sign3A_815 : i32
        %ne3A_817 = arith.cmpi ne, %sign3A_809, %sign3A_816 : i32
        %rem3A_818 = arith.remsi %scan3A_781, %jit3A_801 : i32
        %ne3A_819 = arith.constant 0 : i32
        %ne3A_820 = arith.cmpi ne, %rem3A_818, %ne3A_819 : i32
        %and3A_821 = arith.andi %ne3A_817, %ne3A_820 : i1
        %sub3A_822 = arith.constant 1 : i32
        %sub3A_823 = arith.subi %div3A_802, %sub3A_822 : i32
        %select_n3A_824 = arith.select %and3A_821, %sub3A_823, %div3A_802 : i32
        %mul3A_825 = arith.constant 8 : i32
        %mul3A_826 = arith.muli %select_n3A_824, %mul3A_825 : i32
        %sub3A_827 = arith.subi %scan3A_781, %mul3A_826 : i32
        %mul3A_828 = arith.constant 16 : i32
        %mul3A_829 = arith.muli %sub3A_827, %mul3A_828 : i32
        %add3A_830 = arith.addi %and3A_800, %mul3A_29 : vector<16xi32>
        %swap3A_831 = arith.constant 1 : i32
        %swap3A_832 = arith.constant 0 : i32
        %swap3A_833 = arith.constant 0 : i32
        %swap3A_834 = tpu.memref_slice %arg10[%swap3A_831, %swap3A_832, %swap3A_833] : memref<2x8x128xi32, #tpu.memory_space<vmem>> -> memref<1x8x128xi32, #tpu.memory_space<vmem>>
        %swap3A_835 = tpu.memref_squeeze %swap3A_834 : memref<1x8x128xi32, #tpu.memory_space<vmem>> -> memref<8x128xi32, #tpu.memory_space<vmem>>
        %swap3A_836 = arith.constant 0 : i32
        %swap3A_837 = tpu.memref_slice %swap3A_835[%select_n3A_824, %swap3A_836] : memref<8x128xi32, #tpu.memory_space<vmem>> -> memref<1x128xi32, #tpu.memory_space<vmem>>
        %swap3A_838 = tpu.memref_squeeze %swap3A_837 : memref<1x128xi32, #tpu.memory_space<vmem>> -> memref<128xi32, #tpu.memory_space<vmem>>
        %swap3A_839 = arith.index_cast %mul3A_829 : i32 to index
        %swap3A_840 = tpu.vector_load %swap3A_838[%swap3A_839] {strides = array<i32>} : memref<128xi32, #tpu.memory_space<vmem>>, vector<16xi32>,
        tpu.vector_store %swap3A_838[%swap3A_839], %add3A_830 {strides = array<i32>} : memref<128xi32, #tpu.memory_space<vmem>>, vector<16xi32>,
        %scan3A_841 = arith.constant 3 : i32
        %scan3A_842 = arith.addi %scan3A_662, %scan3A_841 : i32
        %mul3A_843 = arith.constant 2 : i32
        %mul3A_844 = arith.muli %mul3A_843, %scan3A_842 : i32
        %add3A_845 = vector.broadcast %mul3A_844 : i32 to vector<16xi32>
        %add3A_846 = arith.addi %select_n3A, %add3A_845 : vector<16xi32>
        %gather3A_847 = arith.constant 1 : i32
        %gather3A_848 = arith.constant 0 : i32
        %gather3A_849 = tpu.memref_slice %arg8[%gather3A_847, %gather3A_848] : memref<2x128xi32, #tpu.memory_space<vmem>> -> memref<1x128xi32, #tpu.memory_space<vmem>>
        %gather3A_850 = tpu.memref_squeeze %gather3A_849 : memref<1x128xi32, #tpu.memory_space<vmem>> -> memref<128xi32, #tpu.memory_space<vmem>>
        %gather3A_851 = tpu.vector_load_idx %gather3A_850[%add3A_846] : memref<128xi32, #tpu.memory_space<vmem>>[vector<16xi32>], vector<16xi32>,
        %gather3A_852 = arith.constant 1 : i32
        %gather3A_853 = arith.constant 0 : i32
        %gather3A_854 = tpu.memref_slice %arg9[%gather3A_852, %gather3A_853] : memref<2x128xi32, #tpu.memory_space<vmem>> -> memref<1x128xi32, #tpu.memory_space<vmem>>
        %gather3A_855 = tpu.memref_squeeze %gather3A_854 : memref<1x128xi32, #tpu.memory_space<vmem>> -> memref<128xi32, #tpu.memory_space<vmem>>
        %gather3A_856 = tpu.vector_load_idx %gather3A_855[%add3A_846] : memref<128xi32, #tpu.memory_space<vmem>>[vector<16xi32>], vector<16xi32>,
        %select_n3A_857 = arith.select %lt3A_31, %gather3A_851, %gather3A_856 : vector<16xi1>, vector<16xi32>
        %shift_right_logical3A_858 = arith.shrui %select_n3A_857, %mul3A_37 : vector<16xi32>
        %and3A_859 = arith.constant 255 : i32
        %and3A_860 = vector.broadcast %and3A_859 : i32 to vector<16xi32>
        %and3A_861 = arith.andi %shift_right_logical3A_858, %and3A_860 : vector<16xi32>
        %jit3A_862 = arith.constant 8 : i32
        %div3A_863 = arith.divsi %scan3A_842, %jit3A_862 : i32
        %sign3A_864 = arith.constant 0 : i32
        %sign3A_865 = arith.cmpi sgt, %scan3A_842, %sign3A_864 : i32
        %sign3A_866 = arith.extui %sign3A_865 : i1 to i32
        %sign3A_867 = arith.constant 0 : i32
        %sign3A_868 = arith.cmpi slt, %scan3A_842, %sign3A_867 : i32
        %sign3A_869 = arith.extui %sign3A_868 : i1 to i32
        %sign3A_870 = arith.subi %sign3A_866, %sign3A_869 : i32
        %sign3A_871 = arith.constant 0 : i32
        %sign3A_872 = arith.cmpi sgt, %jit3A_862, %sign3A_871 : i32
        %sign3A_873 = arith.extui %sign3A_872 : i1 to i32
        %sign3A_874 = arith.constant 0 : i32
        %sign3A_875 = arith.cmpi slt, %jit3A_862, %sign3A_874 : i32
        %sign3A_876 = arith.extui %sign3A_875 : i1 to i32
        %sign3A_877 = arith.subi %sign3A_873, %sign3A_876 : i32
        %ne3A_878 = arith.cmpi ne, %sign3A_870, %sign3A_877 : i32
        %rem3A_879 = arith.remsi %scan3A_842, %jit3A_862 : i32
        %ne3A_880 = arith.constant 0 : i32
        %ne3A_881 = arith.cmpi ne, %rem3A_879, %ne3A_880 : i32
        %and3A_882 = arith.andi %ne3A_878, %ne3A_881 : i1
        %sub3A_883 = arith.constant 1 : i32
        %sub3A_884 = arith.subi %div3A_863, %sub3A_883 : i32
        %select_n3A_885 = arith.select %and3A_882, %sub3A_884, %div3A_863 : i32
        %mul3A_886 = arith.constant 8 : i32
        %mul3A_887 = arith.muli %select_n3A_885, %mul3A_886 : i32
        %sub3A_888 = arith.subi %scan3A_842, %mul3A_887 : i32
        %mul3A_889 = arith.constant 16 : i32
        %mul3A_890 = arith.muli %sub3A_888, %mul3A_889 : i32
        %add3A_891 = arith.addi %and3A_861, %mul3A_29 : vector<16xi32>
        %swap3A_892 = arith.constant 1 : i32
        %swap3A_893 = arith.constant 0 : i32
        %swap3A_894 = arith.constant 0 : i32
        %swap3A_895 = tpu.memref_slice %arg10[%swap3A_892, %swap3A_893, %swap3A_894] : memref<2x8x128xi32, #tpu.memory_space<vmem>> -> memref<1x8x128xi32, #tpu.memory_space<vmem>>
        %swap3A_896 = tpu.memref_squeeze %swap3A_895 : memref<1x8x128xi32, #tpu.memory_space<vmem>> -> memref<8x128xi32, #tpu.memory_space<vmem>>
        %swap3A_897 = arith.constant 0 : i32
        %swap3A_898 = tpu.memref_slice %swap3A_896[%select_n3A_885, %swap3A_897] : memref<8x128xi32, #tpu.memory_space<vmem>> -> memref<1x128xi32, #tpu.memory_space<vmem>>
        %swap3A_899 = tpu.memref_squeeze %swap3A_898 : memref<1x128xi32, #tpu.memory_space<vmem>> -> memref<128xi32, #tpu.memory_space<vmem>>
        %swap3A_900 = arith.index_cast %mul3A_890 : i32 to index
        %swap3A_901 = tpu.vector_load %swap3A_899[%swap3A_900] {strides = array<i32>} : memref<128xi32, #tpu.memory_space<vmem>>, vector<16xi32>,
        tpu.vector_store %swap3A_899[%swap3A_900], %add3A_891 {strides = array<i32>} : memref<128xi32, #tpu.memory_space<vmem>>, vector<16xi32>,
        %scan3A_902 = arith.constant 4 : i32
        %scan3A_903 = arith.addi %scan3A_662, %scan3A_902 : i32
        %mul3A_904 = arith.constant 2 : i32
        %mul3A_905 = arith.muli %mul3A_904, %scan3A_903 : i32
        %add3A_906 = vector.broadcast %mul3A_905 : i32 to vector<16xi32>
        %add3A_907 = arith.addi %select_n3A, %add3A_906 : vector<16xi32>
        %gather3A_908 = arith.constant 1 : i32
        %gather3A_909 = arith.constant 0 : i32
        %gather3A_910 = tpu.memref_slice %arg8[%gather3A_908, %gather3A_909] : memref<2x128xi32, #tpu.memory_space<vmem>> -> memref<1x128xi32, #tpu.memory_space<vmem>>
        %gather3A_911 = tpu.memref_squeeze %gather3A_910 : memref<1x128xi32, #tpu.memory_space<vmem>> -> memref<128xi32, #tpu.memory_space<vmem>>
        %gather3A_912 = tpu.vector_load_idx %gather3A_911[%add3A_907] : memref<128xi32, #tpu.memory_space<vmem>>[vector<16xi32>], vector<16xi32>,
        %gather3A_913 = arith.constant 1 : i32
        %gather3A_914 = arith.constant 0 : i32
        %gather3A_915 = tpu.memref_slice %arg9[%gather3A_913, %gather3A_914] : memref<2x128xi32, #tpu.memory_space<vmem>> -> memref<1x128xi32, #tpu.memory_space<vmem>>
        %gather3A_916 = tpu.memref_squeeze %gather3A_915 : memref<1x128xi32, #tpu.memory_space<vmem>> -> memref<128xi32, #tpu.memory_space<vmem>>
        %gather3A_917 = tpu.vector_load_idx %gather3A_916[%add3A_907] : memref<128xi32, #tpu.memory_space<vmem>>[vector<16xi32>], vector<16xi32>,
        %select_n3A_918 = arith.select %lt3A_31, %gather3A_912, %gather3A_917 : vector<16xi1>, vector<16xi32>
        %shift_right_logical3A_919 = arith.shrui %select_n3A_918, %mul3A_37 : vector<16xi32>
        %and3A_920 = arith.constant 255 : i32
        %and3A_921 = vector.broadcast %and3A_920 : i32 to vector<16xi32>
        %and3A_922 = arith.andi %shift_right_logical3A_919, %and3A_921 : vector<16xi32>
        %jit3A_923 = arith.constant 8 : i32
        %div3A_924 = arith.divsi %scan3A_903, %jit3A_923 : i32
        %sign3A_925 = arith.constant 0 : i32
        %sign3A_926 = arith.cmpi sgt, %scan3A_903, %sign3A_925 : i32
        %sign3A_927 = arith.extui %sign3A_926 : i1 to i32
        %sign3A_928 = arith.constant 0 : i32
        %sign3A_929 = arith.cmpi slt, %scan3A_903, %sign3A_928 : i32
        %sign3A_930 = arith.extui %sign3A_929 : i1 to i32
        %sign3A_931 = arith.subi %sign3A_927, %sign3A_930 : i32
        %sign3A_932 = arith.constant 0 : i32
        %sign3A_933 = arith.cmpi sgt, %jit3A_923, %sign3A_932 : i32
        %sign3A_934 = arith.extui %sign3A_933 : i1 to i32
        %sign3A_935 = arith.constant 0 : i32
        %sign3A_936 = arith.cmpi slt, %jit3A_923, %sign3A_935 : i32
        %sign3A_937 = arith.extui %sign3A_936 : i1 to i32
        %sign3A_938 = arith.subi %sign3A_934, %sign3A_937 : i32
        %ne3A_939 = arith.cmpi ne, %sign3A_931, %sign3A_938 : i32
        %rem3A_940 = arith.remsi %scan3A_903, %jit3A_923 : i32
        %ne3A_941 = arith.constant 0 : i32
        %ne3A_942 = arith.cmpi ne, %rem3A_940, %ne3A_941 : i32
        %and3A_943 = arith.andi %ne3A_939, %ne3A_942 : i1
        %sub3A_944 = arith.constant 1 : i32
        %sub3A_945 = arith.subi %div3A_924, %sub3A_944 : i32
        %select_n3A_946 = arith.select %and3A_943, %sub3A_945, %div3A_924 : i32
        %mul3A_947 = arith.constant 8 : i32
        %mul3A_948 = arith.muli %select_n3A_946, %mul3A_947 : i32
        %sub3A_949 = arith.subi %scan3A_903, %mul3A_948 : i32
        %mul3A_950 = arith.constant 16 : i32
        %mul3A_951 = arith.muli %sub3A_949, %mul3A_950 : i32
        %add3A_952 = arith.addi %and3A_922, %mul3A_29 : vector<16xi32>
        %swap3A_953 = arith.constant 1 : i32
        %swap3A_954 = arith.constant 0 : i32
        %swap3A_955 = arith.constant 0 : i32
        %swap3A_956 = tpu.memref_slice %arg10[%swap3A_953, %swap3A_954, %swap3A_955] : memref<2x8x128xi32, #tpu.memory_space<vmem>> -> memref<1x8x128xi32, #tpu.memory_space<vmem>>
        %swap3A_957 = tpu.memref_squeeze %swap3A_956 : memref<1x8x128xi32, #tpu.memory_space<vmem>> -> memref<8x128xi32, #tpu.memory_space<vmem>>
        %swap3A_958 = arith.constant 0 : i32
        %swap3A_959 = tpu.memref_slice %swap3A_957[%select_n3A_946, %swap3A_958] : memref<8x128xi32, #tpu.memory_space<vmem>> -> memref<1x128xi32, #tpu.memory_space<vmem>>
        %swap3A_960 = tpu.memref_squeeze %swap3A_959 : memref<1x128xi32, #tpu.memory_space<vmem>> -> memref<128xi32, #tpu.memory_space<vmem>>
        %swap3A_961 = arith.index_cast %mul3A_951 : i32 to index
        %swap3A_962 = tpu.vector_load %swap3A_960[%swap3A_961] {strides = array<i32>} : memref<128xi32, #tpu.memory_space<vmem>>, vector<16xi32>,
        tpu.vector_store %swap3A_960[%swap3A_961], %add3A_952 {strides = array<i32>} : memref<128xi32, #tpu.memory_space<vmem>>, vector<16xi32>,
        %scan3A_963 = arith.constant 5 : i32
        %scan3A_964 = arith.addi %scan3A_662, %scan3A_963 : i32
        %mul3A_965 = arith.constant 2 : i32
        %mul3A_966 = arith.muli %mul3A_965, %scan3A_964 : i32
        %add3A_967 = vector.broadcast %mul3A_966 : i32 to vector<16xi32>
        %add3A_968 = arith.addi %select_n3A, %add3A_967 : vector<16xi32>
        %gather3A_969 = arith.constant 1 : i32
        %gather3A_970 = arith.constant 0 : i32
        %gather3A_971 = tpu.memref_slice %arg8[%gather3A_969, %gather3A_970] : memref<2x128xi32, #tpu.memory_space<vmem>> -> memref<1x128xi32, #tpu.memory_space<vmem>>
        %gather3A_972 = tpu.memref_squeeze %gather3A_971 : memref<1x128xi32, #tpu.memory_space<vmem>> -> memref<128xi32, #tpu.memory_space<vmem>>
        %gather3A_973 = tpu.vector_load_idx %gather3A_972[%add3A_968] : memref<128xi32, #tpu.memory_space<vmem>>[vector<16xi32>], vector<16xi32>,
        %gather3A_974 = arith.constant 1 : i32
        %gather3A_975 = arith.constant 0 : i32
        %gather3A_976 = tpu.memref_slice %arg9[%gather3A_974, %gather3A_975] : memref<2x128xi32, #tpu.memory_space<vmem>> -> memref<1x128xi32, #tpu.memory_space<vmem>>
        %gather3A_977 = tpu.memref_squeeze %gather3A_976 : memref<1x128xi32, #tpu.memory_space<vmem>> -> memref<128xi32, #tpu.memory_space<vmem>>
        %gather3A_978 = tpu.vector_load_idx %gather3A_977[%add3A_968] : memref<128xi32, #tpu.memory_space<vmem>>[vector<16xi32>], vector<16xi32>,
        %select_n3A_979 = arith.select %lt3A_31, %gather3A_973, %gather3A_978 : vector<16xi1>, vector<16xi32>
        %shift_right_logical3A_980 = arith.shrui %select_n3A_979, %mul3A_37 : vector<16xi32>
        %and3A_981 = arith.constant 255 : i32
        %and3A_982 = vector.broadcast %and3A_981 : i32 to vector<16xi32>
        %and3A_983 = arith.andi %shift_right_logical3A_980, %and3A_982 : vector<16xi32>
        %jit3A_984 = arith.constant 8 : i32
        %div3A_985 = arith.divsi %scan3A_964, %jit3A_984 : i32
        %sign3A_986 = arith.constant 0 : i32
        %sign3A_987 = arith.cmpi sgt, %scan3A_964, %sign3A_986 : i32
        %sign3A_988 = arith.extui %sign3A_987 : i1 to i32
        %sign3A_989 = arith.constant 0 : i32
        %sign3A_990 = arith.cmpi slt, %scan3A_964, %sign3A_989 : i32
        %sign3A_991 = arith.extui %sign3A_990 : i1 to i32
        %sign3A_992 = arith.subi %sign3A_988, %sign3A_991 : i32
        %sign3A_993 = arith.constant 0 : i32
        %sign3A_994 = arith.cmpi sgt, %jit3A_984, %sign3A_993 : i32
        %sign3A_995 = arith.extui %sign3A_994 : i1 to i32
        %sign3A_996 = arith.constant 0 : i32
        %sign3A_997 = arith.cmpi slt, %jit3A_984, %sign3A_996 : i32
        %sign3A_998 = arith.extui %sign3A_997 : i1 to i32
        %sign3A_999 = arith.subi %sign3A_995, %sign3A_998 : i32
        %ne3A_1000 = arith.cmpi ne, %sign3A_992, %sign3A_999 : i32
        %rem3A_1001 = arith.remsi %scan3A_964, %jit3A_984 : i32
        %ne3A_1002 = arith.constant 0 : i32
        %ne3A_1003 = arith.cmpi ne, %rem3A_1001, %ne3A_1002 : i32
        %and3A_1004 = arith.andi %ne3A_1000, %ne3A_1003 : i1
        %sub3A_1005 = arith.constant 1 : i32
        %sub3A_1006 = arith.subi %div3A_985, %sub3A_1005 : i32
        %select_n3A_1007 = arith.select %and3A_1004, %sub3A_1006, %div3A_985 : i32
        %mul3A_1008 = arith.constant 8 : i32
        %mul3A_1009 = arith.muli %select_n3A_1007, %mul3A_1008 : i32
        %sub3A_1010 = arith.subi %scan3A_964, %mul3A_1009 : i32
        %mul3A_1011 = arith.constant 16 : i32
        %mul3A_1012 = arith.muli %sub3A_1010, %mul3A_1011 : i32
        %add3A_1013 = arith.addi %and3A_983, %mul3A_29 : vector<16xi32>
        %swap3A_1014 = arith.constant 1 : i32
        %swap3A_1015 = arith.constant 0 : i32
        %swap3A_1016 = arith.constant 0 : i32
        %swap3A_1017 = tpu.memref_slice %arg10[%swap3A_1014, %swap3A_1015, %swap3A_1016] : memref<2x8x128xi32, #tpu.memory_space<vmem>> -> memref<1x8x128xi32, #tpu.memory_space<vmem>>
        %swap3A_1018 = tpu.memref_squeeze %swap3A_1017 : memref<1x8x128xi32, #tpu.memory_space<vmem>> -> memref<8x128xi32, #tpu.memory_space<vmem>>
        %swap3A_1019 = arith.constant 0 : i32
        %swap3A_1020 = tpu.memref_slice %swap3A_1018[%select_n3A_1007, %swap3A_1019] : memref<8x128xi32, #tpu.memory_space<vmem>> -> memref<1x128xi32, #tpu.memory_space<vmem>>
        %swap3A_1021 = tpu.memref_squeeze %swap3A_1020 : memref<1x128xi32, #tpu.memory_space<vmem>> -> memref<128xi32, #tpu.memory_space<vmem>>
        %swap3A_1022 = arith.index_cast %mul3A_1012 : i32 to index
        %swap3A_1023 = tpu.vector_load %swap3A_1021[%swap3A_1022] {strides = array<i32>} : memref<128xi32, #tpu.memory_space<vmem>>, vector<16xi32>,
        tpu.vector_store %swap3A_1021[%swap3A_1022], %add3A_1013 {strides = array<i32>} : memref<128xi32, #tpu.memory_space<vmem>>, vector<16xi32>,
        %scan3A_1024 = arith.constant 6 : i32
        %scan3A_1025 = arith.addi %scan3A_662, %scan3A_1024 : i32
        %mul3A_1026 = arith.constant 2 : i32
        %mul3A_1027 = arith.muli %mul3A_1026, %scan3A_1025 : i32
        %add3A_1028 = vector.broadcast %mul3A_1027 : i32 to vector<16xi32>
        %add3A_1029 = arith.addi %select_n3A, %add3A_1028 : vector<16xi32>
        %gather3A_1030 = arith.constant 1 : i32
        %gather3A_1031 = arith.constant 0 : i32
        %gather3A_1032 = tpu.memref_slice %arg8[%gather3A_1030, %gather3A_1031] : memref<2x128xi32, #tpu.memory_space<vmem>> -> memref<1x128xi32, #tpu.memory_space<vmem>>
        %gather3A_1033 = tpu.memref_squeeze %gather3A_1032 : memref<1x128xi32, #tpu.memory_space<vmem>> -> memref<128xi32, #tpu.memory_space<vmem>>
        %gather3A_1034 = tpu.vector_load_idx %gather3A_1033[%add3A_1029] : memref<128xi32, #tpu.memory_space<vmem>>[vector<16xi32>], vector<16xi32>,
        %gather3A_1035 = arith.constant 1 : i32
        %gather3A_1036 = arith.constant 0 : i32
        %gather3A_1037 = tpu.memref_slice %arg9[%gather3A_1035, %gather3A_1036] : memref<2x128xi32, #tpu.memory_space<vmem>> -> memref<1x128xi32, #tpu.memory_space<vmem>>
        %gather3A_1038 = tpu.memref_squeeze %gather3A_1037 : memref<1x128xi32, #tpu.memory_space<vmem>> -> memref<128xi32, #tpu.memory_space<vmem>>
        %gather3A_1039 = tpu.vector_load_idx %gather3A_1038[%add3A_1029] : memref<128xi32, #tpu.memory_space<vmem>>[vector<16xi32>], vector<16xi32>,
        %select_n3A_1040 = arith.select %lt3A_31, %gather3A_1034, %gather3A_1039 : vector<16xi1>, vector<16xi32>
        %shift_right_logical3A_1041 = arith.shrui %select_n3A_1040, %mul3A_37 : vector<16xi32>
        %and3A_1042 = arith.constant 255 : i32
        %and3A_1043 = vector.broadcast %and3A_1042 : i32 to vector<16xi32>
        %and3A_1044 = arith.andi %shift_right_logical3A_1041, %and3A_1043 : vector<16xi32>
        %jit3A_1045 = arith.constant 8 : i32
        %div3A_1046 = arith.divsi %scan3A_1025, %jit3A_1045 : i32
        %sign3A_1047 = arith.constant 0 : i32
        %sign3A_1048 = arith.cmpi sgt, %scan3A_1025, %sign3A_1047 : i32
        %sign3A_1049 = arith.extui %sign3A_1048 : i1 to i32
        %sign3A_1050 = arith.constant 0 : i32
        %sign3A_1051 = arith.cmpi slt, %scan3A_1025, %sign3A_1050 : i32
        %sign3A_1052 = arith.extui %sign3A_1051 : i1 to i32
        %sign3A_1053 = arith.subi %sign3A_1049, %sign3A_1052 : i32
        %sign3A_1054 = arith.constant 0 : i32
        %sign3A_1055 = arith.cmpi sgt, %jit3A_1045, %sign3A_1054 : i32
        %sign3A_1056 = arith.extui %sign3A_1055 : i1 to i32
        %sign3A_1057 = arith.constant 0 : i32
        %sign3A_1058 = arith.cmpi slt, %jit3A_1045, %sign3A_1057 : i32
        %sign3A_1059 = arith.extui %sign3A_1058 : i1 to i32
        %sign3A_1060 = arith.subi %sign3A_1056, %sign3A_1059 : i32
        %ne3A_1061 = arith.cmpi ne, %sign3A_1053, %sign3A_1060 : i32
        %rem3A_1062 = arith.remsi %scan3A_1025, %jit3A_1045 : i32
        %ne3A_1063 = arith.constant 0 : i32
        %ne3A_1064 = arith.cmpi ne, %rem3A_1062, %ne3A_1063 : i32
        %and3A_1065 = arith.andi %ne3A_1061, %ne3A_1064 : i1
        %sub3A_1066 = arith.constant 1 : i32
        %sub3A_1067 = arith.subi %div3A_1046, %sub3A_1066 : i32
        %select_n3A_1068 = arith.select %and3A_1065, %sub3A_1067, %div3A_1046 : i32
        %mul3A_1069 = arith.constant 8 : i32
        %mul3A_1070 = arith.muli %select_n3A_1068, %mul3A_1069 : i32
        %sub3A_1071 = arith.subi %scan3A_1025, %mul3A_1070 : i32
        %mul3A_1072 = arith.constant 16 : i32
        %mul3A_1073 = arith.muli %sub3A_1071, %mul3A_1072 : i32
        %add3A_1074 = arith.addi %and3A_1044, %mul3A_29 : vector<16xi32>
        %swap3A_1075 = arith.constant 1 : i32
        %swap3A_1076 = arith.constant 0 : i32
        %swap3A_1077 = arith.constant 0 : i32
        %swap3A_1078 = tpu.memref_slice %arg10[%swap3A_1075, %swap3A_1076, %swap3A_1077] : memref<2x8x128xi32, #tpu.memory_space<vmem>> -> memref<1x8x128xi32, #tpu.memory_space<vmem>>
        %swap3A_1079 = tpu.memref_squeeze %swap3A_1078 : memref<1x8x128xi32, #tpu.memory_space<vmem>> -> memref<8x128xi32, #tpu.memory_space<vmem>>
        %swap3A_1080 = arith.constant 0 : i32
        %swap3A_1081 = tpu.memref_slice %swap3A_1079[%select_n3A_1068, %swap3A_1080] : memref<8x128xi32, #tpu.memory_space<vmem>> -> memref<1x128xi32, #tpu.memory_space<vmem>>
        %swap3A_1082 = tpu.memref_squeeze %swap3A_1081 : memref<1x128xi32, #tpu.memory_space<vmem>> -> memref<128xi32, #tpu.memory_space<vmem>>
        %swap3A_1083 = arith.index_cast %mul3A_1073 : i32 to index
        %swap3A_1084 = tpu.vector_load %swap3A_1082[%swap3A_1083] {strides = array<i32>} : memref<128xi32, #tpu.memory_space<vmem>>, vector<16xi32>,
        tpu.vector_store %swap3A_1082[%swap3A_1083], %add3A_1074 {strides = array<i32>} : memref<128xi32, #tpu.memory_space<vmem>>, vector<16xi32>,
        %scan3A_1085 = arith.constant 7 : i32
        %scan3A_1086 = arith.addi %scan3A_662, %scan3A_1085 : i32
        %mul3A_1087 = arith.constant 2 : i32
        %mul3A_1088 = arith.muli %mul3A_1087, %scan3A_1086 : i32
        %add3A_1089 = vector.broadcast %mul3A_1088 : i32 to vector<16xi32>
        %add3A_1090 = arith.addi %select_n3A, %add3A_1089 : vector<16xi32>
        %gather3A_1091 = arith.constant 1 : i32
        %gather3A_1092 = arith.constant 0 : i32
        %gather3A_1093 = tpu.memref_slice %arg8[%gather3A_1091, %gather3A_1092] : memref<2x128xi32, #tpu.memory_space<vmem>> -> memref<1x128xi32, #tpu.memory_space<vmem>>
        %gather3A_1094 = tpu.memref_squeeze %gather3A_1093 : memref<1x128xi32, #tpu.memory_space<vmem>> -> memref<128xi32, #tpu.memory_space<vmem>>
        %gather3A_1095 = tpu.vector_load_idx %gather3A_1094[%add3A_1090] : memref<128xi32, #tpu.memory_space<vmem>>[vector<16xi32>], vector<16xi32>,
        %gather3A_1096 = arith.constant 1 : i32
        %gather3A_1097 = arith.constant 0 : i32
        %gather3A_1098 = tpu.memref_slice %arg9[%gather3A_1096, %gather3A_1097] : memref<2x128xi32, #tpu.memory_space<vmem>> -> memref<1x128xi32, #tpu.memory_space<vmem>>
        %gather3A_1099 = tpu.memref_squeeze %gather3A_1098 : memref<1x128xi32, #tpu.memory_space<vmem>> -> memref<128xi32, #tpu.memory_space<vmem>>
        %gather3A_1100 = tpu.vector_load_idx %gather3A_1099[%add3A_1090] : memref<128xi32, #tpu.memory_space<vmem>>[vector<16xi32>], vector<16xi32>,
        %select_n3A_1101 = arith.select %lt3A_31, %gather3A_1095, %gather3A_1100 : vector<16xi1>, vector<16xi32>
        %shift_right_logical3A_1102 = arith.shrui %select_n3A_1101, %mul3A_37 : vector<16xi32>
        %and3A_1103 = arith.constant 255 : i32
        %and3A_1104 = vector.broadcast %and3A_1103 : i32 to vector<16xi32>
        %and3A_1105 = arith.andi %shift_right_logical3A_1102, %and3A_1104 : vector<16xi32>
        %jit3A_1106 = arith.constant 8 : i32
        %div3A_1107 = arith.divsi %scan3A_1086, %jit3A_1106 : i32
        %sign3A_1108 = arith.constant 0 : i32
        %sign3A_1109 = arith.cmpi sgt, %scan3A_1086, %sign3A_1108 : i32
        %sign3A_1110 = arith.extui %sign3A_1109 : i1 to i32
        %sign3A_1111 = arith.constant 0 : i32
        %sign3A_1112 = arith.cmpi slt, %scan3A_1086, %sign3A_1111 : i32
        %sign3A_1113 = arith.extui %sign3A_1112 : i1 to i32
        %sign3A_1114 = arith.subi %sign3A_1110, %sign3A_1113 : i32
        %sign3A_1115 = arith.constant 0 : i32
        %sign3A_1116 = arith.cmpi sgt, %jit3A_1106, %sign3A_1115 : i32
        %sign3A_1117 = arith.extui %sign3A_1116 : i1 to i32
        %sign3A_1118 = arith.constant 0 : i32
        %sign3A_1119 = arith.cmpi slt, %jit3A_1106, %sign3A_1118 : i32
        %sign3A_1120 = arith.extui %sign3A_1119 : i1 to i32
        %sign3A_1121 = arith.subi %sign3A_1117, %sign3A_1120 : i32
        %ne3A_1122 = arith.cmpi ne, %sign3A_1114, %sign3A_1121 : i32
        %rem3A_1123 = arith.remsi %scan3A_1086, %jit3A_1106 : i32
        %ne3A_1124 = arith.constant 0 : i32
        %ne3A_1125 = arith.cmpi ne, %rem3A_1123, %ne3A_1124 : i32
        %and3A_1126 = arith.andi %ne3A_1122, %ne3A_1125 : i1
        %sub3A_1127 = arith.constant 1 : i32
        %sub3A_1128 = arith.subi %div3A_1107, %sub3A_1127 : i32
        %select_n3A_1129 = arith.select %and3A_1126, %sub3A_1128, %div3A_1107 : i32
        %mul3A_1130 = arith.constant 8 : i32
        %mul3A_1131 = arith.muli %select_n3A_1129, %mul3A_1130 : i32
        %sub3A_1132 = arith.subi %scan3A_1086, %mul3A_1131 : i32
        %mul3A_1133 = arith.constant 16 : i32
        %mul3A_1134 = arith.muli %sub3A_1132, %mul3A_1133 : i32
        %add3A_1135 = arith.addi %and3A_1105, %mul3A_29 : vector<16xi32>
        %swap3A_1136 = arith.constant 1 : i32
        %swap3A_1137 = arith.constant 0 : i32
        %swap3A_1138 = arith.constant 0 : i32
        %swap3A_1139 = tpu.memref_slice %arg10[%swap3A_1136, %swap3A_1137, %swap3A_1138] : memref<2x8x128xi32, #tpu.memory_space<vmem>> -> memref<1x8x128xi32, #tpu.memory_space<vmem>>
        %swap3A_1140 = tpu.memref_squeeze %swap3A_1139 : memref<1x8x128xi32, #tpu.memory_space<vmem>> -> memref<8x128xi32, #tpu.memory_space<vmem>>
        %swap3A_1141 = arith.constant 0 : i32
        %swap3A_1142 = tpu.memref_slice %swap3A_1140[%select_n3A_1129, %swap3A_1141] : memref<8x128xi32, #tpu.memory_space<vmem>> -> memref<1x128xi32, #tpu.memory_space<vmem>>
        %swap3A_1143 = tpu.memref_squeeze %swap3A_1142 : memref<1x128xi32, #tpu.memory_space<vmem>> -> memref<128xi32, #tpu.memory_space<vmem>>
        %swap3A_1144 = arith.index_cast %mul3A_1134 : i32 to index
        %swap3A_1145 = tpu.vector_load %swap3A_1143[%swap3A_1144] {strides = array<i32>} : memref<128xi32, #tpu.memory_space<vmem>>, vector<16xi32>,
        tpu.vector_store %swap3A_1143[%swap3A_1144], %add3A_1135 {strides = array<i32>} : memref<128xi32, #tpu.memory_space<vmem>>, vector<16xi32>,
      }
      %scan3A_462 = arith.constant 64 : i32
      %ge3A_463 = arith.constant 2 : i32
      %ge3A_464 = arith.cmpi sge, %add3A_429, %ge3A_463 : i32
      %convert_element_type3A_465 = arith.extui %ge3A_464 : i1 to i32
      %cond3A_466 = arith.constant 0 : i32
      %cond3A_467 = arith.cmpi ne, %convert_element_type3A_465, %cond3A_466 : i32
      scf.if %cond3A_467 {
        %dma_wait3A_662 = arith.constant 1 : i32
        %dma_wait3A_663 = arith.constant 0 : i32
        %dma_wait3A_664 = arith.constant 0 : i32
        %dma_wait3A_665 = arith.constant 0 : i32
        %dma_wait3A_666 = tpu.memref_slice %arg11[%dma_wait3A_662, %dma_wait3A_663, %dma_wait3A_664, %dma_wait3A_665] : memref<2x8x128x16xf32, #tpu.memory_space<vmem>> -> memref<1x8x128x16xf32, #tpu.memory_space<vmem>>
        %dma_wait3A_667 = tpu.memref_squeeze %dma_wait3A_666 : memref<1x8x128x16xf32, #tpu.memory_space<vmem>> -> memref<8x128x16xf32, #tpu.memory_space<vmem>>
        %dma_wait3A_668 = arith.constant 0 : i32
        %dma_wait3A_669 = arith.constant 0 : i32
        %dma_wait3A_670 = arith.constant 0 : i32
        %dma_wait3A_671 = tpu.memref_slice %arg6[%dma_wait3A_668, %dma_wait3A_669, %dma_wait3A_670] : memref<12800x128x16xf32, #tpu.memory_space<hbm>> -> memref<8x128x16xf32, #tpu.memory_space<hbm>>
        %dma_wait3A_672 = arith.constant 0 : i32
        %dma_wait3A_673 = arith.constant 0 : i32
        %dma_wait3A_674 = arith.constant 0 : i32
        %dma_wait3A_675 = tpu.memref_slice %arg6[%dma_wait3A_672, %dma_wait3A_673, %dma_wait3A_674] : memref<12800x128x16xf32, #tpu.memory_space<hbm>> -> memref<8x128x16xf32, #tpu.memory_space<hbm>>
        %dma_wait3A_676 = arith.constant 0 : i32
        %dma_wait3A_677 = arith.constant 0 : i32
        %dma_wait3A_678 = arith.constant 0 : i32
        %dma_wait3A_679 = tpu.memref_slice %arg11[%dma_wait3A_662, %dma_wait3A_676, %dma_wait3A_677, %dma_wait3A_678] : memref<2x8x128x16xf32, #tpu.memory_space<vmem>> -> memref<1x8x128x16xf32, #tpu.memory_space<vmem>>
        %dma_wait3A_680 = tpu.memref_squeeze %dma_wait3A_679 : memref<1x8x128x16xf32, #tpu.memory_space<vmem>> -> memref<8x128x16xf32, #tpu.memory_space<vmem>>
        tpu.wait_dma2 semaphore(%arg22 : memref<!tpu.dma_semaphore, #tpu.memory_space<semaphore_mem>>) src(%dma_wait3A_680 : memref<8x128x16xf32, #tpu.memory_space<vmem>>) dst(%dma_wait3A_675 : memref<8x128x16xf32, #tpu.memory_space<hbm>>)
      } else {
      }
      %ge3A_468 = arith.constant 1 : i32
      %ge3A_469 = arith.cmpi sge, %add3A_429, %ge3A_468 : i32
      %convert_element_type3A_470 = arith.extui %ge3A_469 : i1 to i32
      %cond3A_471 = arith.constant 0 : i32
      %cond3A_472 = arith.cmpi ne, %convert_element_type3A_470, %cond3A_471 : i32
      scf.if %cond3A_472 {
        %dma_wait3A_662 = arith.constant 0 : i32
        %dma_wait3A_663 = arith.constant 0 : i32
        %dma_wait3A_664 = arith.constant 0 : i32
        %dma_wait3A_665 = arith.constant 0 : i32
        %dma_wait3A_666 = tpu.memref_slice %arg11[%dma_wait3A_662, %dma_wait3A_663, %dma_wait3A_664, %dma_wait3A_665] : memref<2x8x128x16xf32, #tpu.memory_space<vmem>> -> memref<1x8x128x16xf32, #tpu.memory_space<vmem>>
        %dma_wait3A_667 = tpu.memref_squeeze %dma_wait3A_666 : memref<1x8x128x16xf32, #tpu.memory_space<vmem>> -> memref<8x128x16xf32, #tpu.memory_space<vmem>>
        %dma_wait3A_668 = arith.constant 0 : i32
        %dma_wait3A_669 = arith.constant 0 : i32
        %dma_wait3A_670 = arith.constant 0 : i32
        %dma_wait3A_671 = tpu.memref_slice %arg6[%dma_wait3A_668, %dma_wait3A_669, %dma_wait3A_670] : memref<12800x128x16xf32, #tpu.memory_space<hbm>> -> memref<8x128x16xf32, #tpu.memory_space<hbm>>
        %dma_wait3A_672 = arith.constant 0 : i32
        %dma_wait3A_673 = arith.constant 0 : i32
        %dma_wait3A_674 = arith.constant 0 : i32
        %dma_wait3A_675 = tpu.memref_slice %arg11[%dma_wait3A_662, %dma_wait3A_672, %dma_wait3A_673, %dma_wait3A_674] : memref<2x8x128x16xf32, #tpu.memory_space<vmem>> -> memref<1x8x128x16xf32, #tpu.memory_space<vmem>>
        %dma_wait3A_676 = tpu.memref_squeeze %dma_wait3A_675 : memref<1x8x128x16xf32, #tpu.memory_space<vmem>> -> memref<8x128x16xf32, #tpu.memory_space<vmem>>
        %dma_wait3A_677 = arith.constant 0 : i32
        %dma_wait3A_678 = arith.constant 0 : i32
        %dma_wait3A_679 = arith.constant 0 : i32
        %dma_wait3A_680 = tpu.memref_slice %arg6[%dma_wait3A_677, %dma_wait3A_678, %dma_wait3A_679] : memref<12800x128x16xf32, #tpu.memory_space<hbm>> -> memref<8x128x16xf32, #tpu.memory_space<hbm>>
        tpu.wait_dma2 semaphore(%arg19 : memref<!tpu.dma_semaphore, #tpu.memory_space<semaphore_mem>>) src(%dma_wait3A_680 : memref<8x128x16xf32, #tpu.memory_space<hbm>>) dst(%dma_wait3A_676 : memref<8x128x16xf32, #tpu.memory_space<vmem>>)
        %sub3A_681 = arith.constant 1 : i32
        %sub3A_682 = arith.subi %add3A_429, %sub3A_681 : i32
        %mul3A_683 = arith.constant 400 : i32
        %mul3A_684 = arith.muli %add3A, %mul3A_683 : i32
        %mul3A_685 = arith.constant 8 : i32
        %mul3A_686 = arith.muli %sub3A_682, %mul3A_685 : i32
        %add3A_687 = arith.addi %mul3A_684, %mul3A_686 : i32
        %dma_start3A_688 = arith.constant 0 : i32
        %dma_start3A_689 = arith.constant 0 : i32
        %dma_start3A_690 = arith.constant 0 : i32
        %dma_start3A_691 = arith.constant 0 : i32
        %dma_start3A_692 = tpu.memref_slice %arg11[%dma_start3A_688, %dma_start3A_689, %dma_start3A_690, %dma_start3A_691] : memref<2x8x128x16xf32, #tpu.memory_space<vmem>> -> memref<1x8x128x16xf32, #tpu.memory_space<vmem>>
        %dma_start3A_693 = tpu.memref_squeeze %dma_start3A_692 : memref<1x8x128x16xf32, #tpu.memory_space<vmem>> -> memref<8x128x16xf32, #tpu.memory_space<vmem>>
        %dma_start3A_694 = arith.constant 0 : i32
        %dma_start3A_695 = arith.constant 0 : i32
        %dma_start3A_696 = tpu.memref_slice %arg6[%add3A_687, %dma_start3A_694, %dma_start3A_695] : memref<12800x128x16xf32, #tpu.memory_space<hbm>> -> memref<8x128x16xf32, #tpu.memory_space<hbm>>
        %dma_start3A_697 = arith.constant 0 : i32
        %dma_start3A_698 = arith.constant 0 : i32
        %dma_start3A_699 = tpu.memref_slice %arg6[%add3A_687, %dma_start3A_697, %dma_start3A_698] : memref<12800x128x16xf32, #tpu.memory_space<hbm>> -> memref<8x128x16xf32, #tpu.memory_space<hbm>>
        %dma_start3A_700 = arith.constant 0 : i32
        %dma_start3A_701 = arith.constant 0 : i32
        %dma_start3A_702 = arith.constant 0 : i32
        %dma_start3A_703 = tpu.memref_slice %arg11[%dma_start3A_688, %dma_start3A_700, %dma_start3A_701, %dma_start3A_702] : memref<2x8x128x16xf32, #tpu.memory_space<vmem>> -> memref<1x8x128x16xf32, #tpu.memory_space<vmem>>
        %dma_start3A_704 = tpu.memref_squeeze %dma_start3A_703 : memref<1x8x128x16xf32, #tpu.memory_space<vmem>> -> memref<8x128x16xf32, #tpu.memory_space<vmem>>
        tpu.enqueue_dma source(%dma_start3A_704 : memref<8x128x16xf32, #tpu.memory_space<vmem>>) target(%dma_start3A_699 : memref<8x128x16xf32, #tpu.memory_space<hbm>>) target_semaphore(%arg21 : memref<!tpu.dma_semaphore, #tpu.memory_space<semaphore_mem>>)
      } else {
      }
      %dma_start3A_473 = arith.constant 1 : i32
      %dma_start3A_474 = arith.constant 0 : i32
      %dma_start3A_475 = arith.constant 1 : i32
      %dma_start3A_476 = arith.constant 0 : i32
      %dma_start3A_477 = arith.constant 0 : i32
      %dma_start3A_478 = arith.constant 0 : i32
      %dma_start3A_479 = arith.constant 0 : i32
      %dma_start3A_480 = tpu.memref_slice %arg11[%dma_start3A_475, %dma_start3A_477, %dma_start3A_478, %dma_start3A_479] : memref<2x8x128x16xf32, #tpu.memory_space<vmem>> -> memref<1x8x128x16xf32, #tpu.memory_space<vmem>>
      %dma_start3A_481 = tpu.memref_squeeze %dma_start3A_480 : memref<1x8x128x16xf32, #tpu.memory_space<vmem>> -> memref<8x128x16xf32, #tpu.memory_space<vmem>>
      %dma_start3A_482 = arith.constant 0 : i32
      %dma_start3A_483 = arith.constant 0 : i32
      %dma_start3A_484 = tpu.memref_slice %dma_start3A_481[%dma_start3A_476, %dma_start3A_482, %dma_start3A_483] : memref<8x128x16xf32, #tpu.memory_space<vmem>> -> memref<1x128x16xf32, #tpu.memory_space<vmem>>
      %dma_start3A_485 = tpu.memref_squeeze %dma_start3A_484 : memref<1x128x16xf32, #tpu.memory_space<vmem>> -> memref<128x16xf32, #tpu.memory_space<vmem>>
      %dma_start3A_486 = arith.constant 0 : i32
      %dma_start3A_487 = arith.constant 0 : i32
      %dma_start3A_488 = tpu.memref_slice %arg10[%dma_start3A_473, %dma_start3A_486, %dma_start3A_487] : memref<2x8x128xi32, #tpu.memory_space<vmem>> -> memref<1x8x128xi32, #tpu.memory_space<vmem>>
      %dma_start3A_489 = tpu.memref_squeeze %dma_start3A_488 : memref<1x8x128xi32, #tpu.memory_space<vmem>> -> memref<8x128xi32, #tpu.memory_space<vmem>>
      %dma_start3A_490 = arith.constant 0 : i32
      %dma_start3A_491 = tpu.memref_slice %dma_start3A_489[%dma_start3A_474, %dma_start3A_490] : memref<8x128xi32, #tpu.memory_space<vmem>> -> memref<1x128xi32, #tpu.memory_space<vmem>>
      %dma_start3A_492 = tpu.memref_squeeze %dma_start3A_491 : memref<1x128xi32, #tpu.memory_space<vmem>> -> memref<128xi32, #tpu.memory_space<vmem>>
      %dma_start3A_493 = arith.constant 0 : i32
      %dma_start3A_494 = arith.constant 0 : i32
      %dma_start3A_495 = tpu.memref_slice %arg12[%dma_start3A_493, %dma_start3A_494] : memref<2048x16xf32, #tpu.memory_space<vmem_shared>> -> memref<2048x16xf32, #tpu.memory_space<vmem_shared>>
      tpu.enqueue_indirect_dma source(%dma_start3A_495 : memref<2048x16xf32, #tpu.memory_space<vmem_shared>>) target(%dma_start3A_485 : memref<128x16xf32, #tpu.memory_space<vmem>>) offsets(%dma_start3A_492 : memref<128xi32, #tpu.memory_space<vmem>>) semaphore(%arg20 : memref<!tpu.dma_semaphore, #tpu.memory_space<semaphore_mem>>)
      %dma_start3A_496 = arith.constant 1 : i32
      %dma_start3A_497 = arith.constant 1 : i32
      %dma_start3A_498 = arith.constant 1 : i32
      %dma_start3A_499 = arith.constant 1 : i32
      %dma_start3A_500 = arith.constant 0 : i32
      %dma_start3A_501 = arith.constant 0 : i32
      %dma_start3A_502 = arith.constant 0 : i32
      %dma_start3A_503 = tpu.memref_slice %arg11[%dma_start3A_498, %dma_start3A_500, %dma_start3A_501, %dma_start3A_502] : memref<2x8x128x16xf32, #tpu.memory_space<vmem>> -> memref<1x8x128x16xf32, #tpu.memory_space<vmem>>
      %dma_start3A_504 = tpu.memref_squeeze %dma_start3A_503 : memref<1x8x128x16xf32, #tpu.memory_space<vmem>> -> memref<8x128x16xf32, #tpu.memory_space<vmem>>
      %dma_start3A_505 = arith.constant 0 : i32
      %dma_start3A_506 = arith.constant 0 : i32
      %dma_start3A_507 = tpu.memref_slice %dma_start3A_504[%dma_start3A_499, %dma_start3A_505, %dma_start3A_506] : memref<8x128x16xf32, #tpu.memory_space<vmem>> -> memref<1x128x16xf32, #tpu.memory_space<vmem>>
      %dma_start3A_508 = tpu.memref_squeeze %dma_start3A_507 : memref<1x128x16xf32, #tpu.memory_space<vmem>> -> memref<128x16xf32, #tpu.memory_space<vmem>>
      %dma_start3A_509 = arith.constant 0 : i32
      %dma_start3A_510 = arith.constant 0 : i32
      %dma_start3A_511 = tpu.memref_slice %arg10[%dma_start3A_496, %dma_start3A_509, %dma_start3A_510] : memref<2x8x128xi32, #tpu.memory_space<vmem>> -> memref<1x8x128xi32, #tpu.memory_space<vmem>>
      %dma_start3A_512 = tpu.memref_squeeze %dma_start3A_511 : memref<1x8x128xi32, #tpu.memory_space<vmem>> -> memref<8x128xi32, #tpu.memory_space<vmem>>
      %dma_start3A_513 = arith.constant 0 : i32
      %dma_start3A_514 = tpu.memref_slice %dma_start3A_512[%dma_start3A_497, %dma_start3A_513] : memref<8x128xi32, #tpu.memory_space<vmem>> -> memref<1x128xi32, #tpu.memory_space<vmem>>
      %dma_start3A_515 = tpu.memref_squeeze %dma_start3A_514 : memref<1x128xi32, #tpu.memory_space<vmem>> -> memref<128xi32, #tpu.memory_space<vmem>>
      %dma_start3A_516 = arith.constant 0 : i32
      %dma_start3A_517 = arith.constant 0 : i32
      %dma_start3A_518 = tpu.memref_slice %arg12[%dma_start3A_516, %dma_start3A_517] : memref<2048x16xf32, #tpu.memory_space<vmem_shared>> -> memref<2048x16xf32, #tpu.memory_space<vmem_shared>>
      tpu.enqueue_indirect_dma source(%dma_start3A_518 : memref<2048x16xf32, #tpu.memory_space<vmem_shared>>) target(%dma_start3A_508 : memref<128x16xf32, #tpu.memory_space<vmem>>) offsets(%dma_start3A_515 : memref<128xi32, #tpu.memory_space<vmem>>) semaphore(%arg20 : memref<!tpu.dma_semaphore, #tpu.memory_space<semaphore_mem>>)
      %dma_start3A_519 = arith.constant 1 : i32
      %dma_start3A_520 = arith.constant 2 : i32
      %dma_start3A_521 = arith.constant 1 : i32
      %dma_start3A_522 = arith.constant 2 : i32
      %dma_start3A_523 = arith.constant 0 : i32
      %dma_start3A_524 = arith.constant 0 : i32
      %dma_start3A_525 = arith.constant 0 : i32
      %dma_start3A_526 = tpu.memref_slice %arg11[%dma_start3A_521, %dma_start3A_523, %dma_start3A_524, %dma_start3A_525] : memref<2x8x128x16xf32, #tpu.memory_space<vmem>> -> memref<1x8x128x16xf32, #tpu.memory_space<vmem>>
      %dma_start3A_527 = tpu.memref_squeeze %dma_start3A_526 : memref<1x8x128x16xf32, #tpu.memory_space<vmem>> -> memref<8x128x16xf32, #tpu.memory_space<vmem>>
      %dma_start3A_528 = arith.constant 0 : i32
      %dma_start3A_529 = arith.constant 0 : i32
      %dma_start3A_530 = tpu.memref_slice %dma_start3A_527[%dma_start3A_522, %dma_start3A_528, %dma_start3A_529] : memref<8x128x16xf32, #tpu.memory_space<vmem>> -> memref<1x128x16xf32, #tpu.memory_space<vmem>>
      %dma_start3A_531 = tpu.memref_squeeze %dma_start3A_530 : memref<1x128x16xf32, #tpu.memory_space<vmem>> -> memref<128x16xf32, #tpu.memory_space<vmem>>
      %dma_start3A_532 = arith.constant 0 : i32
      %dma_start3A_533 = arith.constant 0 : i32
      %dma_start3A_534 = tpu.memref_slice %arg10[%dma_start3A_519, %dma_start3A_532, %dma_start3A_533] : memref<2x8x128xi32, #tpu.memory_space<vmem>> -> memref<1x8x128xi32, #tpu.memory_space<vmem>>
      %dma_start3A_535 = tpu.memref_squeeze %dma_start3A_534 : memref<1x8x128xi32, #tpu.memory_space<vmem>> -> memref<8x128xi32, #tpu.memory_space<vmem>>
      %dma_start3A_536 = arith.constant 0 : i32
      %dma_start3A_537 = tpu.memref_slice %dma_start3A_535[%dma_start3A_520, %dma_start3A_536] : memref<8x128xi32, #tpu.memory_space<vmem>> -> memref<1x128xi32, #tpu.memory_space<vmem>>
      %dma_start3A_538 = tpu.memref_squeeze %dma_start3A_537 : memref<1x128xi32, #tpu.memory_space<vmem>> -> memref<128xi32, #tpu.memory_space<vmem>>
      %dma_start3A_539 = arith.constant 0 : i32
      %dma_start3A_540 = arith.constant 0 : i32
      %dma_start3A_541 = tpu.memref_slice %arg12[%dma_start3A_539, %dma_start3A_540] : memref<2048x16xf32, #tpu.memory_space<vmem_shared>> -> memref<2048x16xf32, #tpu.memory_space<vmem_shared>>
      tpu.enqueue_indirect_dma source(%dma_start3A_541 : memref<2048x16xf32, #tpu.memory_space<vmem_shared>>) target(%dma_start3A_531 : memref<128x16xf32, #tpu.memory_space<vmem>>) offsets(%dma_start3A_538 : memref<128xi32, #tpu.memory_space<vmem>>) semaphore(%arg20 : memref<!tpu.dma_semaphore, #tpu.memory_space<semaphore_mem>>)
      %dma_start3A_542 = arith.constant 1 : i32
      %dma_start3A_543 = arith.constant 3 : i32
      %dma_start3A_544 = arith.constant 1 : i32
      %dma_start3A_545 = arith.constant 3 : i32
      %dma_start3A_546 = arith.constant 0 : i32
      %dma_start3A_547 = arith.constant 0 : i32
      %dma_start3A_548 = arith.constant 0 : i32
      %dma_start3A_549 = tpu.memref_slice %arg11[%dma_start3A_544, %dma_start3A_546, %dma_start3A_547, %dma_start3A_548] : memref<2x8x128x16xf32, #tpu.memory_space<vmem>> -> memref<1x8x128x16xf32, #tpu.memory_space<vmem>>
      %dma_start3A_550 = tpu.memref_squeeze %dma_start3A_549 : memref<1x8x128x16xf32, #tpu.memory_space<vmem>> -> memref<8x128x16xf32, #tpu.memory_space<vmem>>
      %dma_start3A_551 = arith.constant 0 : i32
      %dma_start3A_552 = arith.constant 0 : i32
      %dma_start3A_553 = tpu.memref_slice %dma_start3A_550[%dma_start3A_545, %dma_start3A_551, %dma_start3A_552] : memref<8x128x16xf32, #tpu.memory_space<vmem>> -> memref<1x128x16xf32, #tpu.memory_space<vmem>>
      %dma_start3A_554 = tpu.memref_squeeze %dma_start3A_553 : memref<1x128x16xf32, #tpu.memory_space<vmem>> -> memref<128x16xf32, #tpu.memory_space<vmem>>
      %dma_start3A_555 = arith.constant 0 : i32
      %dma_start3A_556 = arith.constant 0 : i32
      %dma_start3A_557 = tpu.memref_slice %arg10[%dma_start3A_542, %dma_start3A_555, %dma_start3A_556] : memref<2x8x128xi32, #tpu.memory_space<vmem>> -> memref<1x8x128xi32, #tpu.memory_space<vmem>>
      %dma_start3A_558 = tpu.memref_squeeze %dma_start3A_557 : memref<1x8x128xi32, #tpu.memory_space<vmem>> -> memref<8x128xi32, #tpu.memory_space<vmem>>
      %dma_start3A_559 = arith.constant 0 : i32
      %dma_start3A_560 = tpu.memref_slice %dma_start3A_558[%dma_start3A_543, %dma_start3A_559] : memref<8x128xi32, #tpu.memory_space<vmem>> -> memref<1x128xi32, #tpu.memory_space<vmem>>
      %dma_start3A_561 = tpu.memref_squeeze %dma_start3A_560 : memref<1x128xi32, #tpu.memory_space<vmem>> -> memref<128xi32, #tpu.memory_space<vmem>>
      %dma_start3A_562 = arith.constant 0 : i32
      %dma_start3A_563 = arith.constant 0 : i32
      %dma_start3A_564 = tpu.memref_slice %arg12[%dma_start3A_562, %dma_start3A_563] : memref<2048x16xf32, #tpu.memory_space<vmem_shared>> -> memref<2048x16xf32, #tpu.memory_space<vmem_shared>>
      tpu.enqueue_indirect_dma source(%dma_start3A_564 : memref<2048x16xf32, #tpu.memory_space<vmem_shared>>) target(%dma_start3A_554 : memref<128x16xf32, #tpu.memory_space<vmem>>) offsets(%dma_start3A_561 : memref<128xi32, #tpu.memory_space<vmem>>) semaphore(%arg20 : memref<!tpu.dma_semaphore, #tpu.memory_space<semaphore_mem>>)
      %dma_start3A_565 = arith.constant 1 : i32
      %dma_start3A_566 = arith.constant 4 : i32
      %dma_start3A_567 = arith.constant 1 : i32
      %dma_start3A_568 = arith.constant 4 : i32
      %dma_start3A_569 = arith.constant 0 : i32
      %dma_start3A_570 = arith.constant 0 : i32
      %dma_start3A_571 = arith.constant 0 : i32
      %dma_start3A_572 = tpu.memref_slice %arg11[%dma_start3A_567, %dma_start3A_569, %dma_start3A_570, %dma_start3A_571] : memref<2x8x128x16xf32, #tpu.memory_space<vmem>> -> memref<1x8x128x16xf32, #tpu.memory_space<vmem>>
      %dma_start3A_573 = tpu.memref_squeeze %dma_start3A_572 : memref<1x8x128x16xf32, #tpu.memory_space<vmem>> -> memref<8x128x16xf32, #tpu.memory_space<vmem>>
      %dma_start3A_574 = arith.constant 0 : i32
      %dma_start3A_575 = arith.constant 0 : i32
      %dma_start3A_576 = tpu.memref_slice %dma_start3A_573[%dma_start3A_568, %dma_start3A_574, %dma_start3A_575] : memref<8x128x16xf32, #tpu.memory_space<vmem>> -> memref<1x128x16xf32, #tpu.memory_space<vmem>>
      %dma_start3A_577 = tpu.memref_squeeze %dma_start3A_576 : memref<1x128x16xf32, #tpu.memory_space<vmem>> -> memref<128x16xf32, #tpu.memory_space<vmem>>
      %dma_start3A_578 = arith.constant 0 : i32
      %dma_start3A_579 = arith.constant 0 : i32
      %dma_start3A_580 = tpu.memref_slice %arg10[%dma_start3A_565, %dma_start3A_578, %dma_start3A_579] : memref<2x8x128xi32, #tpu.memory_space<vmem>> -> memref<1x8x128xi32, #tpu.memory_space<vmem>>
      %dma_start3A_581 = tpu.memref_squeeze %dma_start3A_580 : memref<1x8x128xi32, #tpu.memory_space<vmem>> -> memref<8x128xi32, #tpu.memory_space<vmem>>
      %dma_start3A_582 = arith.constant 0 : i32
      %dma_start3A_583 = tpu.memref_slice %dma_start3A_581[%dma_start3A_566, %dma_start3A_582] : memref<8x128xi32, #tpu.memory_space<vmem>> -> memref<1x128xi32, #tpu.memory_space<vmem>>
      %dma_start3A_584 = tpu.memref_squeeze %dma_start3A_583 : memref<1x128xi32, #tpu.memory_space<vmem>> -> memref<128xi32, #tpu.memory_space<vmem>>
      %dma_start3A_585 = arith.constant 0 : i32
      %dma_start3A_586 = arith.constant 0 : i32
      %dma_start3A_587 = tpu.memref_slice %arg12[%dma_start3A_585, %dma_start3A_586] : memref<2048x16xf32, #tpu.memory_space<vmem_shared>> -> memref<2048x16xf32, #tpu.memory_space<vmem_shared>>
      tpu.enqueue_indirect_dma source(%dma_start3A_587 : memref<2048x16xf32, #tpu.memory_space<vmem_shared>>) target(%dma_start3A_577 : memref<128x16xf32, #tpu.memory_space<vmem>>) offsets(%dma_start3A_584 : memref<128xi32, #tpu.memory_space<vmem>>) semaphore(%arg20 : memref<!tpu.dma_semaphore, #tpu.memory_space<semaphore_mem>>)
      %dma_start3A_588 = arith.constant 1 : i32
      %dma_start3A_589 = arith.constant 5 : i32
      %dma_start3A_590 = arith.constant 1 : i32
      %dma_start3A_591 = arith.constant 5 : i32
      %dma_start3A_592 = arith.constant 0 : i32
      %dma_start3A_593 = arith.constant 0 : i32
      %dma_start3A_594 = arith.constant 0 : i32
      %dma_start3A_595 = tpu.memref_slice %arg11[%dma_start3A_590, %dma_start3A_592, %dma_start3A_593, %dma_start3A_594] : memref<2x8x128x16xf32, #tpu.memory_space<vmem>> -> memref<1x8x128x16xf32, #tpu.memory_space<vmem>>
      %dma_start3A_596 = tpu.memref_squeeze %dma_start3A_595 : memref<1x8x128x16xf32, #tpu.memory_space<vmem>> -> memref<8x128x16xf32, #tpu.memory_space<vmem>>
      %dma_start3A_597 = arith.constant 0 : i32
      %dma_start3A_598 = arith.constant 0 : i32
      %dma_start3A_599 = tpu.memref_slice %dma_start3A_596[%dma_start3A_591, %dma_start3A_597, %dma_start3A_598] : memref<8x128x16xf32, #tpu.memory_space<vmem>> -> memref<1x128x16xf32, #tpu.memory_space<vmem>>
      %dma_start3A_600 = tpu.memref_squeeze %dma_start3A_599 : memref<1x128x16xf32, #tpu.memory_space<vmem>> -> memref<128x16xf32, #tpu.memory_space<vmem>>
      %dma_start3A_601 = arith.constant 0 : i32
      %dma_start3A_602 = arith.constant 0 : i32
      %dma_start3A_603 = tpu.memref_slice %arg10[%dma_start3A_588, %dma_start3A_601, %dma_start3A_602] : memref<2x8x128xi32, #tpu.memory_space<vmem>> -> memref<1x8x128xi32, #tpu.memory_space<vmem>>
      %dma_start3A_604 = tpu.memref_squeeze %dma_start3A_603 : memref<1x8x128xi32, #tpu.memory_space<vmem>> -> memref<8x128xi32, #tpu.memory_space<vmem>>
      %dma_start3A_605 = arith.constant 0 : i32
      %dma_start3A_606 = tpu.memref_slice %dma_start3A_604[%dma_start3A_589, %dma_start3A_605] : memref<8x128xi32, #tpu.memory_space<vmem>> -> memref<1x128xi32, #tpu.memory_space<vmem>>
      %dma_start3A_607 = tpu.memref_squeeze %dma_start3A_606 : memref<1x128xi32, #tpu.memory_space<vmem>> -> memref<128xi32, #tpu.memory_space<vmem>>
      %dma_start3A_608 = arith.constant 0 : i32
      %dma_start3A_609 = arith.constant 0 : i32
      %dma_start3A_610 = tpu.memref_slice %arg12[%dma_start3A_608, %dma_start3A_609] : memref<2048x16xf32, #tpu.memory_space<vmem_shared>> -> memref<2048x16xf32, #tpu.memory_space<vmem_shared>>
      tpu.enqueue_indirect_dma source(%dma_start3A_610 : memref<2048x16xf32, #tpu.memory_space<vmem_shared>>) target(%dma_start3A_600 : memref<128x16xf32, #tpu.memory_space<vmem>>) offsets(%dma_start3A_607 : memref<128xi32, #tpu.memory_space<vmem>>) semaphore(%arg20 : memref<!tpu.dma_semaphore, #tpu.memory_space<semaphore_mem>>)
      %dma_start3A_611 = arith.constant 1 : i32
      %dma_start3A_612 = arith.constant 6 : i32
      %dma_start3A_613 = arith.constant 1 : i32
      %dma_start3A_614 = arith.constant 6 : i32
      %dma_start3A_615 = arith.constant 0 : i32
      %dma_start3A_616 = arith.constant 0 : i32
      %dma_start3A_617 = arith.constant 0 : i32
      %dma_start3A_618 = tpu.memref_slice %arg11[%dma_start3A_613, %dma_start3A_615, %dma_start3A_616, %dma_start3A_617] : memref<2x8x128x16xf32, #tpu.memory_space<vmem>> -> memref<1x8x128x16xf32, #tpu.memory_space<vmem>>
      %dma_start3A_619 = tpu.memref_squeeze %dma_start3A_618 : memref<1x8x128x16xf32, #tpu.memory_space<vmem>> -> memref<8x128x16xf32, #tpu.memory_space<vmem>>
      %dma_start3A_620 = arith.constant 0 : i32
      %dma_start3A_621 = arith.constant 0 : i32
      %dma_start3A_622 = tpu.memref_slice %dma_start3A_619[%dma_start3A_614, %dma_start3A_620, %dma_start3A_621] : memref<8x128x16xf32, #tpu.memory_space<vmem>> -> memref<1x128x16xf32, #tpu.memory_space<vmem>>
      %dma_start3A_623 = tpu.memref_squeeze %dma_start3A_622 : memref<1x128x16xf32, #tpu.memory_space<vmem>> -> memref<128x16xf32, #tpu.memory_space<vmem>>
      %dma_start3A_624 = arith.constant 0 : i32
      %dma_start3A_625 = arith.constant 0 : i32
      %dma_start3A_626 = tpu.memref_slice %arg10[%dma_start3A_611, %dma_start3A_624, %dma_start3A_625] : memref<2x8x128xi32, #tpu.memory_space<vmem>> -> memref<1x8x128xi32, #tpu.memory_space<vmem>>
      %dma_start3A_627 = tpu.memref_squeeze %dma_start3A_626 : memref<1x8x128xi32, #tpu.memory_space<vmem>> -> memref<8x128xi32, #tpu.memory_space<vmem>>
      %dma_start3A_628 = arith.constant 0 : i32
      %dma_start3A_629 = tpu.memref_slice %dma_start3A_627[%dma_start3A_612, %dma_start3A_628] : memref<8x128xi32, #tpu.memory_space<vmem>> -> memref<1x128xi32, #tpu.memory_space<vmem>>
      %dma_start3A_630 = tpu.memref_squeeze %dma_start3A_629 : memref<1x128xi32, #tpu.memory_space<vmem>> -> memref<128xi32, #tpu.memory_space<vmem>>
      %dma_start3A_631 = arith.constant 0 : i32
      %dma_start3A_632 = arith.constant 0 : i32
      %dma_start3A_633 = tpu.memref_slice %arg12[%dma_start3A_631, %dma_start3A_632] : memref<2048x16xf32, #tpu.memory_space<vmem_shared>> -> memref<2048x16xf32, #tpu.memory_space<vmem_shared>>
      tpu.enqueue_indirect_dma source(%dma_start3A_633 : memref<2048x16xf32, #tpu.memory_space<vmem_shared>>) target(%dma_start3A_623 : memref<128x16xf32, #tpu.memory_space<vmem>>) offsets(%dma_start3A_630 : memref<128xi32, #tpu.memory_space<vmem>>) semaphore(%arg20 : memref<!tpu.dma_semaphore, #tpu.memory_space<semaphore_mem>>)
      %dma_start3A_634 = arith.constant 1 : i32
      %dma_start3A_635 = arith.constant 7 : i32
      %dma_start3A_636 = arith.constant 1 : i32
      %dma_start3A_637 = arith.constant 7 : i32
      %dma_start3A_638 = arith.constant 0 : i32
      %dma_start3A_639 = arith.constant 0 : i32
      %dma_start3A_640 = arith.constant 0 : i32
      %dma_start3A_641 = tpu.memref_slice %arg11[%dma_start3A_636, %dma_start3A_638, %dma_start3A_639, %dma_start3A_640] : memref<2x8x128x16xf32, #tpu.memory_space<vmem>> -> memref<1x8x128x16xf32, #tpu.memory_space<vmem>>
      %dma_start3A_642 = tpu.memref_squeeze %dma_start3A_641 : memref<1x8x128x16xf32, #tpu.memory_space<vmem>> -> memref<8x128x16xf32, #tpu.memory_space<vmem>>
      %dma_start3A_643 = arith.constant 0 : i32
      %dma_start3A_644 = arith.constant 0 : i32
      %dma_start3A_645 = tpu.memref_slice %dma_start3A_642[%dma_start3A_637, %dma_start3A_643, %dma_start3A_644] : memref<8x128x16xf32, #tpu.memory_space<vmem>> -> memref<1x128x16xf32, #tpu.memory_space<vmem>>
      %dma_start3A_646 = tpu.memref_squeeze %dma_start3A_645 : memref<1x128x16xf32, #tpu.memory_space<vmem>> -> memref<128x16xf32, #tpu.memory_space<vmem>>
      %dma_start3A_647 = arith.constant 0 : i32
      %dma_start3A_648 = arith.constant 0 : i32
      %dma_start3A_649 = tpu.memref_slice %arg10[%dma_start3A_634, %dma_start3A_647, %dma_start3A_648] : memref<2x8x128xi32, #tpu.memory_space<vmem>> -> memref<1x8x128xi32, #tpu.memory_space<vmem>>
      %dma_start3A_650 = tpu.memref_squeeze %dma_start3A_649 : memref<1x8x128xi32, #tpu.memory_space<vmem>> -> memref<8x128xi32, #tpu.memory_space<vmem>>
      %dma_start3A_651 = arith.constant 0 : i32
      %dma_start3A_652 = tpu.memref_slice %dma_start3A_650[%dma_start3A_635, %dma_start3A_651] : memref<8x128xi32, #tpu.memory_space<vmem>> -> memref<1x128xi32, #tpu.memory_space<vmem>>
      %dma_start3A_653 = tpu.memref_squeeze %dma_start3A_652 : memref<1x128xi32, #tpu.memory_space<vmem>> -> memref<128xi32, #tpu.memory_space<vmem>>
      %dma_start3A_654 = arith.constant 0 : i32
      %dma_start3A_655 = arith.constant 0 : i32
      %dma_start3A_656 = tpu.memref_slice %arg12[%dma_start3A_654, %dma_start3A_655] : memref<2048x16xf32, #tpu.memory_space<vmem_shared>> -> memref<2048x16xf32, #tpu.memory_space<vmem_shared>>
      tpu.enqueue_indirect_dma source(%dma_start3A_656 : memref<2048x16xf32, #tpu.memory_space<vmem_shared>>) target(%dma_start3A_646 : memref<128x16xf32, #tpu.memory_space<vmem>>) offsets(%dma_start3A_653 : memref<128xi32, #tpu.memory_space<vmem>>) semaphore(%arg20 : memref<!tpu.dma_semaphore, #tpu.memory_space<semaphore_mem>>)
      %lt3A_657 = arith.constant 49 : i32
      %lt3A_658 = arith.cmpi slt, %add3A_429, %lt3A_657 : i32
      %convert_element_type3A_659 = arith.extui %lt3A_658 : i1 to i32
      %cond3A_660 = arith.constant 0 : i32
      %cond3A_661 = arith.cmpi ne, %convert_element_type3A_659, %cond3A_660 : i32
      scf.if %cond3A_661 {
        %dma_wait3A_662 = arith.constant 0 : i32
        %dma_wait3A_663 = arith.constant 0 : i32
        %dma_wait3A_664 = tpu.memref_slice %arg7[%dma_wait3A_662, %dma_wait3A_663] : memref<2x128xi32, #tpu.memory_space<vmem>> -> memref<1x128xi32, #tpu.memory_space<vmem>>
        %dma_wait3A_665 = tpu.memref_squeeze %dma_wait3A_664 : memref<1x128xi32, #tpu.memory_space<vmem>> -> memref<128xi32, #tpu.memory_space<vmem>>
        %dma_wait3A_666 = arith.constant 0 : i32
        %dma_wait3A_667 = tpu.memref_slice %arg2[%dma_wait3A_666] : memref<204800xi32, #tpu.memory_space<hbm>> -> memref<128xi32, #tpu.memory_space<hbm>>
        %dma_wait3A_668 = arith.constant 0 : i32
        %dma_wait3A_669 = tpu.memref_slice %arg7[%dma_wait3A_662, %dma_wait3A_668] : memref<2x128xi32, #tpu.memory_space<vmem>> -> memref<1x128xi32, #tpu.memory_space<vmem>>
        %dma_wait3A_670 = tpu.memref_squeeze %dma_wait3A_669 : memref<1x128xi32, #tpu.memory_space<vmem>> -> memref<128xi32, #tpu.memory_space<vmem>>
        %dma_wait3A_671 = arith.constant 0 : i32
        %dma_wait3A_672 = tpu.memref_slice %arg2[%dma_wait3A_671] : memref<204800xi32, #tpu.memory_space<hbm>> -> memref<128xi32, #tpu.memory_space<hbm>>
        tpu.wait_dma2 semaphore(%arg15 : memref<!tpu.dma_semaphore, #tpu.memory_space<semaphore_mem>>) src(%dma_wait3A_672 : memref<128xi32, #tpu.memory_space<hbm>>) dst(%dma_wait3A_670 : memref<128xi32, #tpu.memory_space<vmem>>)
        %dma_start3A_673 = arith.constant 0 : i32
        %dma_start3A_674 = arith.constant 0 : i32
        %dma_start3A_675 = arith.constant 0 : i32
        %dma_start3A_676 = arith.constant 0 : i32
        %dma_start3A_677 = tpu.memref_slice %arg8[%dma_start3A_675, %dma_start3A_676] : memref<2x128xi32, #tpu.memory_space<vmem>> -> memref<1x128xi32, #tpu.memory_space<vmem>>
        %dma_start3A_678 = tpu.memref_squeeze %dma_start3A_677 : memref<1x128xi32, #tpu.memory_space<vmem>> -> memref<128xi32, #tpu.memory_space<vmem>>
        %dma_start3A_679 = arith.constant 0 : i32
        %dma_start3A_680 = tpu.memref_slice %arg7[%dma_start3A_674, %dma_start3A_679] : memref<2x128xi32, #tpu.memory_space<vmem>> -> memref<1x128xi32, #tpu.memory_space<vmem>>
        %dma_start3A_681 = tpu.memref_squeeze %dma_start3A_680 : memref<1x128xi32, #tpu.memory_space<vmem>> -> memref<128xi32, #tpu.memory_space<vmem>>
        %dma_start3A_682 = arith.constant 0 : i32
        %dma_start3A_683 = tpu.memref_slice %arg13[%dma_start3A_673, %dma_start3A_682] : memref<2x100001xi32, #tpu.memory_space<vmem_shared>> -> memref<1x100001xi32, #tpu.memory_space<vmem_shared>>
        %dma_start3A_684 = tpu.memref_squeeze %dma_start3A_683 : memref<1x100001xi32, #tpu.memory_space<vmem_shared>> -> memref<100001xi32, #tpu.memory_space<vmem_shared>>
        %dma_start3A_685 = arith.constant 0 : i32
        %dma_start3A_686 = tpu.memref_slice %dma_start3A_684[%dma_start3A_685] : memref<100001xi32, #tpu.memory_space<vmem_shared>> -> memref<100001xi32, #tpu.memory_space<vmem_shared>>
        tpu.enqueue_indirect_dma source(%dma_start3A_686 : memref<100001xi32, #tpu.memory_space<vmem_shared>>) target(%dma_start3A_678 : memref<128xi32, #tpu.memory_space<vmem>>) offsets(%dma_start3A_681 : memref<128xi32, #tpu.memory_space<vmem>>) semaphore(%arg17 : memref<!tpu.dma_semaphore, #tpu.memory_space<semaphore_mem>>)
        %dma_start3A_687 = arith.constant 1 : i32
        %dma_start3A_688 = arith.constant 0 : i32
        %dma_start3A_689 = arith.constant 0 : i32
        %dma_start3A_690 = arith.constant 0 : i32
        %dma_start3A_691 = tpu.memref_slice %arg9[%dma_start3A_689, %dma_start3A_690] : memref<2x128xi32, #tpu.memory_space<vmem>> -> memref<1x128xi32, #tpu.memory_space<vmem>>
        %dma_start3A_692 = tpu.memref_squeeze %dma_start3A_691 : memref<1x128xi32, #tpu.memory_space<vmem>> -> memref<128xi32, #tpu.memory_space<vmem>>
        %dma_start3A_693 = arith.constant 0 : i32
        %dma_start3A_694 = tpu.memref_slice %arg7[%dma_start3A_688, %dma_start3A_693] : memref<2x128xi32, #tpu.memory_space<vmem>> -> memref<1x128xi32, #tpu.memory_space<vmem>>
        %dma_start3A_695 = tpu.memref_squeeze %dma_start3A_694 : memref<1x128xi32, #tpu.memory_space<vmem>> -> memref<128xi32, #tpu.memory_space<vmem>>
        %dma_start3A_696 = arith.constant 0 : i32
        %dma_start3A_697 = tpu.memref_slice %arg13[%dma_start3A_687, %dma_start3A_696] : memref<2x100001xi32, #tpu.memory_space<vmem_shared>> -> memref<1x100001xi32, #tpu.memory_space<vmem_shared>>
        %dma_start3A_698 = tpu.memref_squeeze %dma_start3A_697 : memref<1x100001xi32, #tpu.memory_space<vmem_shared>> -> memref<100001xi32, #tpu.memory_space<vmem_shared>>
        %dma_start3A_699 = arith.constant 0 : i32
        %dma_start3A_700 = tpu.memref_slice %dma_start3A_698[%dma_start3A_699] : memref<100001xi32, #tpu.memory_space<vmem_shared>> -> memref<100001xi32, #tpu.memory_space<vmem_shared>>
        tpu.enqueue_indirect_dma source(%dma_start3A_700 : memref<100001xi32, #tpu.memory_space<vmem_shared>>) target(%dma_start3A_692 : memref<128xi32, #tpu.memory_space<vmem>>) offsets(%dma_start3A_695 : memref<128xi32, #tpu.memory_space<vmem>>) semaphore(%arg17 : memref<!tpu.dma_semaphore, #tpu.memory_space<semaphore_mem>>)
      } else {
      }
    }
    %scan3A_111 = arith.constant 25 : i32
    %dma_wait3A_112 = arith.constant 1 : i32
    %dma_wait3A_113 = arith.constant 0 : i32
    %dma_wait3A_114 = arith.constant 0 : i32
    %dma_wait3A_115 = arith.constant 0 : i32
    %dma_wait3A_116 = tpu.memref_slice %arg11[%dma_wait3A_112, %dma_wait3A_113, %dma_wait3A_114, %dma_wait3A_115] : memref<2x8x128x16xf32, #tpu.memory_space<vmem>> -> memref<1x8x128x16xf32, #tpu.memory_space<vmem>>
    %dma_wait3A_117 = tpu.memref_squeeze %dma_wait3A_116 : memref<1x8x128x16xf32, #tpu.memory_space<vmem>> -> memref<8x128x16xf32, #tpu.memory_space<vmem>>
    %dma_wait3A_118 = arith.constant 0 : i32
    %dma_wait3A_119 = arith.constant 0 : i32
    %dma_wait3A_120 = arith.constant 0 : i32
    %dma_wait3A_121 = tpu.memref_slice %arg6[%dma_wait3A_118, %dma_wait3A_119, %dma_wait3A_120] : memref<12800x128x16xf32, #tpu.memory_space<hbm>> -> memref<8x128x16xf32, #tpu.memory_space<hbm>>
    %dma_wait3A_122 = arith.constant 0 : i32
    %dma_wait3A_123 = arith.constant 0 : i32
    %dma_wait3A_124 = arith.constant 0 : i32
    %dma_wait3A_125 = tpu.memref_slice %arg11[%dma_wait3A_112, %dma_wait3A_122, %dma_wait3A_123, %dma_wait3A_124] : memref<2x8x128x16xf32, #tpu.memory_space<vmem>> -> memref<1x8x128x16xf32, #tpu.memory_space<vmem>>
    %dma_wait3A_126 = tpu.memref_squeeze %dma_wait3A_125 : memref<1x8x128x16xf32, #tpu.memory_space<vmem>> -> memref<8x128x16xf32, #tpu.memory_space<vmem>>
    %dma_wait3A_127 = arith.constant 0 : i32
    %dma_wait3A_128 = arith.constant 0 : i32
    %dma_wait3A_129 = arith.constant 0 : i32
    %dma_wait3A_130 = tpu.memref_slice %arg6[%dma_wait3A_127, %dma_wait3A_128, %dma_wait3A_129] : memref<12800x128x16xf32, #tpu.memory_space<hbm>> -> memref<8x128x16xf32, #tpu.memory_space<hbm>>
    tpu.wait_dma2 semaphore(%arg20 : memref<!tpu.dma_semaphore, #tpu.memory_space<semaphore_mem>>) src(%dma_wait3A_130 : memref<8x128x16xf32, #tpu.memory_space<hbm>>) dst(%dma_wait3A_126 : memref<8x128x16xf32, #tpu.memory_space<vmem>>)
    %mul3A_131 = arith.constant 400 : i32
    %mul3A_132 = arith.muli %add3A, %mul3A_131 : i32
    %add3A_133 = arith.constant 392 : i32
    %add3A_134 = arith.addi %mul3A_132, %add3A_133 : i32
    %dma_start3A_135 = arith.constant 1 : i32
    %dma_start3A_136 = arith.constant 0 : i32
    %dma_start3A_137 = arith.constant 0 : i32
    %dma_start3A_138 = arith.constant 0 : i32
    %dma_start3A_139 = tpu.memref_slice %arg11[%dma_start3A_135, %dma_start3A_136, %dma_start3A_137, %dma_start3A_138] : memref<2x8x128x16xf32, #tpu.memory_space<vmem>> -> memref<1x8x128x16xf32, #tpu.memory_space<vmem>>
    %dma_start3A_140 = tpu.memref_squeeze %dma_start3A_139 : memref<1x8x128x16xf32, #tpu.memory_space<vmem>> -> memref<8x128x16xf32, #tpu.memory_space<vmem>>
    %dma_start3A_141 = arith.constant 0 : i32
    %dma_start3A_142 = arith.constant 0 : i32
    %dma_start3A_143 = tpu.memref_slice %arg6[%add3A_134, %dma_start3A_141, %dma_start3A_142] : memref<12800x128x16xf32, #tpu.memory_space<hbm>> -> memref<8x128x16xf32, #tpu.memory_space<hbm>>
    %dma_start3A_144 = arith.constant 0 : i32
    %dma_start3A_145 = arith.constant 0 : i32
    %dma_start3A_146 = tpu.memref_slice %arg6[%add3A_134, %dma_start3A_144, %dma_start3A_145] : memref<12800x128x16xf32, #tpu.memory_space<hbm>> -> memref<8x128x16xf32, #tpu.memory_space<hbm>>
    %dma_start3A_147 = arith.constant 0 : i32
    %dma_start3A_148 = arith.constant 0 : i32
    %dma_start3A_149 = arith.constant 0 : i32
    %dma_start3A_150 = tpu.memref_slice %arg11[%dma_start3A_135, %dma_start3A_147, %dma_start3A_148, %dma_start3A_149] : memref<2x8x128x16xf32, #tpu.memory_space<vmem>> -> memref<1x8x128x16xf32, #tpu.memory_space<vmem>>
    %dma_start3A_151 = tpu.memref_squeeze %dma_start3A_150 : memref<1x8x128x16xf32, #tpu.memory_space<vmem>> -> memref<8x128x16xf32, #tpu.memory_space<vmem>>
    tpu.enqueue_dma source(%dma_start3A_151 : memref<8x128x16xf32, #tpu.memory_space<vmem>>) target(%dma_start3A_146 : memref<8x128x16xf32, #tpu.memory_space<hbm>>) target_semaphore(%arg22 : memref<!tpu.dma_semaphore, #tpu.memory_space<semaphore_mem>>)
    %dma_wait3A_152 = arith.constant 0 : i32
    %dma_wait3A_153 = arith.constant 0 : i32
    %dma_wait3A_154 = arith.constant 0 : i32
    %dma_wait3A_155 = arith.constant 0 : i32
    %dma_wait3A_156 = tpu.memref_slice %arg11[%dma_wait3A_152, %dma_wait3A_153, %dma_wait3A_154, %dma_wait3A_155] : memref<2x8x128x16xf32, #tpu.memory_space<vmem>> -> memref<1x8x128x16xf32, #tpu.memory_space<vmem>>
    %dma_wait3A_157 = tpu.memref_squeeze %dma_wait3A_156 : memref<1x8x128x16xf32, #tpu.memory_space<vmem>> -> memref<8x128x16xf32, #tpu.memory_space<vmem>>
    %dma_wait3A_158 = arith.constant 0 : i32
    %dma_wait3A_159 = arith.constant 0 : i32
    %dma_wait3A_160 = arith.constant 0 : i32
    %dma_wait3A_161 = tpu.memref_slice %arg6[%dma_wait3A_158, %dma_wait3A_159, %dma_wait3A_160] : memref<12800x128x16xf32, #tpu.memory_space<hbm>> -> memref<8x128x16xf32, #tpu.memory_space<hbm>>
    %dma_wait3A_162 = arith.constant 0 : i32
    %dma_wait3A_163 = arith.constant 0 : i32
    %dma_wait3A_164 = arith.constant 0 : i32
    %dma_wait3A_165 = tpu.memref_slice %arg6[%dma_wait3A_162, %dma_wait3A_163, %dma_wait3A_164] : memref<12800x128x16xf32, #tpu.memory_space<hbm>> -> memref<8x128x16xf32, #tpu.memory_space<hbm>>
    %dma_wait3A_166 = arith.constant 0 : i32
    %dma_wait3A_167 = arith.constant 0 : i32
    %dma_wait3A_168 = arith.constant 0 : i32
    %dma_wait3A_169 = tpu.memref_slice %arg11[%dma_wait3A_152, %dma_wait3A_166, %dma_wait3A_167, %dma_wait3A_168] : memref<2x8x128x16xf32, #tpu.memory_space<vmem>> -> memref<1x8x128x16xf32, #tpu.memory_space<vmem>>
    %dma_wait3A_170 = tpu.memref_squeeze %dma_wait3A_169 : memref<1x8x128x16xf32, #tpu.memory_space<vmem>> -> memref<8x128x16xf32, #tpu.memory_space<vmem>>
    tpu.wait_dma2 semaphore(%arg21 : memref<!tpu.dma_semaphore, #tpu.memory_space<semaphore_mem>>) src(%dma_wait3A_170 : memref<8x128x16xf32, #tpu.memory_space<vmem>>) dst(%dma_wait3A_165 : memref<8x128x16xf32, #tpu.memory_space<hbm>>)
    %dma_wait3A_171 = arith.constant 1 : i32
    %dma_wait3A_172 = arith.constant 0 : i32
    %dma_wait3A_173 = arith.constant 0 : i32
    %dma_wait3A_174 = arith.constant 0 : i32
    %dma_wait3A_175 = tpu.memref_slice %arg11[%dma_wait3A_171, %dma_wait3A_172, %dma_wait3A_173, %dma_wait3A_174] : memref<2x8x128x16xf32, #tpu.memory_space<vmem>> -> memref<1x8x128x16xf32, #tpu.memory_space<vmem>>
    %dma_wait3A_176 = tpu.memref_squeeze %dma_wait3A_175 : memref<1x8x128x16xf32, #tpu.memory_space<vmem>> -> memref<8x128x16xf32, #tpu.memory_space<vmem>>
    %dma_wait3A_177 = arith.constant 0 : i32
    %dma_wait3A_178 = arith.constant 0 : i32
    %dma_wait3A_179 = arith.constant 0 : i32
    %dma_wait3A_180 = tpu.memref_slice %arg6[%dma_wait3A_177, %dma_wait3A_178, %dma_wait3A_179] : memref<12800x128x16xf32, #tpu.memory_space<hbm>> -> memref<8x128x16xf32, #tpu.memory_space<hbm>>
    %dma_wait3A_181 = arith.constant 0 : i32
    %dma_wait3A_182 = arith.constant 0 : i32
    %dma_wait3A_183 = arith.constant 0 : i32
    %dma_wait3A_184 = tpu.memref_slice %arg6[%dma_wait3A_181, %dma_wait3A_182, %dma_wait3A_183] : memref<12800x128x16xf32, #tpu.memory_space<hbm>> -> memref<8x128x16xf32, #tpu.memory_space<hbm>>
    %dma_wait3A_185 = arith.constant 0 : i32
    %dma_wait3A_186 = arith.constant 0 : i32
    %dma_wait3A_187 = arith.constant 0 : i32
    %dma_wait3A_188 = tpu.memref_slice %arg11[%dma_wait3A_171, %dma_wait3A_185, %dma_wait3A_186, %dma_wait3A_187] : memref<2x8x128x16xf32, #tpu.memory_space<vmem>> -> memref<1x8x128x16xf32, #tpu.memory_space<vmem>>
    %dma_wait3A_189 = tpu.memref_squeeze %dma_wait3A_188 : memref<1x8x128x16xf32, #tpu.memory_space<vmem>> -> memref<8x128x16xf32, #tpu.memory_space<vmem>>
    tpu.wait_dma2 semaphore(%arg22 : memref<!tpu.dma_semaphore, #tpu.memory_space<semaphore_mem>>) src(%dma_wait3A_189 : memref<8x128x16xf32, #tpu.memory_space<vmem>>) dst(%dma_wait3A_184 : memref<8x128x16xf32, #tpu.memory_space<hbm>>)
    return
  }
}

</mosaic_0001>

<sc_bundles>
// kernel: _sc_call.3.cloned.1.call-start
scs
__scs_entry_jumppad:
0x0: {  	(pc) =	sbr.rel $0x88, $3  }
0x1: {  	(tag) =	ssettag $0x0;
	lr =	simm.s32 $0x1  }
0x2: {  	[smem:$0x3F9D] =	sst lr;
	_ =	strace $0xD0000000  }
0x3: {  	_ = 	snop  }
0x4: {  	_ = 	snop  }
0x5: {  	_ = 	snop  }
0x6: {  	_ = 	snop  }
0x7: {  	_ = 	snop  }
__scs_overlays_trampoline_lowered:
0x8: {  	[smem:$0x3FAC] =	sst s0  }
0x9: {  	[smem:$0x3FAD] =	sst s1  }
0xa: {  	[smem:$0x3FAE] =	sst s2  }
0xb: {  	[smem:$0x3FAF] =	sst s3  }
0xc: {  	[smem:$0x3FB0] =	sst s4  }
0xd: {  	[smem:$0x3FB1] =	sst s5  }
0xe: {  	[smem:$0x3FB2] =	sst s6  }
0xf: {  	[smem:$0x3FB3] =	sst s7  }
0x10: {  	[smem:$0x3FB4] =	sst s8  }
0x11: {  	[smem:$0x3FB5] =	sst s9;
	s0 =	simm.s32 @!p0 $0x0  }
0x12: {  	s1 =	sld [smem:$0x3F9B];
	s0 =	simm.s32 @p0 $0x1  }
0x13: {  	[smem:$0x3FB6] =	sst s0;
	s0 =	simm.s32 @!p1 $0x0  }
0x14: {  	s2 =	sld [smem:$0x3F9A];
	s0 =	simm.s32 @p1 $0x1  }
0x15: {  	[smem:$0x3FB7] =	sst s0;
	s0 =	simm.s32 @!p2 $0x0  }
0x16: {  	s3 =	sld [smem:$0x3FDB];
	s0 =	simm.s32 @p2 $0x1  }
0x17: {  	s4 =	simm.s32 $0x1BF5;
	[smem:$0x3FB9] =	sst s0  }
0x18: {  	s0 =	sld [smem:$0x3F9C];
	_ =	swait.ge [sflag:s4], $0x0  }
0x19: {  	s7 =	sld [smem:$0x3F9D]  }
0x1a: {  	s8 =	sadd.s32 $0xFFFFE003, lr  }
0x1b: {  	s9 =	sadd.s32 $0xFFFFFEF7, lr;
	s5 =	simm.s32 $0xFFFFFFFF;
	p2 =	slt.u32 s8, $0xFFFFF086  }
0x1c: {  	p1 =	slt.u32 s9, $0xF7A;
	s5 =	simm.s32 @!p2 $0x0  }
0x1d: {  	s5 =	simm.s32 @p1 $0x1;
	p0 =	seq.s32 s7, s2  }
0x1e: {  	s7 =	smul.u32 @!p0 $0xF7A, s2;
	p2 =	seq.s32 @!p0 s5, $0x0  }
0x1f: {  	s9 =	smul.u32 $0xF7A, s1;
	s8 =	simm.s32 @!p0 $0x1BF5;
	p2 =	por !p2, p0  }
0x20: {  	[sflag:s8] =	ssyncset.s32 @!p0 $0xFFFFF086;
	s6 =	sadd.s32 @!p0 s3, s7;
	s7 =	simm.s32 @!p0 $0x108  }
0x21: {  	s3 =	sadd.s32 s3, s9;
	s6 =	sadd.s32 @!p0 $0x88, s6;
	s7 =	simm.s32 @p2 $0x1082  }
0x22: {  	[simem:s7], [sflag:s8] =	dma.local @!p0 [hbm:s6], $0xF7A  }
0x23: {  	s9 =	sor.u32 $0xD0000000, s2;
	s6 =	simm.s32 $0x108;
	_ =	swait.ge @!p0 [sflag:s8], $0x0  }
0x24: {  	s3 =	sadd.s32 $0x88, s3;
	s6 =	simm.s32 @!p1 $0x1082;
	[sflag:s4] =	ssyncset.s32 $0xFFFFF086  }
0x25: {  	[simem:s6], [sflag:s4] =	dma.local [hbm:s3], $0xF7A  }
0x26: {  	[smem:$0x3F9D] =	sst s1;
	(tag) =	ssettag s2;
	_ =	strace s9  }
0x27: {  	s1 =	sld [smem:$0x3FAD]  }
0x28: {  	s2 =	sld [smem:$0x3FAE]  }
0x29: {  	s4 =	sld [smem:$0x3FB0]  }
0x2a: {  	p0 =	seq.s32 s5, $0x0;
	s5 =	sld [smem:$0x3FB1]  }
0x2b: {  	s6 =	sld [smem:$0x3FB2]  }
0x2c: {  	s7 =	sld [smem:$0x3FB3]  }
0x2d: {  	s3 =	simm.s32 $0x108;
	s8 =	sld [smem:$0x3FB4]  }
0x2e: {  	s3 =	simm.s32 @!p0 $0x1082;
	s9 =	sld [smem:$0x3FB5]  }
0x2f: {  	lr =	sadd.s32 s0, s3;
	s0 =	sld [smem:$0x3FAC]  }
0x30: {  	s3 =	sld [smem:$0x3FAF]  }
0x31: {  	[smem:$0x3FB8] =	sst s10  }
0x32: {  	s10 =	sld [smem:$0x3FB6];
	_ =	sdelay $0x3  }
0x33: {  	p0 =	seq.s32 s10, $0x1;
	s10 =	sld [smem:$0x3FB8];
	_ =	sdelay $0x3  }
0x34: {  	[smem:$0x3FB8] =	sst s10  }
0x35: {  	s10 =	sld [smem:$0x3FB7];
	_ =	sdelay $0x3  }
0x36: {  	p1 =	seq.s32 s10, $0x1;
	s10 =	sld [smem:$0x3FB8];
	_ =	sdelay $0x3  }
0x37: {  	[smem:$0x3FB8] =	sst s10  }
0x38: {  	s10 =	sld [smem:$0x3FB9]  }
0x39: {  	_ = 	snop;
	(pc) =	sbr.ind lr, $3  }
0x3a: {  	_ = 	snop  }
0x3b: {  	_ = 	snop  }
0x3c: {  	p2 =	seq.s32 s10, $0x1;
	s10 =	sld [smem:$0x3FB8]  }
0x3d: {  	_ =	shalt  }
0x3e: {  	_ =	shalt  }
0x3f: {  	_ =	shalt  }
0x40: {  	_ =	shalt  }
0x41: {  	_ =	shalt  }
0x42: {  	_ =	shalt  }
0x43: {  	_ =	shalt  }
0x44: {  	_ =	shalt  }
0x45: {  	_ =	shalt  }
0x46: {  	_ =	shalt  }
0x47: {  	_ =	shalt  }
0x48: {  	_ =	shalt  }
0x49: {  	_ =	shalt  }
0x4a: {  	_ =	shalt  }
0x4b: {  	_ =	shalt  }
0x4c: {  	_ =	shalt  }
0x4d: {  	_ =	shalt  }
0x4e: {  	_ =	shalt  }
0x4f: {  	_ =	shalt  }
0x50: {  	_ =	shalt  }
0x51: {  	_ =	shalt  }
0x52: {  	_ =	shalt  }
0x53: {  	_ =	shalt  }
0x54: {  	_ =	shalt  }
0x55: {  	_ =	shalt  }
0x56: {  	_ =	shalt  }
0x57: {  	_ =	shalt  }
0x58: {  	_ =	shalt  }
0x59: {  	_ =	shalt  }
0x5a: {  	_ =	shalt  }
0x5b: {  	_ =	shalt  }
0x5c: {  	_ =	shalt  }
0x5d: {  	_ =	shalt  }
0x5e: {  	_ =	shalt  }
0x5f: {  	_ =	shalt  }
0x60: {  	_ =	shalt  }
0x61: {  	_ =	shalt  }
0x62: {  	_ =	shalt  }
0x63: {  	_ =	shalt  }
0x64: {  	_ =	shalt  }
0x65: {  	_ =	shalt  }
0x66: {  	_ =	shalt  }
0x67: {  	_ =	shalt  }
0x68: {  	_ =	shalt  }
0x69: {  	_ =	shalt  }
0x6a: {  	_ =	shalt  }
0x6b: {  	_ =	shalt  }
0x6c: {  	_ =	shalt  }
0x6d: {  	_ =	shalt  }
0x6e: {  	_ =	shalt  }
0x6f: {  	_ =	shalt  }
0x70: {  	_ =	shalt  }
0x71: {  	_ =	shalt  }
0x72: {  	_ =	shalt  }
0x73: {  	_ =	shalt  }
0x74: {  	_ =	shalt  }
0x75: {  	_ =	shalt  }
0x76: {  	_ =	shalt  }
0x77: {  	_ =	shalt  }
0x78: {  	_ =	shalt  }
0x79: {  	_ =	shalt  }
0x7a: {  	_ =	shalt  }
0x7b: {  	_ =	shalt  }
0x7c: {  	_ =	shalt  }
0x7d: {  	_ =	shalt  }
0x7e: {  	_ =	shalt  }
0x7f: {  	_ =	shalt  }
0x80: {  	_ =	shalt  }
0x81: {  	_ =	shalt  }
0x82: {  	_ =	shalt  }
0x83: {  	_ =	shalt  }
0x84: {  	_ =	shalt  }
0x85: {  	_ =	shalt  }
0x86: {  	_ =	shalt  }
0x87: {  	_ =	shalt  }
.Lfunc_end0:
.L_simem_size_0:
called_computation.1_lowered:
.L_overlay_start_0:
0x88: {  	s2 =	sld [smem:$0x3FD9]  }
0x89: {  	s3 =	sld [smem:$0x3FFE];
	_ =	sdelay $0x1  }
0x8a: {  	s1 =	srdreg.scid  }
0x8b: {  	s0 =	sand.u32 $0x1, s1  }
0x8c: {  	s17 =	sshll.u32 s0, $0xA;
	s2 =	sadd.s32 s3, s2  }
0x8d: {  	s2 =	sadd.s32 s2, s17  }
0x8e: {  	[smem:$0x3FC4] =	sst s2  }
0x8f: {  	_ = 	snop  }
0x90: {  	s2 =	sld [smem:$0x3FC9]  }
0x91: {  	s18 =	sld [smem:$0x3FC8]  }
0x92: {  	s4 =	sld [smem:$0x3FC7]  }
0x93: {  	s5 =	sld [smem:$0x3FD0];
	(tm) =	ssettm $0x1  }
0x94: {  	s6 =	sld [smem:$0x3FFB];
	_ =	sdelay $0x3  }
0x95: {  	_ =	strace s6  }
0x96: {  	s6 =	sld [smem:$0x3FFC];
	_ =	sdelay $0x3  }
0x97: {  	_ =	strace s6  }
0x98: {  	s6 =	sld [smem:$0x3FFD];
	_ =	sdelay $0x3  }
0x99: {  	_ =	strace s6  }
0x9a: {  	_ =	strace $0x8FFFFFFF  }
0x9b: {  	s19 =	sld [smem:$0x3FDB];
	_ =	sdelay $0x1  }
0x9c: {  	s7 =	simm.s32 $_scs_section_size  }
0x9d: {  	s8 =	simm.s32 $_size__tile_overlayer_lowered;
	s9 =	simm.s32 $_tile_overlayer_lowered  }
0x9e: {  	s22 =	simm.s32 $0x1BFF;
	s21 =	sshll.u32 s9, $0x1;
	s6 =	sadd.s32 s7, s19  }
0x9f: {  	s10 =	simm.s32 $0x0;
	s20 =	sshll.u32 s8, $0x1;
	s8 =	sadd.s32 s21, s6  }
0xa0: {  	[timem:s10], [sflag:s22] =	dma.local [hbm:s8], s20  }
0xa1: {  	_ =	swait.ge [sflag:s22], s20  }
0xa2: {  	s7 =	ssub.s32 $0x0, s20;
	[sflag:s22] =	ssyncset.done $0x0  }
0xa3: {  	[sflag:s22] =	ssyncadd.s32 s7;
	_ =	sdelay $0x1  }
0xa4: {  	s23 =	simm.s32 $0x1B8B  }
0xa5: {  	_ =	swait.ge [sflag:s23], $0x1  }
0xa6: {  	[sflag:s23] =	ssyncset.done $0x0  }
0xa7: {  	s25 =	simm.s32 $0x1B8E;
	s24 =	sld [smem:$0x3FFE];
	[sflag:s23] =	ssyncadd.s32 $0xFFFFFFFF  }
0xa8: {  	s26 =	simm.s32 $execute0_lowered;
	[smem:$0x3FD2] =	sst s25  }
0xa9: {  	s8 =	sshll.u32 s26, $0x1;
	_ =	strace $0x80000046;
	[dreg:$0x1] =	wrdreg $0xFFFFFFFF  }
0xaa: {  	s28 =	simm.s32 $_size_execute0_lowered;
	s6 =	sadd.s32 s6, s8;
	[dreg:$0x0] =	wrdreg $0x0  }
0xab: {  	s8 =	sshll.u32 s28, $0x1;
	[dreg:$0x2] =	wrdreg s6  }
0xac: {  	[dreg:$0x3] =	wrdreg s8  }
0xad: {  	[dreg:$0x4] =	wrdreg $0xC0  }
0xae: {  	_ =	task [dreg:s10], $0x5FFFF  }
0xaf: {  	[dreg:$0x1] =	wrdreg $0xFFFFFFFF  }
0xb0: {  	[dreg:$0x0] =	wrdreg $0x60  }
0xb1: {  	[dreg:$0x2] =	wrdreg s2  }
0xb2: {  	[dreg:$0x3] =	wrdreg s18  }
0xb3: {  	[dreg:$0x4] =	wrdreg s4  }
0xb4: {  	[dreg:$0x5] =	wrdreg s24  }
0xb5: {  	[dreg:$0x6] =	wrdreg s5  }
0xb6: {  	[dreg:$0x7] =	wrdreg $0x8B000  }
0xb7: {  	[dreg:$0x8] =	wrdreg $0x93000  }
0xb8: {  	[dreg:$0x9] =	wrdreg $0x9  }
0xb9: {  	_ =	task.clear_ibuf [dreg:s10], $0xAFFFF;
	_ =	strace $0x90000046  }
0xba: {  	s29 =	simm.s32 $0x9;
	_ =	strace $0x80000048  }
0xbb: {  	_ =	swait.ge [sflag:s29], $0x1  }
0xbc: {  	[sflag:s29] =	ssyncadd.s32 $0xFFFFFFFF  }
0xbd: {  	_ =	strace $0x90000048  }
0xbe: {  	_ =	sfence  }
0xbf: {  	s30 =	sld [smem:$0x0];
	_ =	sdelay $0x2  }
0xc0: {  	s31 =	sshll.u32 s1, $0xD;
	s1 =	sshrl.u32 s1, $0x2  }
0xc1: {  	s3 =	sand.u32 $0x4000, s31;
	s1 =	sadd.s32 s1, s30  }
0xc2: {  	s0 =	sor.u32 s3, s0;
	s1 =	sshll.u32 s1, $0x11  }
0xc3: {  	s0 =	sor.u32 s1, s0  }
0xc4: {  	s0 =	sadd.s32 $0x8F2B, s0  }
0xc5: {  	[sflag:s0] =	ssyncadd.remote.s32 $0x1  }
0xc6: {  	_ =	sfence.sel $0xFFFF  }
0xc7: {  	[dreg:$0x0] =	wrdreg $0xFFFFFFFF;
	(pc) =	sbr.abs _section_cstart, $3  }
0xc8: {  	[dreg:$0x1] =	wrdreg $0xFFFFFFFF  }
0xc9: {  	_ =	task.clear_ibuf [dreg:s10], $0x2FFFF;
	_ =	strace $0x9FFFFFFF  }
0xca: {  	(tm) =	ssettm $0x7FFFFFFF  }
0xcb: {  	_ =	shalt  }
tec
execute0_lowered:
.L_overlay_start_1:
0x0: {  	(tag) =	ssettag $0x1  }
0x1: {  	s0 =	rddreg [dreg:$0x0]  }
0x2: {  	s1 =	rddreg [dreg:$0x3]  }
0x3: {  	s4 =	rddreg [dreg:$0x4]  }
0x4: {  	s5 =	rddreg [dreg:$0x5]  }
0x5: {  	s6 =	rddreg [dreg:$0x6]  }
0x6: {  	s2 =	srdreg.scid;
	s3 =	stileid.u32  }
0x7: {  	s7 =	simm.s32 $0x0;
	s21 =	simm.s32 $0x80;
	s28 =	simm.s32 $0xB00  }
0x8: {  	s22 =	simm.s32 $0x3;
	s29 =	simm.s32 $0x280;
	s30 =	simm.s32 $0x5  }
0x9: {  	s31 =	simm.s32 $0x6;
	s2 =	sand.u32 $0x1, s2;
	s8 =	sshll.u32 s3, $0x1  }
0xa: {  	s12 =	simm.s32 $0xA80;
	s15 =	simm.s32 $0x8300;
	s8 =	sor.u32 s2, s8  }
0xb: {  	[smem:$0x7FF] =	sst s7;
	s1 =	sadd.s32 $0x800, s1;
	s10 =	smul.u32 $0x320, s8  }
0xc: {  	s11 =	sadd.s32 $0x186A8, s6;
	p0 =	sne.s32 s3, $0x0;
	s9 =	smul.u32 $0xC8000, s8  }
0xd: {  	_ =	strace $0x80000047;
	s2 =	ssub.s32 $0x2, s2;
	s24 =	smul.u32 $0x32, s8  }
0xe: {  	[dreg:$0x8] =	wrdreg s1;
	s23 =	sshrl.u32 s2, $0x1;
	s8 =	smul.u32 $0x19000, s8  }
0xf: {  	s1 =	ssub.s32 s2, s23;
	s23 =	simm.s32 $0x100;
	s10 =	sadd.s32 s0, s10  }
0x10: {  	s25 =	sshrl.u32 s9, $0x3;
	s13 =	sadd.s32 $0x2, s24;
	s14 =	sadd.s32 $0x3, s24  }
0x11: {  	s1 =	smax.u32 s1, $0x1;
	s17 =	sadd.s32 $0x1FFFF800, s8;
	[dreg:$0x9] =	wrdreg s10  }
0x12: {  	s24 =	simm.s32 $0x200;
	s10 =	sadd.s32 $0x10, s10;
	[dreg:$0xc] =	wrdreg s1  }
0x13: {  	v0 =	vimm.s32 $0x0;
	vm0 =	vcmask $0x300;
	v2 =	vlaneseq.u32;
	s8 =	simm.s32 $0x7B00;
	s1 =	sshrl.u32 @!p0 s5, $0x3;
	[dreg:$0xa] =	wrdreg s10  }
0x14: {  	vm1 =	vcmask $0xF00;
	v0 =	vsel vm0, $0x3, v0;
	v1 =	vshrl.u32 v2, $0x3;
	s10 =	sadd.s32 s4, s25;
	[dreg:$0xd] =	wrdreg s1;
	s1 =	sshrl.u32 @!p0 s6, $0x3  }
0x15: {  	vm0 =	vcmask $0x2F20;
	v3 =	vand.u32 $0x3, v2;
	v4 =	vand.u32 $0x7, v2;
	s25 =	simm.s32 $0x4;
	s26 =	sadd.s32 $0x18800, s10;
	[dreg:$0xe] =	wrdreg s1  }
0x16: {  	vm0 =	vmor vm1, vm0;
	v2 =	vmul.u32 $0x8, v3;
	v3 =	vmul.u32 $0x100, v4;
	s1 =	sshrl.u32 @!p0 s11, $0x3;
	s10 =	simm.s32 $0x0;
	[dreg:$0xb] =	wrdreg s26  }
0x17: {  	v4 =	vor.u32 $0x2, v1;
	v5 =	vor.u32 $0x4, v1;
	v6 =	vor.u32 $0x6, v1;
	[dreg:$0xf] =	wrdreg s1;
	s26 =	simm.s32 $0x180;
	s1 =	simm.s32 $0x4B00  }
.LBB2_1:
0x18: {  	[dreg:$0x10] =	wrdreg s10  }
0x19: {  	s3 =	rddreg [dreg:$0x8]  }
0x1a: {  	s2 =	simm.s32 @!p0 $0x1C01;
	s10 =	rddreg [dreg:$0xd]  }
0x1b: {  	[spmem:s10], [sflag:s2] =	dma.local @!p0 [hbm:s3], $0x1000  }
0x1c: {  	s3 =	rddreg [dreg:$0x1]  }
0x1d: {  	s10 =	rddreg [dreg:$0xe]  }
0x1e: {  	[spmem:s10], [sflag:s2] =	dma.local @!p0 [hbm:s3], $0x30D5  }
0x1f: {  	s3 =	rddreg [dreg:$0x2]  }
0x20: {  	s10 =	rddreg [dreg:$0xf]  }
0x21: {  	[spmem:s10], [sflag:s2] =	dma.local @!p0 [hbm:s3], $0x30D5  }
0x22: {  	s2 =	simm.s32 @!p0 $0x1  }
0x23: {  	_ =	swait.ge @!p0 [sflag:s2], $0x1000  }
0x24: {  	[sflag:s2] =	ssyncset.done @!p0 $0x0  }
0x25: {  	[sflag:s2] =	ssyncadd.s32 @!p0 $0xFFFFF000  }
0x26: {  	_ =	swait.ge @!p0 [sflag:s2], $0x30D5  }
0x27: {  	[sflag:s2] =	ssyncset.done @!p0 $0x0  }
0x28: {  	[sflag:s2] =	ssyncadd.s32 @!p0 $0xFFFFCF2B  }
0x29: {  	_ =	swait.ge @!p0 [sflag:s2], $0x30D5  }
0x2a: {  	[sflag:s2] =	ssyncset.done @!p0 $0x0  }
0x2b: {  	[sflag:s2] =	ssyncadd.s32 @!p0 $0xFFFFCF2B  }
0x2c: {  	[bflag:$0x0] =	sbarrier.arrive $0xFFFF  }
0x2d: {  	s18 =	rddreg [dreg:$0x9]  }
0x2e: {  	[tilespmem:s7], [sflag:$0x2] =	stream.linear.gather [hbm4b:s18+s7], $0x80, $0x38;
	[tilespmem:$0xC3D8] =	vst v63  }
0x2f: {  	s20 =	simm.s32 $0x2;
	s19 =	rddreg [dreg:$0xa]  }
0x30: {  	[tilespmem:s21], [sflag:$0x3] =	stream.linear.gather [hbm4b:s19+s7], $0x80, $0x38;
	[tilespmem:$0xC3D8] =	vst v63  }
0x31: {  	_ =	swait.ge [sflag:s20], $0x80  }
0x32: {  	[sflag:s20] =	ssyncset.done $0x0  }
0x33: {  	[sflag:s20] =	ssyncadd.s32 $0xFFFFFF80  }
0x34: {  	[tilespmem:s23], [sflag:$0x4] =	stream.indirect.gather [spmem:s6], $0x1, s7, s21, $0xb8;
	[tilespmem:$0xC3D8] =	vst v63  }
0x35: {  	s16 =	simm.s32 $0x0  }
0x36: {  	[tilespmem:s24], [sflag:$0x4] =	stream.indirect.gather [spmem:s11], $0x1, s7, s21, $0xb8;
	[tilespmem:$0xC3D8] =	vst v63  }
.LBB2_2:
0x37: {  	s2 =	simm.s32 $0x0  }
0x38: {  	v7 =	vmov s2  }
0x39: {  	v7 =	vshrl.u32 v7, $0x3  }
0x3a: {  	v7 =	vshll.u32 v7, v0  }
0x3b: {  	_ =	swait.ge [sflag:s25], $0x80;
	v7 =	vbroadcast v7, $0x0  }
0x3c: {  	s18 =	sshll.u32 s16, $0x1;
	p1 =	seq.s32 s16, $0x18;
	[sflag:s25] =	ssyncset.done $0x0  }
0x3d: {  	s2 =	sadd.s32 @!p1 s18, s13;
	[sflag:s25] =	ssyncadd.s32 $0xFFFFFF80;
	v8 =	vor.u32 v1, v7  }
0x3e: {  	s2 =	sshll.u32 @!p1 s2, $0x4;
	_ =	swait.ge [sflag:s25], $0x80  }
0x3f: {  	s2 =	sand.u32 @!p1 $0x1FFFFFE0, s2;
	[sflag:s25] =	ssyncset.done $0x0  }
0x40: {  	s10 =	simm.s32 @!p1 $0x0;
	s2 =	sadd.s32 @!p1 s0, s2;
	[sflag:s25] =	ssyncadd.s32 $0xFFFFFF80  }
0x41: {  	[tilespmem:s10], [sflag:$0x2] =	stream.linear.gather @!p1 [hbm4b:s2+s10], $0x80, $0x38;
	[tilespmem:$0xC3D8] =	vst v63  }
0x42: {  	v9 =	vld.idx.msk [tilespmem:v8+s23+$0x0], $0xffff  }
0x43: {  	v8 =	vld.idx.msk [tilespmem:v8+s24+$0x0], $0xffff;
	_ =	sdelay $0x4  }
0x44: {  	v8 =	vsel vm0, v9, v8;
	v9 =	vor.u32 v4, v7  }
0x45: {  	v8 =	vshrl.u32 v8, v2  }
0x46: {  	v8 =	vand.u32 $0xFF, v8  }
0x47: {  	s19 =	simm.s32 $0x340;
	v8 =	vor.u32 v3, v8  }
0x48: {  	[tilespmem:s19+$0xFFFFFFC0] =	vst v8  }
0x49: {  	v8 =	vld.idx.msk [tilespmem:v9+s23+$0x0], $0xffff  }
0x4a: {  	v9 =	vld.idx.msk [tilespmem:v9+s24+$0x0], $0xffff;
	_ =	sdelay $0x4  }
0x4b: {  	v8 =	vsel vm0, v8, v9;
	v9 =	vor.u32 v5, v7  }
0x4c: {  	v8 =	vshrl.u32 v8, v2  }
0x4d: {  	v8 =	vand.u32 $0xFF, v8  }
0x4e: {  	v8 =	vor.u32 v3, v8  }
0x4f: {  	[tilespmem:s19+$0xFFFFFFD0] =	vst v8  }
0x50: {  	v8 =	vld.idx.msk [tilespmem:v9+s23+$0x0], $0xffff  }
0x51: {  	v9 =	vld.idx.msk [tilespmem:v9+s24+$0x0], $0xffff;
	_ =	sdelay $0x4  }
0x52: {  	v7 =	vor.u32 v6, v7;
	v8 =	vsel vm0, v8, v9  }
0x53: {  	v8 =	vshrl.u32 v8, v2  }
0x54: {  	v8 =	vand.u32 $0xFF, v8  }
0x55: {  	v8 =	vor.u32 v3, v8  }
0x56: {  	[tilespmem:s19+$0xFFFFFFE0] =	vst v8  }
0x57: {  	s20 =	simm.s32 $0x8;
	v8 =	vld.idx.msk [tilespmem:v7+s23+$0x0], $0xffff  }
0x58: {  	v9 =	vmov s20;
	v7 =	vld.idx.msk [tilespmem:v7+s24+$0x0], $0xffff  }
0x59: {  	v9 =	vshrl.u32 v9, $0x3  }
0x5a: {  	v9 =	vshll.u32 v9, v0  }
0x5b: {  	v9 =	vbroadcast v9, $0x0;
	_ =	sdelay $0x1  }
0x5c: {  	v7 =	vsel vm0, v8, v7;
	v8 =	vor.u32 v1, v9  }
0x5d: {  	v7 =	vshrl.u32 v7, v2  }
0x5e: {  	v7 =	vand.u32 $0xFF, v7  }
0x5f: {  	v7 =	vor.u32 v3, v7  }
0x60: {  	[tilespmem:s19+$0xFFFFFFF0] =	vst v7  }
0x61: {  	s3 =	simm.s32 $0xA;
	v7 =	vld.idx.msk [tilespmem:v8+s23+$0x0], $0xffff  }
0x62: {  	v9 =	vmov s3;
	v8 =	vld.idx.msk [tilespmem:v8+s24+$0x0], $0xffff  }
0x63: {  	v9 =	vshrl.u32 v9, $0x3  }
0x64: {  	v9 =	vshll.u32 v9, v0  }
0x65: {  	v9 =	vbroadcast v9, $0x0;
	_ =	sdelay $0x1  }
0x66: {  	v7 =	vsel vm0, v7, v8;
	v8 =	vor.u32 v4, v9  }
0x67: {  	v7 =	vshrl.u32 v7, v2  }
0x68: {  	v7 =	vand.u32 $0xFF, v7  }
0x69: {  	v7 =	vor.u32 v3, v7  }
0x6a: {  	[tilespmem:s19+$0x0] =	vst v7  }
0x6b: {  	s10 =	simm.s32 $0xC;
	v7 =	vld.idx.msk [tilespmem:v8+s23+$0x0], $0xffff  }
0x6c: {  	v9 =	vmov s10;
	v8 =	vld.idx.msk [tilespmem:v8+s24+$0x0], $0xffff  }
0x6d: {  	v9 =	vshrl.u32 v9, $0x3  }
0x6e: {  	v9 =	vshll.u32 v9, v0  }
0x6f: {  	v9 =	vbroadcast v9, $0x0;
	_ =	sdelay $0x1  }
0x70: {  	v7 =	vsel vm0, v7, v8;
	v8 =	vor.u32 v5, v9  }
0x71: {  	v7 =	vshrl.u32 v7, v2  }
0x72: {  	v7 =	vand.u32 $0xFF, v7  }
0x73: {  	v7 =	vor.u32 v3, v7  }
0x74: {  	[tilespmem:s19+$0x10] =	vst v7  }
0x75: {  	s20 =	simm.s32 $0xE;
	v7 =	vld.idx.msk [tilespmem:v8+s23+$0x0], $0xffff  }
0x76: {  	v9 =	vmov s20;
	v8 =	vld.idx.msk [tilespmem:v8+s24+$0x0], $0xffff  }
0x77: {  	v9 =	vshrl.u32 v9, $0x3  }
0x78: {  	v9 =	vshll.u32 v9, v0  }
0x79: {  	v9 =	vbroadcast v9, $0x0;
	_ =	sdelay $0x1  }
0x7a: {  	v7 =	vsel vm0, v7, v8;
	v8 =	vor.u32 v6, v9  }
0x7b: {  	v7 =	vshrl.u32 v7, v2  }
0x7c: {  	v7 =	vand.u32 $0xFF, v7  }
0x7d: {  	v7 =	vor.u32 v3, v7  }
0x7e: {  	[tilespmem:s19+$0x20] =	vst v7  }
0x7f: {  	s20 =	simm.s32 $0x10;
	v7 =	vld.idx.msk [tilespmem:v8+s23+$0x0], $0xffff  }
0x80: {  	s2 =	simm.s32 $0x8;
	s10 =	simm.s32 $0x340;
	v9 =	vmov s20;
	v8 =	vld.idx.msk [tilespmem:v8+s24+$0x0], $0xffff  }
.LBB2_3:
0x81: {  	s2 =	sadd.s32 $0x8, s2;
	v9 =	vshrl.u32 v9, $0x3;
	s19 =	sadd.s32 $0x80, s19  }
0x82: {  	p2 =	slt.u32 s2, $0x38;
	v9 =	vshll.u32 v9, v0  }
0x83: {  	v9 =	vbroadcast v9, $0x0;
	_ =	sdelay $0x1  }
0x84: {  	v7 =	vsel vm0, v7, v8;
	v10 =	vor.u32 v1, v9  }
0x85: {  	v7 =	vshrl.u32 v7, v2  }
0x86: {  	v7 =	vand.u32 $0xFF, v7  }
0x87: {  	v7 =	vor.u32 v3, v7  }
0x88: {  	[tilespmem:s10+$0x30] =	vst v7;
	s10 =	smov.u32 s19  }
0x89: {  	v7 =	vld.idx.msk [tilespmem:v10+s23+$0x0], $0xffff  }
0x8a: {  	v8 =	vld.idx.msk [tilespmem:v10+s24+$0x0], $0xffff;
	_ =	sdelay $0x5  }
0x8b: {  	v7 =	vsel vm0, v7, v8;
	v8 =	vor.u32 v4, v9  }
0x8c: {  	v7 =	vshrl.u32 v7, v2  }
0x8d: {  	v7 =	vand.u32 $0xFF, v7  }
0x8e: {  	v7 =	vor.u32 v3, v7  }
0x8f: {  	[tilespmem:s19+$0xFFFFFFC0] =	vst v7  }
0x90: {  	v7 =	vld.idx.msk [tilespmem:v8+s23+$0x0], $0xffff  }
0x91: {  	v8 =	vld.idx.msk [tilespmem:v8+s24+$0x0], $0xffff;
	_ =	sdelay $0x5  }
0x92: {  	v7 =	vsel vm0, v7, v8;
	v8 =	vor.u32 v5, v9  }
0x93: {  	v7 =	vshrl.u32 v7, v2  }
0x94: {  	v7 =	vand.u32 $0xFF, v7  }
0x95: {  	v7 =	vor.u32 v3, v7  }
0x96: {  	[tilespmem:s19+$0xFFFFFFD0] =	vst v7  }
0x97: {  	v7 =	vld.idx.msk [tilespmem:v8+s23+$0x0], $0xffff  }
0x98: {  	v8 =	vld.idx.msk [tilespmem:v8+s24+$0x0], $0xffff;
	_ =	sdelay $0x5  }
0x99: {  	v7 =	vsel vm0, v7, v8;
	v8 =	vor.u32 v6, v9  }
0x9a: {  	v7 =	vshrl.u32 v7, v2  }
0x9b: {  	v7 =	vand.u32 $0xFF, v7  }
0x9c: {  	v7 =	vor.u32 v3, v7  }
0x9d: {  	[tilespmem:s19+$0xFFFFFFE0] =	vst v7  }
0x9e: {  	v7 =	vld.idx.msk [tilespmem:v8+s23+$0x0], $0xffff  }
0x9f: {  	s3 =	sadd.s32 $0x8, s20;
	v8 =	vld.idx.msk [tilespmem:v8+s24+$0x0], $0xffff  }
0xa0: {  	v9 =	vmov s3  }
0xa1: {  	v9 =	vshrl.u32 v9, $0x3  }
0xa2: {  	v9 =	vshll.u32 v9, v0  }
0xa3: {  	v9 =	vbroadcast v9, $0x0;
	_ =	sdelay $0x1  }
0xa4: {  	v7 =	vsel vm0, v7, v8;
	v8 =	vor.u32 v1, v9  }
0xa5: {  	v7 =	vshrl.u32 v7, v2  }
0xa6: {  	v7 =	vand.u32 $0xFF, v7  }
0xa7: {  	v7 =	vor.u32 v3, v7  }
0xa8: {  	[tilespmem:s19+$0xFFFFFFF0] =	vst v7  }
0xa9: {  	v7 =	vld.idx.msk [tilespmem:v8+s23+$0x0], $0xffff  }
0xaa: {  	s3 =	sadd.s32 $0xA, s20;
	v8 =	vld.idx.msk [tilespmem:v8+s24+$0x0], $0xffff  }
0xab: {  	v9 =	vmov s3  }
0xac: {  	v9 =	vshrl.u32 v9, $0x3  }
0xad: {  	v9 =	vshll.u32 v9, v0  }
0xae: {  	v9 =	vbroadcast v9, $0x0;
	_ =	sdelay $0x1  }
0xaf: {  	v7 =	vsel vm0, v7, v8;
	v8 =	vor.u32 v4, v9  }
0xb0: {  	v7 =	vshrl.u32 v7, v2  }
0xb1: {  	v7 =	vand.u32 $0xFF, v7  }
0xb2: {  	v7 =	vor.u32 v3, v7  }
0xb3: {  	[tilespmem:s19+$0x0] =	vst v7  }
0xb4: {  	v7 =	vld.idx.msk [tilespmem:v8+s23+$0x0], $0xffff  }
0xb5: {  	s3 =	sadd.s32 $0xC, s20;
	v8 =	vld.idx.msk [tilespmem:v8+s24+$0x0], $0xffff  }
0xb6: {  	v9 =	vmov s3  }
0xb7: {  	v9 =	vshrl.u32 v9, $0x3  }
0xb8: {  	v9 =	vshll.u32 v9, v0  }
0xb9: {  	v9 =	vbroadcast v9, $0x0;
	_ =	sdelay $0x1  }
0xba: {  	v7 =	vsel vm0, v7, v8;
	v8 =	vor.u32 v5, v9  }
0xbb: {  	v7 =	vshrl.u32 v7, v2  }
0xbc: {  	v7 =	vand.u32 $0xFF, v7  }
0xbd: {  	v7 =	vor.u32 v3, v7  }
0xbe: {  	[tilespmem:s19+$0x10] =	vst v7  }
0xbf: {  	v7 =	vld.idx.msk [tilespmem:v8+s23+$0x0], $0xffff  }
0xc0: {  	s3 =	sadd.s32 $0xE, s20;
	v8 =	vld.idx.msk [tilespmem:v8+s24+$0x0], $0xffff  }
0xc1: {  	v9 =	vmov s3  }
0xc2: {  	v9 =	vshrl.u32 v9, $0x3  }
0xc3: {  	v9 =	vshll.u32 v9, v0  }
0xc4: {  	v9 =	vbroadcast v9, $0x0;
	_ =	sdelay $0x1  }
0xc5: {  	v7 =	vsel vm0, v7, v8;
	v8 =	vor.u32 v6, v9  }
0xc6: {  	v7 =	vshrl.u32 v7, v2  }
0xc7: {  	v7 =	vand.u32 $0xFF, v7  }
.Ltmp0:
0xc8: {  	v7 =	vor.u32 v3, v7;
	(pc) =	sbr.rel @p2 .LBB2_3-.Ltmp0, $4  }
0xc9: {  	[tilespmem:s19+$0x20] =	vst v7  }
0xca: {  	v7 =	vld.idx.msk [tilespmem:v8+s23+$0x0], $0xffff  }
0xcb: {  	s20 =	sadd.s32 $0x10, s20;
	v8 =	vld.idx.msk [tilespmem:v8+s24+$0x0], $0xffff  }
0xcc: {  	v9 =	vmov s20  }
0xcd: {  	v9 =	vshrl.u32 v9, $0x3  }
0xce: {  	v9 =	vshll.u32 v9, v0  }
0xcf: {  	v9 =	vbroadcast v9, $0x0;
	_ =	sdelay $0x1  }
0xd0: {  	v7 =	vsel vm0, v7, v8;
	v10 =	vor.u32 v1, v9  }
0xd1: {  	v7 =	vshrl.u32 v7, v2  }
0xd2: {  	v7 =	vand.u32 $0xFF, v7  }
0xd3: {  	v7 =	vor.u32 v3, v7  }
0xd4: {  	[tilespmem:s10+$0x30] =	vst v7  }
0xd5: {  	v7 =	vld.idx.msk [tilespmem:v10+s23+$0x0], $0xffff  }
0xd6: {  	v8 =	vld.idx.msk [tilespmem:v10+s24+$0x0], $0xffff;
	_ =	sdelay $0x4  }
0xd7: {  	v7 =	vsel vm0, v7, v8;
	v8 =	vor.u32 v4, v9  }
0xd8: {  	v7 =	vshrl.u32 v7, v2  }
0xd9: {  	v7 =	vand.u32 $0xFF, v7  }
0xda: {  	s2 =	sadd.s32 $0x80, s19;
	v7 =	vor.u32 v3, v7  }
0xdb: {  	[tilespmem:s2+$0xFFFFFFC0] =	vst v7  }
0xdc: {  	v7 =	vld.idx.msk [tilespmem:v8+s23+$0x0], $0xffff  }
0xdd: {  	v8 =	vld.idx.msk [tilespmem:v8+s24+$0x0], $0xffff;
	_ =	sdelay $0x4  }
0xde: {  	v7 =	vsel vm0, v7, v8;
	v8 =	vor.u32 v5, v9  }
0xdf: {  	v7 =	vshrl.u32 v7, v2  }
0xe0: {  	v7 =	vand.u32 $0xFF, v7  }
0xe1: {  	v7 =	vor.u32 v3, v7  }
0xe2: {  	[tilespmem:s2+$0xFFFFFFD0] =	vst v7  }
0xe3: {  	v7 =	vld.idx.msk [tilespmem:v8+s23+$0x0], $0xffff  }
0xe4: {  	v8 =	vld.idx.msk [tilespmem:v8+s24+$0x0], $0xffff;
	_ =	sdelay $0x4  }
0xe5: {  	v7 =	vsel vm0, v7, v8;
	v8 =	vor.u32 v6, v9  }
0xe6: {  	v7 =	vshrl.u32 v7, v2  }
0xe7: {  	v7 =	vand.u32 $0xFF, v7  }
0xe8: {  	v7 =	vor.u32 v3, v7  }
0xe9: {  	[tilespmem:s2+$0xFFFFFFE0] =	vst v7  }
0xea: {  	s3 =	sadd.s32 $0x8, s20;
	v7 =	vld.idx.msk [tilespmem:v8+s23+$0x0], $0xffff  }
0xeb: {  	v9 =	vmov s3;
	v8 =	vld.idx.msk [tilespmem:v8+s24+$0x0], $0xffff  }
0xec: {  	v9 =	vshrl.u32 v9, $0x3  }
0xed: {  	v9 =	vshll.u32 v9, v0  }
0xee: {  	v9 =	vbroadcast v9, $0x0;
	_ =	sdelay $0x1  }
0xef: {  	v7 =	vsel vm0, v7, v8;
	v8 =	vor.u32 v1, v9  }
0xf0: {  	v7 =	vshrl.u32 v7, v2  }
0xf1: {  	v7 =	vand.u32 $0xFF, v7  }
0xf2: {  	v7 =	vor.u32 v3, v7  }
0xf3: {  	[tilespmem:s2+$0xFFFFFFF0] =	vst v7  }
0xf4: {  	s19 =	sadd.s32 $0xA, s20;
	v7 =	vld.idx.msk [tilespmem:v8+s23+$0x0], $0xffff  }
0xf5: {  	v9 =	vmov s19;
	v8 =	vld.idx.msk [tilespmem:v8+s24+$0x0], $0xffff  }
0xf6: {  	v9 =	vshrl.u32 v9, $0x3  }
0xf7: {  	v9 =	vshll.u32 v9, v0  }
0xf8: {  	v9 =	vbroadcast v9, $0x0;
	_ =	sdelay $0x1  }
0xf9: {  	v7 =	vsel vm0, v7, v8;
	v8 =	vor.u32 v4, v9  }
0xfa: {  	v7 =	vshrl.u32 v7, v2  }
0xfb: {  	v7 =	vand.u32 $0xFF, v7  }
0xfc: {  	v7 =	vor.u32 v3, v7  }
0xfd: {  	[tilespmem:s2+$0x0] =	vst v7  }
0xfe: {  	s10 =	sadd.s32 $0xC, s20;
	v7 =	vld.idx.msk [tilespmem:v8+s23+$0x0], $0xffff  }
0xff: {  	v9 =	vmov s10;
	v8 =	vld.idx.msk [tilespmem:v8+s24+$0x0], $0xffff  }
0x100: {  	v9 =	vshrl.u32 v9, $0x3  }
0x101: {  	v9 =	vshll.u32 v9, v0  }
0x102: {  	v9 =	vbroadcast v9, $0x0;
	_ =	sdelay $0x1  }
0x103: {  	v7 =	vsel vm0, v7, v8;
	v8 =	vor.u32 v5, v9  }
0x104: {  	v7 =	vshrl.u32 v7, v2  }
0x105: {  	v7 =	vand.u32 $0xFF, v7  }
0x106: {  	v7 =	vor.u32 v3, v7  }
0x107: {  	[tilespmem:s2+$0x10] =	vst v7  }
0x108: {  	s19 =	sadd.s32 $0xE, s20;
	v7 =	vld.idx.msk [tilespmem:v8+s23+$0x0], $0xffff  }
0x109: {  	v9 =	vmov s19;
	v8 =	vld.idx.msk [tilespmem:v8+s24+$0x0], $0xffff  }
0x10a: {  	v9 =	vshrl.u32 v9, $0x3  }
0x10b: {  	v9 =	vshll.u32 v9, v0  }
0x10c: {  	v9 =	vbroadcast v9, $0x0;
	_ =	sdelay $0x1  }
0x10d: {  	v7 =	vsel vm0, v7, v8;
	v8 =	vor.u32 v6, v9  }
0x10e: {  	v7 =	vshrl.u32 v7, v2  }
0x10f: {  	v7 =	vand.u32 $0xFF, v7  }
0x110: {  	v7 =	vor.u32 v3, v7  }
0x111: {  	[tilespmem:s2+$0x20] =	vst v7  }
0x112: {  	v7 =	vld.idx.msk [tilespmem:v8+s23+$0x0], $0xffff  }
0x113: {  	v8 =	vld.idx.msk [tilespmem:v8+s24+$0x0], $0xffff;
	_ =	sdelay $0x4  }
0x114: {  	v7 =	vsel vm0, v7, v8  }
0x115: {  	v7 =	vshrl.u32 v7, v2  }
0x116: {  	v7 =	vand.u32 $0xFF, v7  }
0x117: {  	p2 =	seq.s32 s16, $0x0;
	v7 =	vor.u32 v3, v7  }
0x118: {  	[tilespmem:s2+$0x30] =	vst v7;
	s2 =	simm.s32 @!p2 $0x8  }
0x119: {  	_ =	swait.ge @!p2 [sflag:s2], $0x4000  }
0x11a: {  	[sflag:s2] =	ssyncset.done @!p2 $0x0  }
0x11b: {  	[sflag:s2] =	ssyncadd.s32 @!p2 $0xFFFFC000;
	s2 =	simm.s32 @!p2 $0x7  }
0x11c: {  	s3 =	sshll.u32 @!p2 s16, $0xC;
	_ =	swait.ge @!p2 [sflag:s2], $0x4000  }
0x11d: {  	s3 =	sadd.s32 @!p2 s17, s3;
	[sflag:s2] =	ssyncset.done @!p2 $0x0  }
0x11e: {  	[sflag:s2] =	ssyncadd.s32 @!p2 $0xFFFFC000;
	s2 =	sand.u32 @!p2 $0x1FFFF800, s3  }
0x11f: {  	s10 =	simm.s32 @!p2 $0x4B00;
	s3 =	simm.s32 @!p2 $0x0;
	s2 =	sadd.s32 @!p2 s4, s2  }
0x120: {  	[hbm4b:s2+s3] =	stream.linear.scatter @!p2 [tilespmem:s10], [sflag:$0x9], $0x4000, $0x38;
	[tilespmem:$0xC3D8] =	vst v63  }
0x121: {  	s20 =	simm.s32 $0x300  }
0x122: {  	[tilespmem:s28], [sflag:$0x6] =	stream.indirect.gather [spmem:s5], $0x10, s20, s21, $0xb8;
	[tilespmem:$0xC3D8] =	vst v63  }
0x123: {  	s3 =	simm.s32 $0x380;
	s10 =	simm.s32 $0x1300  }
0x124: {  	[tilespmem:s10], [sflag:$0x6] =	stream.indirect.gather [spmem:s5], $0x10, s3, s21, $0xb8;
	[tilespmem:$0xC3D8] =	vst v63  }
0x125: {  	s19 =	simm.s32 $0x400;
	s20 =	simm.s32 $0x1B00  }
0x126: {  	[tilespmem:s20], [sflag:$0x6] =	stream.indirect.gather [spmem:s5], $0x10, s19, s21, $0xb8;
	[tilespmem:$0xC3D8] =	vst v63  }
0x127: {  	s3 =	simm.s32 $0x480;
	s10 =	simm.s32 $0x2300  }
0x128: {  	[tilespmem:s10], [sflag:$0x6] =	stream.indirect.gather [spmem:s5], $0x10, s3, s21, $0xb8;
	[tilespmem:$0xC3D8] =	vst v63  }
0x129: {  	s19 =	simm.s32 $0x500;
	s20 =	simm.s32 $0x2B00  }
0x12a: {  	[tilespmem:s20], [sflag:$0x6] =	stream.indirect.gather [spmem:s5], $0x10, s19, s21, $0xb8;
	[tilespmem:$0xC3D8] =	vst v63  }
0x12b: {  	s3 =	simm.s32 $0x580;
	s10 =	simm.s32 $0x3300  }
0x12c: {  	[tilespmem:s10], [sflag:$0x6] =	stream.indirect.gather [spmem:s5], $0x10, s3, s21, $0xb8;
	[tilespmem:$0xC3D8] =	vst v63  }
0x12d: {  	s19 =	simm.s32 $0x600;
	s20 =	simm.s32 $0x3B00  }
0x12e: {  	[tilespmem:s20], [sflag:$0x6] =	stream.indirect.gather [spmem:s5], $0x10, s19, s21, $0xb8;
	[tilespmem:$0xC3D8] =	vst v63  }
0x12f: {  	s10 =	simm.s32 $0x680;
	s19 =	simm.s32 $0x4300  }
0x130: {  	[tilespmem:s19], [sflag:$0x6] =	stream.indirect.gather [spmem:s5], $0x10, s10, s21, $0xb8;
	[tilespmem:$0xC3D8] =	vst v63  }
0x131: {  	_ =	swait.ge [sflag:s22], $0x80  }
0x132: {  	[sflag:s22] =	ssyncset.done $0x0  }
0x133: {  	s20 =	simm.s32 $0x0;
	[sflag:s22] =	ssyncadd.s32 $0xFFFFFF80  }
0x134: {  	v7 =	vmov s20;
	[tilespmem:s26], [sflag:$0x5] =	stream.indirect.gather [spmem:s6], $0x1, s21, s21, $0xb8;
	[tilespmem:$0xC3D8] =	vst v63  }
0x135: {  	v7 =	vshrl.u32 v7, $0x3  }
0x136: {  	v7 =	vshll.u32 v7, v0;
	[tilespmem:s29], [sflag:$0x5] =	stream.indirect.gather [spmem:s11], $0x1, s21, s21, $0xb8;
	[tilespmem:$0xC3D8] =	vst v63  }
0x137: {  	v7 =	vbroadcast v7, $0x0;
	_ =	swait.ge [sflag:s30], $0x80  }
0x138: {  	s2 =	sadd.s32 @!p1 s18, s14;
	[sflag:s30] =	ssyncset.done $0x0  }
0x139: {  	s2 =	sshll.u32 @!p1 s2, $0x4;
	v8 =	vor.u32 v1, v7;
	[sflag:s30] =	ssyncadd.s32 $0xFFFFFF80  }
0x13a: {  	s2 =	sand.u32 @!p1 $0x1FFFFFF0, s2;
	_ =	swait.ge [sflag:s30], $0x80  }
0x13b: {  	s2 =	sadd.s32 @!p1 s0, s2;
	[sflag:s30] =	ssyncset.done $0x0  }
0x13c: {  	s3 =	simm.s32 @!p1 $0x0;
	s10 =	simm.s32 @!p1 $0x80;
	[sflag:s30] =	ssyncadd.s32 $0xFFFFFF80  }
0x13d: {  	[tilespmem:s10], [sflag:$0x3] =	stream.linear.gather @!p1 [hbm4b:s2+s3], $0x80, $0x38;
	[tilespmem:$0xC3D8] =	vst v63  }
0x13e: {  	v9 =	vld.idx.msk [tilespmem:v8+s26+$0x0], $0xffff  }
0x13f: {  	v8 =	vld.idx.msk [tilespmem:v8+s29+$0x0], $0xffff;
	_ =	sdelay $0x4  }
0x140: {  	v8 =	vsel vm0, v9, v8;
	v9 =	vor.u32 v4, v7  }
0x141: {  	v8 =	vshrl.u32 v8, v2  }
0x142: {  	v8 =	vand.u32 $0xFF, v8  }
0x143: {  	s18 =	simm.s32 $0x770;
	v8 =	vor.u32 v3, v8  }
0x144: {  	[tilespmem:s18+$0xFFFFFF90] =	vst v8  }
0x145: {  	v8 =	vld.idx.msk [tilespmem:v9+s26+$0x0], $0xffff  }
0x146: {  	v9 =	vld.idx.msk [tilespmem:v9+s29+$0x0], $0xffff;
	_ =	sdelay $0x4  }
0x147: {  	v8 =	vsel vm0, v8, v9;
	v9 =	vor.u32 v5, v7  }
0x148: {  	v8 =	vshrl.u32 v8, v2  }
0x149: {  	v8 =	vand.u32 $0xFF, v8  }
0x14a: {  	v8 =	vor.u32 v3, v8  }
0x14b: {  	[tilespmem:s18+$0xFFFFFFA0] =	vst v8  }
0x14c: {  	v8 =	vld.idx.msk [tilespmem:v9+s26+$0x0], $0xffff  }
0x14d: {  	v9 =	vld.idx.msk [tilespmem:v9+s29+$0x0], $0xffff;
	_ =	sdelay $0x4  }
0x14e: {  	v7 =	vor.u32 v6, v7;
	v8 =	vsel vm0, v8, v9  }
0x14f: {  	v8 =	vshrl.u32 v8, v2  }
0x150: {  	v8 =	vand.u32 $0xFF, v8  }
0x151: {  	v8 =	vor.u32 v3, v8  }
0x152: {  	[tilespmem:s18+$0xFFFFFFB0] =	vst v8  }
0x153: {  	s3 =	simm.s32 $0x8;
	v8 =	vld.idx.msk [tilespmem:v7+s26+$0x0], $0xffff  }
0x154: {  	v9 =	vmov s3;
	v7 =	vld.idx.msk [tilespmem:v7+s29+$0x0], $0xffff  }
0x155: {  	v9 =	vshrl.u32 v9, $0x3  }
0x156: {  	v9 =	vshll.u32 v9, v0  }
0x157: {  	v9 =	vbroadcast v9, $0x0;
	_ =	sdelay $0x1  }
0x158: {  	v7 =	vsel vm0, v8, v7;
	v8 =	vor.u32 v1, v9  }
0x159: {  	v7 =	vshrl.u32 v7, v2  }
0x15a: {  	v7 =	vand.u32 $0xFF, v7  }
0x15b: {  	v7 =	vor.u32 v3, v7  }
0x15c: {  	[tilespmem:s18+$0xFFFFFFC0] =	vst v7  }
0x15d: {  	s10 =	simm.s32 $0xA;
	v7 =	vld.idx.msk [tilespmem:v8+s26+$0x0], $0xffff  }
0x15e: {  	v9 =	vmov s10;
	v8 =	vld.idx.msk [tilespmem:v8+s29+$0x0], $0xffff  }
0x15f: {  	v9 =	vshrl.u32 v9, $0x3  }
0x160: {  	v9 =	vshll.u32 v9, v0  }
0x161: {  	v9 =	vbroadcast v9, $0x0;
	_ =	sdelay $0x1  }
0x162: {  	v7 =	vsel vm0, v7, v8;
	v8 =	vor.u32 v4, v9  }
0x163: {  	v7 =	vshrl.u32 v7, v2  }
0x164: {  	v7 =	vand.u32 $0xFF, v7  }
0x165: {  	v7 =	vor.u32 v3, v7  }
0x166: {  	[tilespmem:s18+$0xFFFFFFD0] =	vst v7  }
0x167: {  	s19 =	simm.s32 $0xC;
	v7 =	vld.idx.msk [tilespmem:v8+s26+$0x0], $0xffff  }
0x168: {  	v9 =	vmov s19;
	v8 =	vld.idx.msk [tilespmem:v8+s29+$0x0], $0xffff  }
0x169: {  	v9 =	vshrl.u32 v9, $0x3  }
0x16a: {  	v9 =	vshll.u32 v9, v0  }
0x16b: {  	v9 =	vbroadcast v9, $0x0;
	_ =	sdelay $0x1  }
0x16c: {  	v7 =	vsel vm0, v7, v8;
	v8 =	vor.u32 v5, v9  }
0x16d: {  	v7 =	vshrl.u32 v7, v2  }
0x16e: {  	v7 =	vand.u32 $0xFF, v7  }
0x16f: {  	v7 =	vor.u32 v3, v7  }
0x170: {  	[tilespmem:s18+$0xFFFFFFE0] =	vst v7  }
0x171: {  	s20 =	simm.s32 $0xE;
	v7 =	vld.idx.msk [tilespmem:v8+s26+$0x0], $0xffff  }
0x172: {  	v9 =	vmov s20;
	v8 =	vld.idx.msk [tilespmem:v8+s29+$0x0], $0xffff  }
0x173: {  	v9 =	vshrl.u32 v9, $0x3  }
0x174: {  	v9 =	vshll.u32 v9, v0  }
0x175: {  	v9 =	vbroadcast v9, $0x0;
	_ =	sdelay $0x1  }
0x176: {  	v7 =	vsel vm0, v7, v8;
	v8 =	vor.u32 v6, v9  }
0x177: {  	v7 =	vshrl.u32 v7, v2  }
0x178: {  	v7 =	vand.u32 $0xFF, v7  }
0x179: {  	v7 =	vor.u32 v3, v7  }
0x17a: {  	[tilespmem:s18+$0xFFFFFFF0] =	vst v7  }
0x17b: {  	s19 =	simm.s32 $0x10;
	v7 =	vld.idx.msk [tilespmem:v8+s26+$0x0], $0xffff  }
0x17c: {  	s2 =	simm.s32 $0x8;
	s10 =	simm.s32 $0x770;
	v9 =	vmov s19;
	v8 =	vld.idx.msk [tilespmem:v8+s29+$0x0], $0xffff  }
.LBB2_5:
0x17d: {  	s2 =	sadd.s32 $0x8, s2;
	v9 =	vshrl.u32 v9, $0x3;
	s18 =	sadd.s32 $0x80, s18  }
0x17e: {  	p1 =	slt.u32 s2, $0x38;
	v9 =	vshll.u32 v9, v0  }
0x17f: {  	v9 =	vbroadcast v9, $0x0;
	_ =	sdelay $0x1  }
0x180: {  	v7 =	vsel vm0, v7, v8;
	v10 =	vor.u32 v1, v9  }
0x181: {  	v7 =	vshrl.u32 v7, v2  }
0x182: {  	v7 =	vand.u32 $0xFF, v7  }
0x183: {  	v7 =	vor.u32 v3, v7  }
0x184: {  	[tilespmem:s10+$0x0] =	vst v7;
	s10 =	smov.u32 s18  }
0x185: {  	v7 =	vld.idx.msk [tilespmem:v10+s26+$0x0], $0xffff  }
0x186: {  	v8 =	vld.idx.msk [tilespmem:v10+s29+$0x0], $0xffff;
	_ =	sdelay $0x5  }
0x187: {  	v7 =	vsel vm0, v7, v8;
	v8 =	vor.u32 v4, v9  }
0x188: {  	v7 =	vshrl.u32 v7, v2  }
0x189: {  	v7 =	vand.u32 $0xFF, v7  }
0x18a: {  	v7 =	vor.u32 v3, v7  }
0x18b: {  	[tilespmem:s18+$0xFFFFFF90] =	vst v7  }
0x18c: {  	v7 =	vld.idx.msk [tilespmem:v8+s26+$0x0], $0xffff  }
0x18d: {  	v8 =	vld.idx.msk [tilespmem:v8+s29+$0x0], $0xffff;
	_ =	sdelay $0x5  }
0x18e: {  	v7 =	vsel vm0, v7, v8;
	v8 =	vor.u32 v5, v9  }
0x18f: {  	v7 =	vshrl.u32 v7, v2  }
0x190: {  	v7 =	vand.u32 $0xFF, v7  }
0x191: {  	v7 =	vor.u32 v3, v7  }
0x192: {  	[tilespmem:s18+$0xFFFFFFA0] =	vst v7  }
0x193: {  	v7 =	vld.idx.msk [tilespmem:v8+s26+$0x0], $0xffff  }
0x194: {  	v8 =	vld.idx.msk [tilespmem:v8+s29+$0x0], $0xffff;
	_ =	sdelay $0x5  }
0x195: {  	v7 =	vsel vm0, v7, v8;
	v8 =	vor.u32 v6, v9  }
0x196: {  	v7 =	vshrl.u32 v7, v2  }
0x197: {  	v7 =	vand.u32 $0xFF, v7  }
0x198: {  	v7 =	vor.u32 v3, v7  }
0x199: {  	[tilespmem:s18+$0xFFFFFFB0] =	vst v7  }
0x19a: {  	v7 =	vld.idx.msk [tilespmem:v8+s26+$0x0], $0xffff  }
0x19b: {  	s3 =	sadd.s32 $0x8, s19;
	v8 =	vld.idx.msk [tilespmem:v8+s29+$0x0], $0xffff  }
0x19c: {  	v9 =	vmov s3  }
0x19d: {  	v9 =	vshrl.u32 v9, $0x3  }
0x19e: {  	v9 =	vshll.u32 v9, v0  }
0x19f: {  	v9 =	vbroadcast v9, $0x0;
	_ =	sdelay $0x1  }
0x1a0: {  	v7 =	vsel vm0, v7, v8;
	v8 =	vor.u32 v1, v9  }
0x1a1: {  	v7 =	vshrl.u32 v7, v2  }
0x1a2: {  	v7 =	vand.u32 $0xFF, v7  }
0x1a3: {  	v7 =	vor.u32 v3, v7  }
0x1a4: {  	[tilespmem:s18+$0xFFFFFFC0] =	vst v7  }
0x1a5: {  	v7 =	vld.idx.msk [tilespmem:v8+s26+$0x0], $0xffff  }
0x1a6: {  	s3 =	sadd.s32 $0xA, s19;
	v8 =	vld.idx.msk [tilespmem:v8+s29+$0x0], $0xffff  }
0x1a7: {  	v9 =	vmov s3  }
0x1a8: {  	v9 =	vshrl.u32 v9, $0x3  }
0x1a9: {  	v9 =	vshll.u32 v9, v0  }
0x1aa: {  	v9 =	vbroadcast v9, $0x0;
	_ =	sdelay $0x1  }
0x1ab: {  	v7 =	vsel vm0, v7, v8;
	v8 =	vor.u32 v4, v9  }
0x1ac: {  	v7 =	vshrl.u32 v7, v2  }
0x1ad: {  	v7 =	vand.u32 $0xFF, v7  }
0x1ae: {  	v7 =	vor.u32 v3, v7  }
0x1af: {  	[tilespmem:s18+$0xFFFFFFD0] =	vst v7  }
0x1b0: {  	v7 =	vld.idx.msk [tilespmem:v8+s26+$0x0], $0xffff  }
0x1b1: {  	s3 =	sadd.s32 $0xC, s19;
	v8 =	vld.idx.msk [tilespmem:v8+s29+$0x0], $0xffff  }
0x1b2: {  	v9 =	vmov s3  }
0x1b3: {  	v9 =	vshrl.u32 v9, $0x3  }
0x1b4: {  	v9 =	vshll.u32 v9, v0  }
0x1b5: {  	v9 =	vbroadcast v9, $0x0;
	_ =	sdelay $0x1  }
0x1b6: {  	v7 =	vsel vm0, v7, v8;
	v8 =	vor.u32 v5, v9  }
0x1b7: {  	v7 =	vshrl.u32 v7, v2  }
0x1b8: {  	v7 =	vand.u32 $0xFF, v7  }
0x1b9: {  	v7 =	vor.u32 v3, v7  }
0x1ba: {  	[tilespmem:s18+$0xFFFFFFE0] =	vst v7  }
0x1bb: {  	v7 =	vld.idx.msk [tilespmem:v8+s26+$0x0], $0xffff  }
0x1bc: {  	s3 =	sadd.s32 $0xE, s19;
	v8 =	vld.idx.msk [tilespmem:v8+s29+$0x0], $0xffff  }
0x1bd: {  	v9 =	vmov s3  }
0x1be: {  	v9 =	vshrl.u32 v9, $0x3  }
0x1bf: {  	v9 =	vshll.u32 v9, v0  }
0x1c0: {  	v9 =	vbroadcast v9, $0x0;
	_ =	sdelay $0x1  }
0x1c1: {  	v7 =	vsel vm0, v7, v8;
	v8 =	vor.u32 v6, v9  }
0x1c2: {  	v7 =	vshrl.u32 v7, v2  }
0x1c3: {  	v7 =	vand.u32 $0xFF, v7  }
.Ltmp1:
0x1c4: {  	v7 =	vor.u32 v3, v7;
	(pc) =	sbr.rel @p1 .LBB2_5-.Ltmp1, $4  }
0x1c5: {  	[tilespmem:s18+$0xFFFFFFF0] =	vst v7  }
0x1c6: {  	v7 =	vld.idx.msk [tilespmem:v8+s26+$0x0], $0xffff  }
0x1c7: {  	s19 =	sadd.s32 $0x10, s19;
	v8 =	vld.idx.msk [tilespmem:v8+s29+$0x0], $0xffff  }
0x1c8: {  	v9 =	vmov s19  }
0x1c9: {  	v9 =	vshrl.u32 v9, $0x3  }
0x1ca: {  	v9 =	vshll.u32 v9, v0  }
0x1cb: {  	v9 =	vbroadcast v9, $0x0;
	_ =	sdelay $0x1  }
0x1cc: {  	v7 =	vsel vm0, v7, v8;
	v10 =	vor.u32 v1, v9  }
0x1cd: {  	v7 =	vshrl.u32 v7, v2  }
0x1ce: {  	v7 =	vand.u32 $0xFF, v7  }
0x1cf: {  	v7 =	vor.u32 v3, v7  }
0x1d0: {  	[tilespmem:s10+$0x0] =	vst v7  }
0x1d1: {  	v7 =	vld.idx.msk [tilespmem:v10+s26+$0x0], $0xffff  }
0x1d2: {  	v8 =	vld.idx.msk [tilespmem:v10+s29+$0x0], $0xffff;
	_ =	sdelay $0x4  }
0x1d3: {  	v7 =	vsel vm0, v7, v8;
	v8 =	vor.u32 v4, v9  }
0x1d4: {  	v7 =	vshrl.u32 v7, v2  }
0x1d5: {  	v7 =	vand.u32 $0xFF, v7  }
0x1d6: {  	s2 =	sadd.s32 $0x80, s18;
	v7 =	vor.u32 v3, v7  }
0x1d7: {  	[tilespmem:s2+$0xFFFFFF90] =	vst v7  }
0x1d8: {  	v7 =	vld.idx.msk [tilespmem:v8+s26+$0x0], $0xffff  }
0x1d9: {  	v8 =	vld.idx.msk [tilespmem:v8+s29+$0x0], $0xffff;
	_ =	sdelay $0x4  }
0x1da: {  	v7 =	vsel vm0, v7, v8;
	v8 =	vor.u32 v5, v9  }
0x1db: {  	v7 =	vshrl.u32 v7, v2  }
0x1dc: {  	v7 =	vand.u32 $0xFF, v7  }
0x1dd: {  	v7 =	vor.u32 v3, v7  }
0x1de: {  	[tilespmem:s2+$0xFFFFFFA0] =	vst v7  }
0x1df: {  	v7 =	vld.idx.msk [tilespmem:v8+s26+$0x0], $0xffff  }
0x1e0: {  	v8 =	vld.idx.msk [tilespmem:v8+s29+$0x0], $0xffff;
	_ =	sdelay $0x4  }
0x1e1: {  	v7 =	vsel vm0, v7, v8;
	v8 =	vor.u32 v6, v9  }
0x1e2: {  	v7 =	vshrl.u32 v7, v2  }
0x1e3: {  	v7 =	vand.u32 $0xFF, v7  }
0x1e4: {  	v7 =	vor.u32 v3, v7  }
0x1e5: {  	[tilespmem:s2+$0xFFFFFFB0] =	vst v7  }
0x1e6: {  	s3 =	sadd.s32 $0x8, s19;
	v7 =	vld.idx.msk [tilespmem:v8+s26+$0x0], $0xffff  }
0x1e7: {  	v60 =	vmov s3;
	v8 =	vld.idx.msk [tilespmem:v8+s29+$0x0], $0xffff  }
0x1e8: {  	v9 =	vshrl.u32 v60, $0x3  }
0x1e9: {  	v9 =	vshll.u32 v9, v0  }
0x1ea: {  	v9 =	vbroadcast v9, $0x0;
	_ =	sdelay $0x1  }
0x1eb: {  	v7 =	vsel vm0, v7, v8;
	v8 =	vor.u32 v1, v9  }
0x1ec: {  	v7 =	vshrl.u32 v7, v2  }
0x1ed: {  	v7 =	vand.u32 $0xFF, v7  }
0x1ee: {  	v7 =	vor.u32 v3, v7  }
0x1ef: {  	[tilespmem:s2+$0xFFFFFFC0] =	vst v7  }
0x1f0: {  	s10 =	sadd.s32 $0xA, s19;
	v7 =	vld.idx.msk [tilespmem:v8+s26+$0x0], $0xffff  }
0x1f1: {  	v61 =	vmov s10;
	v8 =	vld.idx.msk [tilespmem:v8+s29+$0x0], $0xffff  }
0x1f2: {  	v9 =	vshrl.u32 v61, $0x3  }
0x1f3: {  	v9 =	vshll.u32 v9, v0  }
0x1f4: {  	v9 =	vbroadcast v9, $0x0;
	_ =	sdelay $0x1  }
0x1f5: {  	v7 =	vsel vm0, v7, v8;
	v8 =	vor.u32 v4, v9  }
0x1f6: {  	v7 =	vshrl.u32 v7, v2  }
0x1f7: {  	v7 =	vand.u32 $0xFF, v7  }
0x1f8: {  	v7 =	vor.u32 v3, v7  }
0x1f9: {  	[tilespmem:s2+$0xFFFFFFD0] =	vst v7  }
0x1fa: {  	s18 =	sadd.s32 $0xC, s19;
	v7 =	vld.idx.msk [tilespmem:v8+s26+$0x0], $0xffff  }
0x1fb: {  	v62 =	vmov s18;
	v8 =	vld.idx.msk [tilespmem:v8+s29+$0x0], $0xffff  }
0x1fc: {  	v9 =	vshrl.u32 v62, $0x3  }
0x1fd: {  	v9 =	vshll.u32 v9, v0  }
0x1fe: {  	v9 =	vbroadcast v9, $0x0;
	_ =	sdelay $0x1  }
0x1ff: {  	v7 =	vsel vm0, v7, v8;
	v8 =	vor.u32 v5, v9  }
0x200: {  	v7 =	vshrl.u32 v7, v2  }
0x201: {  	v7 =	vand.u32 $0xFF, v7  }
0x202: {  	v7 =	vor.u32 v3, v7  }
0x203: {  	[tilespmem:s2+$0xFFFFFFE0] =	vst v7  }
0x204: {  	s20 =	sadd.s32 $0xE, s19;
	v7 =	vld.idx.msk [tilespmem:v8+s26+$0x0], $0xffff  }
0x205: {  	v63 =	vmov s20;
	v8 =	vld.idx.msk [tilespmem:v8+s29+$0x0], $0xffff  }
0x206: {  	v9 =	vshrl.u32 v63, $0x3  }
0x207: {  	v9 =	vshll.u32 v9, v0  }
0x208: {  	v9 =	vbroadcast v9, $0x0;
	_ =	sdelay $0x1  }
0x209: {  	v7 =	vsel vm0, v7, v8;
	v8 =	vor.u32 v6, v9  }
0x20a: {  	v7 =	vshrl.u32 v7, v2  }
0x20b: {  	v7 =	vand.u32 $0xFF, v7  }
0x20c: {  	v7 =	vor.u32 v3, v7  }
0x20d: {  	[tilespmem:s2+$0xFFFFFFF0] =	vst v7  }
0x20e: {  	v7 =	vld.idx.msk [tilespmem:v8+s26+$0x0], $0xffff  }
0x20f: {  	v8 =	vld.idx.msk [tilespmem:v8+s29+$0x0], $0xffff;
	_ =	sdelay $0x4  }
0x210: {  	v7 =	vsel vm0, v7, v8  }
0x211: {  	v7 =	vshrl.u32 v7, v2  }
0x212: {  	v7 =	vand.u32 $0xFF, v7  }
0x213: {  	v7 =	vor.u32 v3, v7  }
0x214: {  	[tilespmem:s2+$0x0] =	vst v7;
	s2 =	simm.s32 @!p2 $0x9  }
0x215: {  	_ =	swait.ge @!p2 [sflag:s2], $0x4000  }
0x216: {  	[sflag:s2] =	ssyncset.done @!p2 $0x0  }
0x217: {  	s10 =	sshll.u32 s16, $0xF;
	[sflag:s2] =	ssyncadd.s32 @!p2 $0xFFFFC000  }
0x218: {  	s2 =	sadd.s32 s9, s10;
	_ =	swait.ge [sflag:s31], $0x4000  }
0x219: {  	s2 =	sshrl.u32 s2, $0x3;
	[sflag:s31] =	ssyncset.done $0x0  }
0x21a: {  	s2 =	sadd.s32 s4, s2;
	[sflag:s31] =	ssyncadd.s32 $0xFFFFC000  }
0x21b: {  	[hbm4b:s2+s7] =	stream.linear.scatter [tilespmem:s28], [sflag:$0x8], $0x4000, $0x38;
	[tilespmem:$0xC3D8] =	vst v63  }
0x21c: {  	s18 =	simm.s32 $0x700  }
0x21d: {  	[tilespmem:s1], [sflag:$0x7] =	stream.indirect.gather [spmem:s5], $0x10, s18, s21, $0xb8;
	[tilespmem:$0xC3D8] =	vst v63  }
0x21e: {  	s20 =	simm.s32 $0x5300;
	s19 =	simm.s32 $0x780  }
0x21f: {  	[tilespmem:s20], [sflag:$0x7] =	stream.indirect.gather [spmem:s5], $0x10, s19, s21, $0xb8;
	[tilespmem:$0xC3D8] =	vst v63  }
0x220: {  	s10 =	simm.s32 $0x800;
	s18 =	simm.s32 $0x5B00  }
0x221: {  	[tilespmem:s18], [sflag:$0x7] =	stream.indirect.gather [spmem:s5], $0x10, s10, s21, $0xb8;
	[tilespmem:$0xC3D8] =	vst v63  }
0x222: {  	s19 =	simm.s32 $0x880;
	s20 =	simm.s32 $0x6300  }
0x223: {  	[tilespmem:s20], [sflag:$0x7] =	stream.indirect.gather [spmem:s5], $0x10, s19, s21, $0xb8;
	[tilespmem:$0xC3D8] =	vst v63  }
0x224: {  	s3 =	simm.s32 $0x900;
	s10 =	simm.s32 $0x6B00  }
0x225: {  	[tilespmem:s10], [sflag:$0x7] =	stream.indirect.gather [spmem:s5], $0x10, s3, s21, $0xb8;
	[tilespmem:$0xC3D8] =	vst v63  }
0x226: {  	s18 =	simm.s32 $0x980;
	s19 =	simm.s32 $0x7300  }
0x227: {  	[tilespmem:s19], [sflag:$0x7] =	stream.indirect.gather [spmem:s5], $0x10, s18, s21, $0xb8;
	[tilespmem:$0xC3D8] =	vst v63  }
0x228: {  	p1 =	sgt.u32 s16, $0x17;
	s20 =	simm.s32 $0xA00  }
0x229: {  	[tilespmem:s8], [sflag:$0x7] =	stream.indirect.gather [spmem:s5], $0x10, s20, s21, $0xb8;
	[tilespmem:$0xC3D8] =	vst v63  }
0x22a: {  	s2 =	simm.s32 @!p1 $0x2  }
0x22b: {  	[tilespmem:s15], [sflag:$0x7] =	stream.indirect.gather [spmem:s5], $0x10, s12, s21, $0xb8;
	[tilespmem:$0xC3D8] =	vst v63  }
0x22c: {  	_ =	swait.ge @!p1 [sflag:s2], $0x80  }
0x22d: {  	s3 =	simm.s32 @!p1 $0x0;
	[sflag:s2] =	ssyncset.done @!p1 $0x0  }
0x22e: {  	s10 =	simm.s32 @!p1 $0x100;
	[sflag:s2] =	ssyncadd.s32 @!p1 $0xFFFFFF80;
	s2 =	simm.s32 @!p1 $0x80  }
0x22f: {  	[tilespmem:s10], [sflag:$0x4] =	stream.indirect.gather @!p1 [spmem:s6], $0x1, s3, s2, $0xb8;
	[tilespmem:$0xC3D8] =	vst v63  }
0x230: {  	s16 =	sadd.s32 $0x1, s16;
	s10 =	simm.s32 @!p1 $0x200  }
0x231: {  	[tilespmem:s10], [sflag:$0x4] =	stream.indirect.gather @!p1 [spmem:s11], $0x1, s3, s2, $0xb8;
	[tilespmem:$0xC3D8] =	vst v63  }
0x232: {  	p1 =	sne.s32 s16, $0x19  }
.Ltmp2:
0x233: {  	_ = 	snop;
	(pc) =	sbr.rel @p1 .LBB2_2-.Ltmp2, $1  }
0x234: {  	_ =	sdelay $0x3  }
0x235: {  	s2 =	simm.s32 $0x7  }
0x236: {  	_ =	swait.ge [sflag:s2], $0x4000  }
0x237: {  	[sflag:s2] =	ssyncset.done $0x0  }
0x238: {  	s19 =	simm.s32 $0x8;
	s18 =	rddreg [dreg:$0xb];
	[sflag:s2] =	ssyncadd.s32 $0xFFFFC000  }
0x239: {  	[hbm4b:s18+s7] =	stream.linear.scatter [tilespmem:s1], [sflag:$0x9], $0x4000, $0x38;
	[tilespmem:$0xC3D8] =	vst v63  }
0x23a: {  	_ =	swait.ge [sflag:s19], $0x4000  }
0x23b: {  	[sflag:s19] =	ssyncset.done $0x0  }
0x23c: {  	s3 =	simm.s32 $0x9;
	[sflag:s19] =	ssyncadd.s32 $0xFFFFC000  }
0x23d: {  	_ =	swait.ge [sflag:s3], $0x4000  }
0x23e: {  	s10 =	rddreg [dreg:$0x10]  }
0x23f: {  	s20 =	rddreg [dreg:$0xc];
	s10 =	sadd.s32 $0x1, s10  }
0x240: {  	p1 =	sne.s32 s10, s20  }
.Ltmp3:
0x241: {  	_ = 	snop;
	(pc) =	sbr.rel @p1 .LBB2_1-.Ltmp3, $3  }
0x242: {  	_ =	sdelay $0x1  }
0x243: {  	[sflag:s3] =	ssyncset.done $0x0  }
0x244: {  	[sflag:s3] =	ssyncadd.s32 $0xFFFFC000  }
0x245: {  	_ =	sfence.sel $0x180000  }
0x246: {  	[bflag:$0x0] =	sbarrier.arrive $0xFFFF  }
0x247: {  	_ =	strace $0x90000047  }
0x248: {  	[bflag:$0x2] =	sbarrier.arrive $0xFFFF  }
0x249: {  	s0 =	rddreg [dreg:$0x7]  }
0x24a: {  	s0 =	sadd.s32 @!p0 $0x100000, s0  }
0x24b: {  	[sflag:s0] =	ssyncadd.tile.s32 @!p0 $0x1;
	_ =	shalt  }
.Lfunc_end2:
_tile_overlayer_lowered:
.L_overlay_start_2:
0x24c: {  	(tag) =	ssettag $0x2  }
0x24d: {  	s0 =	rddreg [dreg:$0x0];
	s2 =	stileid.u32  }
0x24e: {  	s1 =	rddreg [dreg:$0x1];
	p0 =	sne.s32 s2, $0x0  }
0x24f: {  	s3 =	rddreg [dreg:$0x2];
	[bflag:$0x3] =	sbarrier.arrive $0xFFFF;
	s2 =	simm.s32 @!p0 $0x1C0A  }
0x250: {  	[timem:s3], [sflag:s2] =	dma.local @!p0 [hbm:s0], s1  }
0x251: {  	s0 =	simm.s32 @!p0 $0xA  }
0x252: {  	_ =	swait.ge @!p0 [sflag:s0], s1  }
0x253: {  	s1 =	ssub.s32 @!p0 $0x0, s1;
	[sflag:s0] =	ssyncset.done @!p0 $0x0  }
0x254: {  	[sflag:s0] =	ssyncadd.s32 @!p0 s1  }
0x255: {  	[bflag:$0x3] =	sbarrier.arrive $0xFFFF  }
0x256: {  	_ =	shalt  }

// kernel: sparse-core-data-format-call.cloned.1.call-start
scs
called_computation_lowered:
.L_overlay_start_0:
0x0: {  	s2 =	sld [smem:$0x3FD9]  }
0x1: {  	s3 =	sld [smem:$0x3FFE];
	_ =	sdelay $0x1  }
0x2: {  	s1 =	srdreg.scid  }
0x3: {  	s0 =	sand.u32 $0x1, s1  }
0x4: {  	s18 =	sshll.u32 s0, $0xA;
	s2 =	sadd.s32 s3, s2  }
0x5: {  	s2 =	sadd.s32 s2, s18  }
0x6: {  	[smem:$0x3FC4] =	sst s2  }
0x7: {  	_ = 	snop  }
0x8: {  	s2 =	sld [smem:$0x3FD0];
	(tm) =	ssettm $0x1  }
0x9: {  	s19 =	sld [smem:$0x3FFB];
	_ =	sdelay $0x3  }
0xa: {  	_ =	strace s19  }
0xb: {  	s3 =	sld [smem:$0x3FFC];
	_ =	sdelay $0x3  }
0xc: {  	_ =	strace s3  }
0xd: {  	s3 =	sld [smem:$0x3FFD];
	_ =	sdelay $0x3  }
0xe: {  	_ =	strace s3  }
0xf: {  	_ =	strace $0x8FFFFFFF  }
0x10: {  	s20 =	sld [smem:$0x3FDB];
	_ =	sdelay $0x1  }
0x11: {  	s4 =	simm.s32 $_scs_section_size  }
0x12: {  	s5 =	simm.s32 $_size__tile_overlayer_lowered;
	s6 =	simm.s32 $_tile_overlayer_lowered  }
0x13: {  	s23 =	simm.s32 $0x1BFF;
	s22 =	sshll.u32 s6, $0x1;
	s3 =	sadd.s32 s4, s20  }
0x14: {  	s7 =	simm.s32 $0x0;
	s21 =	sshll.u32 s5, $0x1;
	s5 =	sadd.s32 s22, s3  }
0x15: {  	[timem:s7], [sflag:s23] =	dma.local [hbm:s5], s21  }
0x16: {  	_ =	swait.ge [sflag:s23], s21  }
0x17: {  	s4 =	ssub.s32 $0x0, s21;
	[sflag:s23] =	ssyncset.done $0x0  }
0x18: {  	[sflag:s23] =	ssyncadd.s32 s4;
	_ =	sdelay $0x1  }
0x19: {  	s24 =	simm.s32 $0x1B8B  }
0x1a: {  	_ =	swait.ge [sflag:s24], $0x1  }
0x1b: {  	[sflag:s24] =	ssyncset.done $0x0  }
0x1c: {  	s26 =	simm.s32 $0x1B8E;
	s25 =	sld [smem:$0x3FFE];
	[sflag:s24] =	ssyncadd.s32 $0xFFFFFFFF  }
0x1d: {  	s27 =	simm.s32 $execute0_lowered;
	[smem:$0x3FD2] =	sst s26  }
0x1e: {  	s5 =	sshll.u32 s27, $0x1;
	_ =	strace $0x80000049;
	[dreg:$0x1] =	wrdreg $0xFFFFFFFF  }
0x1f: {  	s28 =	simm.s32 $_size_execute0_lowered;
	s3 =	sadd.s32 s3, s5;
	[dreg:$0x0] =	wrdreg $0x0  }
0x20: {  	s5 =	sshll.u32 s28, $0x1;
	[dreg:$0x2] =	wrdreg s3  }
0x21: {  	[dreg:$0x3] =	wrdreg s5  }
0x22: {  	[dreg:$0x4] =	wrdreg $0xC0  }
0x23: {  	_ =	task [dreg:s7], $0x5FFFF  }
0x24: {  	[dreg:$0x1] =	wrdreg $0xFFFFFFFF  }
0x25: {  	[dreg:$0x0] =	wrdreg $0x60  }
0x26: {  	[dreg:$0x2] =	wrdreg s25  }
0x27: {  	[dreg:$0x3] =	wrdreg s2  }
0x28: {  	[dreg:$0x4] =	wrdreg $0x9  }
0x29: {  	_ =	task.clear_ibuf [dreg:s7], $0x5FFFF;
	_ =	strace $0x90000049  }
0x2a: {  	s29 =	simm.s32 $0x9;
	_ =	strace $0x8000004B  }
0x2b: {  	_ =	swait.ge [sflag:s29], $0x1  }
0x2c: {  	[sflag:s29] =	ssyncadd.s32 $0xFFFFFFFF  }
0x2d: {  	_ =	strace $0x9000004B  }
0x2e: {  	_ =	sfence  }
0x2f: {  	s30 =	sld [smem:$0x0];
	_ =	sdelay $0x2  }
0x30: {  	s31 =	sshll.u32 s1, $0xD;
	s1 =	sshrl.u32 s1, $0x2  }
0x31: {  	s3 =	sand.u32 $0x4000, s31;
	s1 =	sadd.s32 s1, s30  }
0x32: {  	s0 =	sor.u32 s3, s0;
	s1 =	sshll.u32 s1, $0x11  }
0x33: {  	s0 =	sor.u32 s1, s0  }
0x34: {  	s0 =	sadd.s32 $0x8F2B, s0  }
0x35: {  	[sflag:s0] =	ssyncadd.remote.s32 $0x1  }
0x36: {  	_ =	sfence.sel $0xFFFF  }
0x37: {  	[dreg:$0x0] =	wrdreg $0xFFFFFFFF;
	(pc) =	sbr.abs _section_cstart, $3  }
0x38: {  	[dreg:$0x1] =	wrdreg $0xFFFFFFFF  }
0x39: {  	_ =	task.clear_ibuf [dreg:s7], $0x2FFFF;
	_ =	strace $0x9FFFFFFF  }
0x3a: {  	(tm) =	ssettm $0x7FFFFFFF  }
0x3b: {  	_ =	shalt  }
tec
execute0_lowered:
.L_overlay_start_1:
0x0: {  	(tag) =	ssettag $0x1  }
0x1: {  	s0 =	srdreg.scid  }
0x2: {  	s1 =	sshll.u32 s0, $0x4  }
0x3: {  	s4 =	rddreg [dreg:$0x0];
	s0 =	stileid.u32;
	s1 =	sand.u32 $0x10, s1  }
0x4: {  	s2 =	rddreg [dreg:$0x1];
	s7 =	simm.s32 $0x1;
	s1 =	sor.u32 s0, s1  }
0x5: {  	s8 =	simm.s32 $0x2;
	s11 =	simm.s32 $0x0;
	s3 =	sshll.u32 s1, $0x3  }
0x6: {  	s10 =	simm.s32 $0x0;
	s4 =	sadd.s32 $0x800, s4;
	s6 =	ssub.s32 $0x3200, s3  }
.Ltmp0:
0x7: {  	s1 =	rddreg [dreg:$0x2];
	s5 =	sand.u32 $0xF8, s6;
	(pc) =	sbr.rel .LBB1_1-.Ltmp0, $4  }
0x8: {  	_ =	strace $0x8000004A;
	s9 =	smov.u32 s3;
	p0 =	sne.s32 s5, $0x0  }
0x9: {  	s6 =	sshrl.u32 s6, $0x8;
	s5 =	simm.s32 $0x1;
	s7 =	simm.s32 @!p0 $0x0  }
0xa: {  	[sflag:s5] =	ssyncpa.u1 $0x0;
	p0 =	por $0x0, $0x0;
	s6 =	sadd.s32 s7, s6  }
0xb: {  	[sflag:s8] =	ssyncpa.u1 $0x0;
	s8 =	simm.s32 $0x0;
	s7 =	sadd.s32 $0x1, s6  }
.LBB1_7:
0xc: {  	s13 =	sadd.s32 $0x100, s9  }
0xd: {  	p2 =	sgt.s32 s13, $0x31FF  }
0xe: {  	s13 =	smov.u32 @p2 s3;
	p2 =	sne.s32 s10, s7  }
.Ltmp1:
0xf: {  	p1 =	slt.u32 s10, $0x2;
	(pc) =	sbr.rel @!p2 .LBB1_8-.Ltmp1, $4  }
0x10: {  	s12 =	simm.s32 @!p1 $0x2  }
0x11: {  	s14 =	sadd.s32 $0x1, s10;
	_ =	swait.ge @!p1 [sflag:s12], $0x4000  }
0x12: {  	s11 =	smov.u32 s9;
	p0 =	por !p0, !p0;
	[sflag:s12] =	ssyncset.done @!p1 $0x0  }
0x13: {  	s10 =	smov.u32 s14;
	s9 =	smov.u32 s13;
	[sflag:s12] =	ssyncadd.s32 @!p1 $0xFFFFC000  }
.LBB1_1:
0x14: {  	p1 =	sge.u32 s10, s6  }
0x15: {  	s31 =	sadd.s32 $0xFFFFFFFF, s10;
	s12 =	sxor.u32 @!p1 $0xFFFFFFFF, s10  }
0x16: {  	s13 =	sshll.u32 @!p1 s9, $0xB;
	s14 =	simm.s32 @!p1 $0x10;
	s12 =	sshll.u32 @!p1 s12, $0xE  }
0x17: {  	s15 =	simm.s32 @!p1 $0x80;
	s13 =	sadd.s32 @!p1 s4, s13;
	s12 =	sand.u32 @!p1 $0x4000, s12  }
0x18: {  	[tilespmem:s12], [sflag:$0x1] =	stream.strided.gather @!p1 [hbm4b:s13+s14], $0x4000, s15, s14, $0x38;
	[tilespmem:$0x10100] =	vst v63  }
0x19: {  	p1 =	sge.u32 s31, s6  }
.Ltmp2:
0x1a: {  	_ = 	snop;
	(pc) =	sbr.rel @p1 .LBB1_7-.Ltmp2, $1  }
0x1b: {  	_ =	sdelay $0x3  }
0x1c: {  	s13 =	simm.s32 $0x1;
	s14 =	sand.u32 $0x1, s10  }
0x1d: {  	s13 =	simm.s32 @!p0 $0x0;
	s14 =	smul.u32 $0x10200, s14  }
0x1e: {  	_ =	swait.ge [sflag:s5], $0x4000;
	s12 =	smul.u32 $0x10200, s13  }
0x1f: {  	s15 =	simm.s32 $0x0;
	[sflag:s5] =	ssyncset.done $0x0;
	s13 =	sshll.u32 s13, $0xE  }
0x20: {  	[sflag:s5] =	ssyncadd.s32 $0xFFFFC000;
	s14 =	sshrl.u32 s14, $0x2;
	s12 =	sshrl.u32 s12, $0x2  }
0x21: {  	s13 =	sor.u32 $0x40, s13;
	s14 =	sor.u32 $0x8000, s14;
	s12 =	sor.u32 $0x8007, s12  }
.LBB1_3:
0x22: {  	v3 =	vld [tilespmem:s13+$0x30]  }
0x23: {  	v4 =	vld [tilespmem:s13+$0xFFFFFFD0]  }
0x24: {  	v5 =	vld [tilespmem:s13+$0xFFFFFFE0]  }
0x25: {  	v1 =	vld [tilespmem:s13+$0xFFFFFFF0]  }
0x26: {  	v0 =	vld [tilespmem:s13+$0x0]  }
0x27: {  	v2 =	vld [tilespmem:s13+$0x10];
	[tilespmem:s12+$0x0 ss:$0x81] =	vst.msk $0xffff, v3  }
0x28: {  	[tilespmem:s12+$0xFFFFFFFA ss:$0x81] =	vst.msk $0xffff, v4;
	v4 =	vld [tilespmem:s13+$0x20]  }
0x29: {  	s17 =	simm.s32 $0x0;
	s18 =	sadd.s32 $0x80, s13;
	s16 =	smov.u32 s12;
	v3 =	vld [tilespmem:s13+$0xFFFFFFC0];
	[tilespmem:s12+$0xFFFFFFFB ss:$0x81] =	vst.msk $0xffff, v5  }
.LBB1_4:
0x2a: {  	v5 =	vld [tilespmem:s18+$0x30];
	s17 =	sadd.s32 $0x8, s17;
	[tilespmem:s16+$0xFFFFFFFC ss:$0x81] =	vst.msk $0xffff, v1  }
0x2b: {  	v6 =	vld [tilespmem:s18+$0xFFFFFFD0];
	p1 =	slt.u32 s17, $0x78;
	[tilespmem:s16+$0xFFFFFFFD ss:$0x81] =	vst.msk $0xffff, v0  }
0x2c: {  	v7 =	vld [tilespmem:s18+$0xFFFFFFE0];
	[tilespmem:s16+$0xFFFFFFFE ss:$0x81] =	vst.msk $0xffff, v2  }
.Ltmp3:
0x2d: {  	v1 =	vld [tilespmem:s18+$0xFFFFFFF0];
	[tilespmem:s16+$0xFFFFFFFF ss:$0x81] =	vst.msk $0xffff, v4;
	(pc) =	sbr.rel @p1 .LBB1_4-.Ltmp3, $4  }
0x2e: {  	v0 =	vld [tilespmem:s18+$0x0];
	[tilespmem:s16+$0xFFFFFFF9 ss:$0x81] =	vst.msk $0xffff, v3;
	s16 =	sadd.s32 $0x8, s16  }
0x2f: {  	v2 =	vld [tilespmem:s18+$0x10];
	[tilespmem:s16+$0x0 ss:$0x81] =	vst.msk $0xffff, v5  }
0x30: {  	[tilespmem:s16+$0xFFFFFFFA ss:$0x81] =	vst.msk $0xffff, v6;
	v4 =	vld [tilespmem:s18+$0x20]  }
0x31: {  	v3 =	vld [tilespmem:s18+$0xFFFFFFC0];
	[tilespmem:s16+$0xFFFFFFFB ss:$0x81] =	vst.msk $0xffff, v7;
	s18 =	sadd.s32 $0x80, s18  }
0x32: {  	s15 =	sadd.s32 $0x1, s15  }
0x33: {  	p1 =	sne.s32 s15, $0x8  }
.Ltmp4:
0x34: {  	[tilespmem:s16+$0xFFFFFFFC ss:$0x81] =	vst.msk $0xffff, v1;
	(pc) =	sbr.rel @p1 .LBB1_3-.Ltmp4, $4  }
0x35: {  	[tilespmem:s16+$0xFFFFFFFD ss:$0x81] =	vst.msk $0xffff, v0  }
0x36: {  	[tilespmem:s16+$0xFFFFFFFE ss:$0x81] =	vst.msk $0xffff, v2  }
0x37: {  	[tilespmem:s16+$0xFFFFFFFF ss:$0x81] =	vst.msk $0xffff, v4  }
0x38: {  	s12 =	sadd.s32 $0x810, s12;
	s13 =	sadd.s32 $0x800, s13;
	[tilespmem:s16+$0xFFFFFFF9 ss:$0x81] =	vst.msk $0xffff, v3  }
.Ltmp5:
0x39: {  	(pc) =	sbr.rel .LBB1_7-.Ltmp5, $4  }
0x3a: {  	_ = 	snop  }
0x3b: {  	s11 =	sshll.u32 s11, $0x8  }
0x3c: {  	s11 =	sadd.s32 s2, s11  }
0x3d: {  	[hbm4b:s11+s8] =	stream.linear.scatter [tilespmem:s14], [sflag:$0x2], $0x4000, $0x20;
	[tilespmem:$0x10100] =	vst v63  }
.LBB1_8:
0x3e: {  	_ =	sfence.sel $0x180000  }
0x3f: {  	s2 =	simm.s32 $0x1;
	[bflag:$0x0] =	sbarrier.arrive $0xFFFF  }
0x40: {  	s31 =	simm.s32 $0x2;
	[sflag:s2] =	ssyncpa.u1 $0x1  }
0x41: {  	[sflag:s31] =	ssyncpa.u1 $0x1  }
0x42: {  	p0 =	sne.s32 s0, $0x0;
	_ =	strace $0x9000004A  }
0x43: {  	s0 =	sadd.s32 @!p0 $0x100000, s1;
	[bflag:$0x2] =	sbarrier.arrive $0xFFFF  }
0x44: {  	[sflag:s0] =	ssyncadd.tile.s32 @!p0 $0x1;
	_ =	shalt  }
.Lfunc_end1:
_tile_overlayer_lowered:
.L_overlay_start_2:
0x45: {  	(tag) =	ssettag $0x2  }
0x46: {  	s0 =	rddreg [dreg:$0x0];
	s2 =	stileid.u32  }
0x47: {  	s1 =	rddreg [dreg:$0x1];
	p0 =	sne.s32 s2, $0x0  }
0x48: {  	s3 =	rddreg [dreg:$0x2];
	[bflag:$0x3] =	sbarrier.arrive $0xFFFF;
	s2 =	simm.s32 @!p0 $0x1C01  }
0x49: {  	[timem:s3], [sflag:s2] =	dma.local @!p0 [hbm:s0], s1  }
0x4a: {  	s0 =	simm.s32 @!p0 $0x1  }
0x4b: {  	_ =	swait.ge @!p0 [sflag:s0], s1  }
0x4c: {  	s1 =	ssub.s32 @!p0 $0x0, s1;
	[sflag:s0] =	ssyncset.done @!p0 $0x0  }
0x4d: {  	[sflag:s0] =	ssyncadd.s32 @!p0 s1  }
0x4e: {  	[bflag:$0x3] =	sbarrier.arrive $0xFFFF  }
0x4f: {  	_ =	shalt  }

</sc_bundles>
